<compile_context>
chip_gen: v7x
topology: tpu7x:2x2x1
jax: 0.10.2.dev20260603
libtpu: 0.0.44.dev20260713+nightly
codegen_flags: <defaults>
</compile_context>

<pallas_src>
import functools

import jax
import jax.numpy as jnp
from jax import lax
from jax.experimental import pallas as pl
from jax.experimental.pallas import tpu as pltpu
from jax.experimental.pallas import tpu_sc as plsc

EMB = 128
NC, NS, L = 2, 16, 16
NW = NC * NS
CHUNK = 128
NBUF = 5
AHEAD = 3
UNROLL = 8


@functools.lru_cache(maxsize=None)
def _build(total_rows, seq_len):
    chunks_per_w = total_rows // (NW * CHUNK)
    rows_per_w = chunks_per_w * CHUNK
    rounds = chunks_per_w // NBUF
    lag = NBUF - AHEAD
    mesh = plsc.VectorSubcoreMesh(
        core_axis_name="c", subcore_axis_name="s",
        num_cores=NC, num_subcores=NS)

    @functools.partial(
        pl.kernel,
        out_type=jax.ShapeDtypeStruct((total_rows, EMB), jnp.float32),
        mesh=mesh,
        scratch_types=(
            [pltpu.VMEM((chunks_per_w, CHUNK), jnp.int32),
             pltpu.VMEM((seq_len, EMB), jnp.float32)]
            + [pltpu.VMEM((CHUNK, EMB), jnp.float32)] * NBUF
            + [pltpu.SemaphoreType.DMA] * (2 * NBUF + 1)
        ),
    )
    def k(table_hbm, idx_hbm, pe_hbm, out_hbm, idx_v, pe_v, *scratch):
        bufs = scratch[:NBUF]
        gsems = scratch[NBUF:2 * NBUF]
        osems = scratch[2 * NBUF:3 * NBUF]
        pesem = scratch[3 * NBUF]
        wid = lax.axis_index("s") * NC + lax.axis_index("c")
        rbase = wid * rows_per_w
        pltpu.sync_copy(idx_hbm.at[wid], idx_v)
        pe_copy = pltpu.make_async_copy(pe_hbm, pe_v, pesem)
        pe_copy.start()

        def gd(b, c):
            return pltpu.make_async_copy(
                table_hbm.at[idx_v.at[c]], bufs[b], gsems[b])

        def od(b, c):
            return pltpu.make_async_copy(
                bufs[b], out_hbm.at[pl.ds(rbase + c * CHUNK, CHUNK)],
                osems[b])

        def add_pe(buf, c):
            base = c * CHUNK

            @plsc.parallel_loop(0, CHUNK, step=1, unroll=UNROLL)
            def _(j):
                p = lax.rem(base + j, seq_len)
                for kk in range(EMB // L):
                    sl = pl.ds(kk * L, L)
                    buf[j, sl] = buf[j, sl] + pe_v[p, sl]

        for b in range(NBUF):
            gd(b, b).start()
        pe_copy.wait()

        def round_body(r, acc):
            c0 = r * NBUF
            for b in range(NBUF):
                c = c0 + b
                gd(b, c).wait()
                add_pe(bufs[b], c)
                od(b, c).start()
                bb = (b + AHEAD) % NBUF

                @pl.when(jnp.logical_and(c >= lag,
                                         c <= chunks_per_w - 1 - AHEAD))
                def _():
                    od(bb, c - lag).wait()
                    gd(bb, c + AHEAD).start()

            return acc

        lax.fori_loop(0, rounds, round_body, 0)
        for i in range(NBUF):
            c = chunks_per_w - NBUF + i
            od(c % NBUF, c).wait()

    return k


def kernel(x, table, pe):
    b, s = x.shape
    idx = x.reshape(-1).astype(jnp.int32).reshape(NW, -1, CHUNK)
    pe2 = pe[0, :s, :]
    out = _build(b * s, s)(table, idx, pe2)
    return out.reshape(b, s, EMB)

# --- scband reference (transcript-rebuilt; emitter-appended) ---
"""Pipeline reference for scband-encoder-positional-encoding-27556510171155 (READ-ONLY COPY).

The authoritative reference and input builder live on the scoring server;
editing this copy changes nothing except your own understanding.
"""

import jax, jax.numpy as jnp
import numpy as np

VOCAB = 100000
EMB = 128
MAX_LEN = 512
BATCH = 1024
SEQ = 200
PAD_IDX = 1

def setup_inputs(seed: int = 0) -> dict:
    key = jax.random.key(seed)
    k_x, k_tab, k_pe = jax.random.split(key, 3)
    x = jax.random.randint(k_x, (BATCH, SEQ), 0, VOCAB, dtype=jnp.int64) if jax.config.jax_enable_x64 else jax.random.randint(k_x, (BATCH, SEQ), 0, VOCAB, dtype=jnp.int32)
    table = jax.random.normal(k_tab, (VOCAB, EMB), dtype=jnp.float32)
    # nn.Embedding with padding_idx=1 zeros that row at init
    table = table.at[PAD_IDX].set(0.0)
    # sinusoidal-style positional encoding buffer [1, MAX_LEN, EMB]
    pos = np.arange(MAX_LEN)[:, None].astype(np.float32)
    div = np.exp(np.arange(0, EMB, 2).astype(np.float32) * (-np.log(10000.0) / EMB))
    pe_np = np.zeros((MAX_LEN, EMB), dtype=np.float32)
    pe_np[:, 0::2] = np.sin(pos * div)
    pe_np[:, 1::2] = np.cos(pos * div)
    pe = jnp.asarray(pe_np)[None, :, :]
    return {"x": x, "table": table, "pe": pe}

def reference(x, table, pe):
    # x_emb = self.src_embedding(x)
    x_emb = jnp.take(table, x, axis=0)  # [B, L, EMB] gather
    # x = x_emb + self.positional_encoding[:, :x_emb.size(1)]
    out = x_emb + pe[:, : x_emb.shape[1]]
    # dropout is identity in eval mode
    return out

if __name__ == "__main__":
    import jax
    _d = setup_inputs()
    print(jax.jit(kernel)(*tuple(_d.values())))

</pallas_src>

<mosaic_0001>
#map = affine_map<(d0, d1) -> (0, 0)>
#map1 = affine_map<(d0, d1) -> (0, 0, 0)>
module attributes {stable_mosaic.version = 14 : i64} {
  func.func @k(%arg0: i32, %arg1: i32, %arg2: memref<100000x128xf32, #tpu.memory_space<hbm>>, %arg3: memref<32x50x128xi32, #tpu.memory_space<hbm>>, %arg4: memref<200x128xf32, #tpu.memory_space<hbm>>, %arg5: memref<204800x128xf32, #tpu.memory_space<hbm>>, %arg6: memref<50x128xi32, #tpu.memory_space<vmem>>, %arg7: memref<200x128xf32, #tpu.memory_space<vmem>>, %arg8: memref<128x128xf32, #tpu.memory_space<vmem>>, %arg9: memref<128x128xf32, #tpu.memory_space<vmem>>, %arg10: memref<128x128xf32, #tpu.memory_space<vmem>>, %arg11: memref<128x128xf32, #tpu.memory_space<vmem>>, %arg12: memref<128x128xf32, #tpu.memory_space<vmem>>, %arg13: memref<!tpu.dma_semaphore, #tpu.memory_space<semaphore_mem>>, %arg14: memref<!tpu.dma_semaphore, #tpu.memory_space<semaphore_mem>>, %arg15: memref<!tpu.dma_semaphore, #tpu.memory_space<semaphore_mem>>, %arg16: memref<!tpu.dma_semaphore, #tpu.memory_space<semaphore_mem>>, %arg17: memref<!tpu.dma_semaphore, #tpu.memory_space<semaphore_mem>>, %arg18: memref<!tpu.dma_semaphore, #tpu.memory_space<semaphore_mem>>, %arg19: memref<!tpu.dma_semaphore, #tpu.memory_space<semaphore_mem>>, %arg20: memref<!tpu.dma_semaphore, #tpu.memory_space<semaphore_mem>>, %arg21: memref<!tpu.dma_semaphore, #tpu.memory_space<semaphore_mem>>, %arg22: memref<!tpu.dma_semaphore, #tpu.memory_space<semaphore_mem>>, %arg23: memref<!tpu.dma_semaphore, #tpu.memory_space<semaphore_mem>>) attributes {dimension_semantics = [#tpu.dimension_semantics<core_parallel>, #tpu.dimension_semantics<subcore_parallel>], iteration_bounds = array<i64: 2, 16>, scalar_prefetch = 0 : i64, scratch_operands = 18 : i64, tpu.core_type = #tpu.core_type<sc_vector_subcore>, window_params = [{transform_indices = #map}, {transform_indices = #map1}, {transform_indices = #map}, {transform_indices = #map}]} {
    %mul3A = arith.constant 2 : i32
    %mul3A_0 = arith.muli %arg1, %mul3A : i32
    %add3A = arith.addi %mul3A_0, %arg0 : i32
    %mul3A_1 = arith.constant 6400 : i32
    %mul3A_2 = arith.muli %add3A, %mul3A_1 : i32
    "tpu.region"() ({
      %run_scoped3A = tpu.sem_alloc : memref<!tpu.dma_semaphore, #tpu.memory_space<semaphore_mem>>
      %dma_start3A_71 = arith.constant 0 : i32
      %dma_start3A_72 = arith.constant 0 : i32
      %dma_start3A_73 = tpu.memref_slice %arg3[%add3A, %dma_start3A_71, %dma_start3A_72] : memref<32x50x128xi32, #tpu.memory_space<hbm>> -> memref<1x50x128xi32, #tpu.memory_space<hbm>>
      %dma_start3A_74 = tpu.memref_squeeze %dma_start3A_73 : memref<1x50x128xi32, #tpu.memory_space<hbm>> -> memref<50x128xi32, #tpu.memory_space<hbm>>
      %dma_start3A_75 = arith.constant 0 : i32
      %dma_start3A_76 = arith.constant 0 : i32
      %dma_start3A_77 = tpu.memref_slice %arg3[%add3A, %dma_start3A_75, %dma_start3A_76] : memref<32x50x128xi32, #tpu.memory_space<hbm>> -> memref<1x50x128xi32, #tpu.memory_space<hbm>>
      %dma_start3A_78 = tpu.memref_squeeze %dma_start3A_77 : memref<1x50x128xi32, #tpu.memory_space<hbm>> -> memref<50x128xi32, #tpu.memory_space<hbm>>
      tpu.enqueue_dma source(%dma_start3A_78 : memref<50x128xi32, #tpu.memory_space<hbm>>) target(%arg6 : memref<50x128xi32, #tpu.memory_space<vmem>>) target_semaphore(%run_scoped3A : memref<!tpu.dma_semaphore, #tpu.memory_space<semaphore_mem>>)
      %dma_wait3A_79 = arith.constant 0 : i32
      %dma_wait3A_80 = arith.constant 0 : i32
      %dma_wait3A_81 = tpu.memref_slice %arg3[%add3A, %dma_wait3A_79, %dma_wait3A_80] : memref<32x50x128xi32, #tpu.memory_space<hbm>> -> memref<1x50x128xi32, #tpu.memory_space<hbm>>
      %dma_wait3A_82 = tpu.memref_squeeze %dma_wait3A_81 : memref<1x50x128xi32, #tpu.memory_space<hbm>> -> memref<50x128xi32, #tpu.memory_space<hbm>>
      %dma_wait3A_83 = arith.constant 0 : i32
      %dma_wait3A_84 = arith.constant 0 : i32
      %dma_wait3A_85 = tpu.memref_slice %arg3[%add3A, %dma_wait3A_83, %dma_wait3A_84] : memref<32x50x128xi32, #tpu.memory_space<hbm>> -> memref<1x50x128xi32, #tpu.memory_space<hbm>>
      %dma_wait3A_86 = tpu.memref_squeeze %dma_wait3A_85 : memref<1x50x128xi32, #tpu.memory_space<hbm>> -> memref<50x128xi32, #tpu.memory_space<hbm>>
      tpu.wait_dma2 semaphore(%run_scoped3A : memref<!tpu.dma_semaphore, #tpu.memory_space<semaphore_mem>>) src(%dma_wait3A_86 : memref<50x128xi32, #tpu.memory_space<hbm>>) dst(%arg6 : memref<50x128xi32, #tpu.memory_space<vmem>>)
      tpu.yield
    }) : () -> ()
    tpu.enqueue_dma source(%arg4 : memref<200x128xf32, #tpu.memory_space<hbm>>) target(%arg7 : memref<200x128xf32, #tpu.memory_space<vmem>>) target_semaphore(%arg23 : memref<!tpu.dma_semaphore, #tpu.memory_space<semaphore_mem>>)
    %dma_start3A = arith.constant 0 : i32
    %dma_start3A_3 = arith.constant 0 : i32
    %dma_start3A_4 = tpu.memref_slice %arg6[%dma_start3A, %dma_start3A_3] : memref<50x128xi32, #tpu.memory_space<vmem>> -> memref<1x128xi32, #tpu.memory_space<vmem>>
    %dma_start3A_5 = tpu.memref_squeeze %dma_start3A_4 : memref<1x128xi32, #tpu.memory_space<vmem>> -> memref<128xi32, #tpu.memory_space<vmem>>
    %dma_start3A_6 = arith.constant 0 : i32
    %dma_start3A_7 = arith.constant 0 : i32
    %dma_start3A_8 = tpu.memref_slice %arg2[%dma_start3A_6, %dma_start3A_7] : memref<100000x128xf32, #tpu.memory_space<hbm>> -> memref<100000x128xf32, #tpu.memory_space<hbm>>
    tpu.enqueue_indirect_dma source(%dma_start3A_8 : memref<100000x128xf32, #tpu.memory_space<hbm>>) target(%arg8 : memref<128x128xf32, #tpu.memory_space<vmem>>) offsets(%dma_start3A_5 : memref<128xi32, #tpu.memory_space<vmem>>) semaphore(%arg13 : memref<!tpu.dma_semaphore, #tpu.memory_space<semaphore_mem>>)
    %dma_start3A_9 = arith.constant 1 : i32
    %dma_start3A_10 = arith.constant 0 : i32
    %dma_start3A_11 = tpu.memref_slice %arg6[%dma_start3A_9, %dma_start3A_10] : memref<50x128xi32, #tpu.memory_space<vmem>> -> memref<1x128xi32, #tpu.memory_space<vmem>>
    %dma_start3A_12 = tpu.memref_squeeze %dma_start3A_11 : memref<1x128xi32, #tpu.memory_space<vmem>> -> memref<128xi32, #tpu.memory_space<vmem>>
    %dma_start3A_13 = arith.constant 0 : i32
    %dma_start3A_14 = arith.constant 0 : i32
    %dma_start3A_15 = tpu.memref_slice %arg2[%dma_start3A_13, %dma_start3A_14] : memref<100000x128xf32, #tpu.memory_space<hbm>> -> memref<100000x128xf32, #tpu.memory_space<hbm>>
    tpu.enqueue_indirect_dma source(%dma_start3A_15 : memref<100000x128xf32, #tpu.memory_space<hbm>>) target(%arg9 : memref<128x128xf32, #tpu.memory_space<vmem>>) offsets(%dma_start3A_12 : memref<128xi32, #tpu.memory_space<vmem>>) semaphore(%arg14 : memref<!tpu.dma_semaphore, #tpu.memory_space<semaphore_mem>>)
    %dma_start3A_16 = arith.constant 2 : i32
    %dma_start3A_17 = arith.constant 0 : i32
    %dma_start3A_18 = tpu.memref_slice %arg6[%dma_start3A_16, %dma_start3A_17] : memref<50x128xi32, #tpu.memory_space<vmem>> -> memref<1x128xi32, #tpu.memory_space<vmem>>
    %dma_start3A_19 = tpu.memref_squeeze %dma_start3A_18 : memref<1x128xi32, #tpu.memory_space<vmem>> -> memref<128xi32, #tpu.memory_space<vmem>>
    %dma_start3A_20 = arith.constant 0 : i32
    %dma_start3A_21 = arith.constant 0 : i32
    %dma_start3A_22 = tpu.memref_slice %arg2[%dma_start3A_20, %dma_start3A_21] : memref<100000x128xf32, #tpu.memory_space<hbm>> -> memref<100000x128xf32, #tpu.memory_space<hbm>>
    tpu.enqueue_indirect_dma source(%dma_start3A_22 : memref<100000x128xf32, #tpu.memory_space<hbm>>) target(%arg10 : memref<128x128xf32, #tpu.memory_space<vmem>>) offsets(%dma_start3A_19 : memref<128xi32, #tpu.memory_space<vmem>>) semaphore(%arg15 : memref<!tpu.dma_semaphore, #tpu.memory_space<semaphore_mem>>)
    %dma_start3A_23 = arith.constant 3 : i32
    %dma_start3A_24 = arith.constant 0 : i32
    %dma_start3A_25 = tpu.memref_slice %arg6[%dma_start3A_23, %dma_start3A_24] : memref<50x128xi32, #tpu.memory_space<vmem>> -> memref<1x128xi32, #tpu.memory_space<vmem>>
    %dma_start3A_26 = tpu.memref_squeeze %dma_start3A_25 : memref<1x128xi32, #tpu.memory_space<vmem>> -> memref<128xi32, #tpu.memory_space<vmem>>
    %dma_start3A_27 = arith.constant 0 : i32
    %dma_start3A_28 = arith.constant 0 : i32
    %dma_start3A_29 = tpu.memref_slice %arg2[%dma_start3A_27, %dma_start3A_28] : memref<100000x128xf32, #tpu.memory_space<hbm>> -> memref<100000x128xf32, #tpu.memory_space<hbm>>
    tpu.enqueue_indirect_dma source(%dma_start3A_29 : memref<100000x128xf32, #tpu.memory_space<hbm>>) target(%arg11 : memref<128x128xf32, #tpu.memory_space<vmem>>) offsets(%dma_start3A_26 : memref<128xi32, #tpu.memory_space<vmem>>) semaphore(%arg16 : memref<!tpu.dma_semaphore, #tpu.memory_space<semaphore_mem>>)
    %dma_start3A_30 = arith.constant 4 : i32
    %dma_start3A_31 = arith.constant 0 : i32
    %dma_start3A_32 = tpu.memref_slice %arg6[%dma_start3A_30, %dma_start3A_31] : memref<50x128xi32, #tpu.memory_space<vmem>> -> memref<1x128xi32, #tpu.memory_space<vmem>>
    %dma_start3A_33 = tpu.memref_squeeze %dma_start3A_32 : memref<1x128xi32, #tpu.memory_space<vmem>> -> memref<128xi32, #tpu.memory_space<vmem>>
    %dma_start3A_34 = arith.constant 0 : i32
    %dma_start3A_35 = arith.constant 0 : i32
    %dma_start3A_36 = tpu.memref_slice %arg2[%dma_start3A_34, %dma_start3A_35] : memref<100000x128xf32, #tpu.memory_space<hbm>> -> memref<100000x128xf32, #tpu.memory_space<hbm>>
    tpu.enqueue_indirect_dma source(%dma_start3A_36 : memref<100000x128xf32, #tpu.memory_space<hbm>>) target(%arg12 : memref<128x128xf32, #tpu.memory_space<vmem>>) offsets(%dma_start3A_33 : memref<128xi32, #tpu.memory_space<vmem>>) semaphore(%arg17 : memref<!tpu.dma_semaphore, #tpu.memory_space<semaphore_mem>>)
    tpu.wait_dma2 semaphore(%arg23 : memref<!tpu.dma_semaphore, #tpu.memory_space<semaphore_mem>>) src(%arg4 : memref<200x128xf32, #tpu.memory_space<hbm>>) dst(%arg7 : memref<200x128xf32, #tpu.memory_space<vmem>>)
    %scan3A = arith.constant 0 : i32
    %scan3A_37 = arith.constant 0 : i32
    %scan3A_38 = arith.constant 10 : i32
    %scan3A_39 = arith.addi %scan3A_37, %scan3A_38 : i32
    %scan3A_40 = arith.constant 1 : i32
    scf.for %scan3A_71 = %scan3A_37 to %scan3A_39 step %scan3A_40  : i32 {
      %mul3A_72 = arith.constant 5 : i32
      %mul3A_73 = arith.muli %scan3A_71, %mul3A_72 : i32
      %add3A_74 = arith.constant 0 : i32
      %add3A_75 = arith.addi %mul3A_73, %add3A_74 : i32
      %dma_wait3A_76 = arith.constant 0 : i32
      %dma_wait3A_77 = tpu.memref_slice %arg6[%add3A_75, %dma_wait3A_76] : memref<50x128xi32, #tpu.memory_space<vmem>> -> memref<1x128xi32, #tpu.memory_space<vmem>>
      %dma_wait3A_78 = tpu.memref_squeeze %dma_wait3A_77 : memref<1x128xi32, #tpu.memory_space<vmem>> -> memref<128xi32, #tpu.memory_space<vmem>>
      %dma_wait3A_79 = arith.constant 0 : i32
      %dma_wait3A_80 = arith.constant 0 : i32
      %dma_wait3A_81 = tpu.memref_slice %arg2[%dma_wait3A_79, %dma_wait3A_80] : memref<100000x128xf32, #tpu.memory_space<hbm>> -> memref<100000x128xf32, #tpu.memory_space<hbm>>
      tpu.wait_indirect_dma semaphore(%arg13 : memref<!tpu.dma_semaphore, #tpu.memory_space<semaphore_mem>>) src(%dma_wait3A_81 : memref<100000x128xf32, #tpu.memory_space<hbm>>) dst(%arg8 : memref<128x128xf32, #tpu.memory_space<vmem>>)
      %mul3A_82 = arith.constant 128 : i32
      %mul3A_83 = arith.muli %add3A_75, %mul3A_82 : i32
      %parallel_loop3A = arith.constant 0 : i32
      %parallel_loop3A_84 = arith.constant 128 : i32
      %parallel_loop3A_85 = arith.constant 1 : i32
      scf.for %parallel_loop3A_208 = %parallel_loop3A to %parallel_loop3A_84 step %parallel_loop3A_85  : i32 {
        %parallel_loop3A_209 = arith.addi %mul3A_83, %parallel_loop3A_208 : i32
        %parallel_loop3A_210 = arith.constant 200 : i32
        %parallel_loop3A_211 = arith.remsi %parallel_loop3A_209, %parallel_loop3A_210 : i32
        %parallel_loop3A_212 = arith.index_cast %parallel_loop3A_208 : i32 to index
        %parallel_loop3A_213 = arith.constant 0 : index
        %parallel_loop3A_214 = tpu.vector_load %arg8[%parallel_loop3A_212, %parallel_loop3A_213] {strides = array<i32>} : memref<128x128xf32, #tpu.memory_space<vmem>>, vector<1x16xf32>,
        %parallel_loop3A_215 = vector.shape_cast %parallel_loop3A_214 : vector<1x16xf32> to vector<16xf32>
        %parallel_loop3A_216 = arith.index_cast %parallel_loop3A_211 : i32 to index
        %parallel_loop3A_217 = arith.constant 0 : index
        %parallel_loop3A_218 = tpu.vector_load %arg7[%parallel_loop3A_216, %parallel_loop3A_217] {strides = array<i32>} : memref<200x128xf32, #tpu.memory_space<vmem>>, vector<1x16xf32>,
        %parallel_loop3A_219 = vector.shape_cast %parallel_loop3A_218 : vector<1x16xf32> to vector<16xf32>
        %parallel_loop3A_220 = arith.addf %parallel_loop3A_215, %parallel_loop3A_219 : vector<16xf32>
        %parallel_loop3A_221 = arith.index_cast %parallel_loop3A_208 : i32 to index
        %parallel_loop3A_222 = arith.constant 0 : index
        %parallel_loop3A_223 = tpu.vector_load %arg8[%parallel_loop3A_221, %parallel_loop3A_222] {strides = array<i32>} : memref<128x128xf32, #tpu.memory_space<vmem>>, vector<1x16xf32>,
        %parallel_loop3A_224 = vector.shape_cast %parallel_loop3A_223 : vector<1x16xf32> to vector<16xf32>
        %parallel_loop3A_225 = vector.shape_cast %parallel_loop3A_220 : vector<16xf32> to vector<1x16xf32>
        tpu.vector_store %arg8[%parallel_loop3A_221, %parallel_loop3A_222], %parallel_loop3A_225 {strides = array<i32>} : memref<128x128xf32, #tpu.memory_space<vmem>>, vector<1x16xf32>,
        %parallel_loop3A_226 = arith.index_cast %parallel_loop3A_208 : i32 to index
        %parallel_loop3A_227 = arith.constant 16 : index
        %parallel_loop3A_228 = tpu.vector_load %arg8[%parallel_loop3A_226, %parallel_loop3A_227] {strides = array<i32>} : memref<128x128xf32, #tpu.memory_space<vmem>>, vector<1x16xf32>,
        %parallel_loop3A_229 = vector.shape_cast %parallel_loop3A_228 : vector<1x16xf32> to vector<16xf32>
        %parallel_loop3A_230 = arith.index_cast %parallel_loop3A_211 : i32 to index
        %parallel_loop3A_231 = arith.constant 16 : index
        %parallel_loop3A_232 = tpu.vector_load %arg7[%parallel_loop3A_230, %parallel_loop3A_231] {strides = array<i32>} : memref<200x128xf32, #tpu.memory_space<vmem>>, vector<1x16xf32>,
        %parallel_loop3A_233 = vector.shape_cast %parallel_loop3A_232 : vector<1x16xf32> to vector<16xf32>
        %parallel_loop3A_234 = arith.addf %parallel_loop3A_229, %parallel_loop3A_233 : vector<16xf32>
        %parallel_loop3A_235 = arith.index_cast %parallel_loop3A_208 : i32 to index
        %parallel_loop3A_236 = arith.constant 16 : index
        %parallel_loop3A_237 = tpu.vector_load %arg8[%parallel_loop3A_235, %parallel_loop3A_236] {strides = array<i32>} : memref<128x128xf32, #tpu.memory_space<vmem>>, vector<1x16xf32>,
        %parallel_loop3A_238 = vector.shape_cast %parallel_loop3A_237 : vector<1x16xf32> to vector<16xf32>
        %parallel_loop3A_239 = vector.shape_cast %parallel_loop3A_234 : vector<16xf32> to vector<1x16xf32>
        tpu.vector_store %arg8[%parallel_loop3A_235, %parallel_loop3A_236], %parallel_loop3A_239 {strides = array<i32>} : memref<128x128xf32, #tpu.memory_space<vmem>>, vector<1x16xf32>,
        %parallel_loop3A_240 = arith.index_cast %parallel_loop3A_208 : i32 to index
        %parallel_loop3A_241 = arith.constant 32 : index
        %parallel_loop3A_242 = tpu.vector_load %arg8[%parallel_loop3A_240, %parallel_loop3A_241] {strides = array<i32>} : memref<128x128xf32, #tpu.memory_space<vmem>>, vector<1x16xf32>,
        %parallel_loop3A_243 = vector.shape_cast %parallel_loop3A_242 : vector<1x16xf32> to vector<16xf32>
        %parallel_loop3A_244 = arith.index_cast %parallel_loop3A_211 : i32 to index
        %parallel_loop3A_245 = arith.constant 32 : index
        %parallel_loop3A_246 = tpu.vector_load %arg7[%parallel_loop3A_244, %parallel_loop3A_245] {strides = array<i32>} : memref<200x128xf32, #tpu.memory_space<vmem>>, vector<1x16xf32>,
        %parallel_loop3A_247 = vector.shape_cast %parallel_loop3A_246 : vector<1x16xf32> to vector<16xf32>
        %parallel_loop3A_248 = arith.addf %parallel_loop3A_243, %parallel_loop3A_247 : vector<16xf32>
        %parallel_loop3A_249 = arith.index_cast %parallel_loop3A_208 : i32 to index
        %parallel_loop3A_250 = arith.constant 32 : index
        %parallel_loop3A_251 = tpu.vector_load %arg8[%parallel_loop3A_249, %parallel_loop3A_250] {strides = array<i32>} : memref<128x128xf32, #tpu.memory_space<vmem>>, vector<1x16xf32>,
        %parallel_loop3A_252 = vector.shape_cast %parallel_loop3A_251 : vector<1x16xf32> to vector<16xf32>
        %parallel_loop3A_253 = vector.shape_cast %parallel_loop3A_248 : vector<16xf32> to vector<1x16xf32>
        tpu.vector_store %arg8[%parallel_loop3A_249, %parallel_loop3A_250], %parallel_loop3A_253 {strides = array<i32>} : memref<128x128xf32, #tpu.memory_space<vmem>>, vector<1x16xf32>,
        %parallel_loop3A_254 = arith.index_cast %parallel_loop3A_208 : i32 to index
        %parallel_loop3A_255 = arith.constant 48 : index
        %parallel_loop3A_256 = tpu.vector_load %arg8[%parallel_loop3A_254, %parallel_loop3A_255] {strides = array<i32>} : memref<128x128xf32, #tpu.memory_space<vmem>>, vector<1x16xf32>,
        %parallel_loop3A_257 = vector.shape_cast %parallel_loop3A_256 : vector<1x16xf32> to vector<16xf32>
        %parallel_loop3A_258 = arith.index_cast %parallel_loop3A_211 : i32 to index
        %parallel_loop3A_259 = arith.constant 48 : index
        %parallel_loop3A_260 = tpu.vector_load %arg7[%parallel_loop3A_258, %parallel_loop3A_259] {strides = array<i32>} : memref<200x128xf32, #tpu.memory_space<vmem>>, vector<1x16xf32>,
        %parallel_loop3A_261 = vector.shape_cast %parallel_loop3A_260 : vector<1x16xf32> to vector<16xf32>
        %parallel_loop3A_262 = arith.addf %parallel_loop3A_257, %parallel_loop3A_261 : vector<16xf32>
        %parallel_loop3A_263 = arith.index_cast %parallel_loop3A_208 : i32 to index
        %parallel_loop3A_264 = arith.constant 48 : index
        %parallel_loop3A_265 = tpu.vector_load %arg8[%parallel_loop3A_263, %parallel_loop3A_264] {strides = array<i32>} : memref<128x128xf32, #tpu.memory_space<vmem>>, vector<1x16xf32>,
        %parallel_loop3A_266 = vector.shape_cast %parallel_loop3A_265 : vector<1x16xf32> to vector<16xf32>
        %parallel_loop3A_267 = vector.shape_cast %parallel_loop3A_262 : vector<16xf32> to vector<1x16xf32>
        tpu.vector_store %arg8[%parallel_loop3A_263, %parallel_loop3A_264], %parallel_loop3A_267 {strides = array<i32>} : memref<128x128xf32, #tpu.memory_space<vmem>>, vector<1x16xf32>,
        %parallel_loop3A_268 = arith.index_cast %parallel_loop3A_208 : i32 to index
        %parallel_loop3A_269 = arith.constant 64 : index
        %parallel_loop3A_270 = tpu.vector_load %arg8[%parallel_loop3A_268, %parallel_loop3A_269] {strides = array<i32>} : memref<128x128xf32, #tpu.memory_space<vmem>>, vector<1x16xf32>,
        %parallel_loop3A_271 = vector.shape_cast %parallel_loop3A_270 : vector<1x16xf32> to vector<16xf32>
        %parallel_loop3A_272 = arith.index_cast %parallel_loop3A_211 : i32 to index
        %parallel_loop3A_273 = arith.constant 64 : index
        %parallel_loop3A_274 = tpu.vector_load %arg7[%parallel_loop3A_272, %parallel_loop3A_273] {strides = array<i32>} : memref<200x128xf32, #tpu.memory_space<vmem>>, vector<1x16xf32>,
        %parallel_loop3A_275 = vector.shape_cast %parallel_loop3A_274 : vector<1x16xf32> to vector<16xf32>
        %parallel_loop3A_276 = arith.addf %parallel_loop3A_271, %parallel_loop3A_275 : vector<16xf32>
        %parallel_loop3A_277 = arith.index_cast %parallel_loop3A_208 : i32 to index
        %parallel_loop3A_278 = arith.constant 64 : index
        %parallel_loop3A_279 = tpu.vector_load %arg8[%parallel_loop3A_277, %parallel_loop3A_278] {strides = array<i32>} : memref<128x128xf32, #tpu.memory_space<vmem>>, vector<1x16xf32>,
        %parallel_loop3A_280 = vector.shape_cast %parallel_loop3A_279 : vector<1x16xf32> to vector<16xf32>
        %parallel_loop3A_281 = vector.shape_cast %parallel_loop3A_276 : vector<16xf32> to vector<1x16xf32>
        tpu.vector_store %arg8[%parallel_loop3A_277, %parallel_loop3A_278], %parallel_loop3A_281 {strides = array<i32>} : memref<128x128xf32, #tpu.memory_space<vmem>>, vector<1x16xf32>,
        %parallel_loop3A_282 = arith.index_cast %parallel_loop3A_208 : i32 to index
        %parallel_loop3A_283 = arith.constant 80 : index
        %parallel_loop3A_284 = tpu.vector_load %arg8[%parallel_loop3A_282, %parallel_loop3A_283] {strides = array<i32>} : memref<128x128xf32, #tpu.memory_space<vmem>>, vector<1x16xf32>,
        %parallel_loop3A_285 = vector.shape_cast %parallel_loop3A_284 : vector<1x16xf32> to vector<16xf32>
        %parallel_loop3A_286 = arith.index_cast %parallel_loop3A_211 : i32 to index
        %parallel_loop3A_287 = arith.constant 80 : index
        %parallel_loop3A_288 = tpu.vector_load %arg7[%parallel_loop3A_286, %parallel_loop3A_287] {strides = array<i32>} : memref<200x128xf32, #tpu.memory_space<vmem>>, vector<1x16xf32>,
        %parallel_loop3A_289 = vector.shape_cast %parallel_loop3A_288 : vector<1x16xf32> to vector<16xf32>
        %parallel_loop3A_290 = arith.addf %parallel_loop3A_285, %parallel_loop3A_289 : vector<16xf32>
        %parallel_loop3A_291 = arith.index_cast %parallel_loop3A_208 : i32 to index
        %parallel_loop3A_292 = arith.constant 80 : index
        %parallel_loop3A_293 = tpu.vector_load %arg8[%parallel_loop3A_291, %parallel_loop3A_292] {strides = array<i32>} : memref<128x128xf32, #tpu.memory_space<vmem>>, vector<1x16xf32>,
        %parallel_loop3A_294 = vector.shape_cast %parallel_loop3A_293 : vector<1x16xf32> to vector<16xf32>
        %parallel_loop3A_295 = vector.shape_cast %parallel_loop3A_290 : vector<16xf32> to vector<1x16xf32>
        tpu.vector_store %arg8[%parallel_loop3A_291, %parallel_loop3A_292], %parallel_loop3A_295 {strides = array<i32>} : memref<128x128xf32, #tpu.memory_space<vmem>>, vector<1x16xf32>,
        %parallel_loop3A_296 = arith.index_cast %parallel_loop3A_208 : i32 to index
        %parallel_loop3A_297 = arith.constant 96 : index
        %parallel_loop3A_298 = tpu.vector_load %arg8[%parallel_loop3A_296, %parallel_loop3A_297] {strides = array<i32>} : memref<128x128xf32, #tpu.memory_space<vmem>>, vector<1x16xf32>,
        %parallel_loop3A_299 = vector.shape_cast %parallel_loop3A_298 : vector<1x16xf32> to vector<16xf32>
        %parallel_loop3A_300 = arith.index_cast %parallel_loop3A_211 : i32 to index
        %parallel_loop3A_301 = arith.constant 96 : index
        %parallel_loop3A_302 = tpu.vector_load %arg7[%parallel_loop3A_300, %parallel_loop3A_301] {strides = array<i32>} : memref<200x128xf32, #tpu.memory_space<vmem>>, vector<1x16xf32>,
        %parallel_loop3A_303 = vector.shape_cast %parallel_loop3A_302 : vector<1x16xf32> to vector<16xf32>
        %parallel_loop3A_304 = arith.addf %parallel_loop3A_299, %parallel_loop3A_303 : vector<16xf32>
        %parallel_loop3A_305 = arith.index_cast %parallel_loop3A_208 : i32 to index
        %parallel_loop3A_306 = arith.constant 96 : index
        %parallel_loop3A_307 = tpu.vector_load %arg8[%parallel_loop3A_305, %parallel_loop3A_306] {strides = array<i32>} : memref<128x128xf32, #tpu.memory_space<vmem>>, vector<1x16xf32>,
        %parallel_loop3A_308 = vector.shape_cast %parallel_loop3A_307 : vector<1x16xf32> to vector<16xf32>
        %parallel_loop3A_309 = vector.shape_cast %parallel_loop3A_304 : vector<16xf32> to vector<1x16xf32>
        tpu.vector_store %arg8[%parallel_loop3A_305, %parallel_loop3A_306], %parallel_loop3A_309 {strides = array<i32>} : memref<128x128xf32, #tpu.memory_space<vmem>>, vector<1x16xf32>,
        %parallel_loop3A_310 = arith.index_cast %parallel_loop3A_208 : i32 to index
        %parallel_loop3A_311 = arith.constant 112 : index
        %parallel_loop3A_312 = tpu.vector_load %arg8[%parallel_loop3A_310, %parallel_loop3A_311] {strides = array<i32>} : memref<128x128xf32, #tpu.memory_space<vmem>>, vector<1x16xf32>,
        %parallel_loop3A_313 = vector.shape_cast %parallel_loop3A_312 : vector<1x16xf32> to vector<16xf32>
        %parallel_loop3A_314 = arith.index_cast %parallel_loop3A_211 : i32 to index
        %parallel_loop3A_315 = arith.constant 112 : index
        %parallel_loop3A_316 = tpu.vector_load %arg7[%parallel_loop3A_314, %parallel_loop3A_315] {strides = array<i32>} : memref<200x128xf32, #tpu.memory_space<vmem>>, vector<1x16xf32>,
        %parallel_loop3A_317 = vector.shape_cast %parallel_loop3A_316 : vector<1x16xf32> to vector<16xf32>
        %parallel_loop3A_318 = arith.addf %parallel_loop3A_313, %parallel_loop3A_317 : vector<16xf32>
        %parallel_loop3A_319 = arith.index_cast %parallel_loop3A_208 : i32 to index
        %parallel_loop3A_320 = arith.constant 112 : index
        %parallel_loop3A_321 = tpu.vector_load %arg8[%parallel_loop3A_319, %parallel_loop3A_320] {strides = array<i32>} : memref<128x128xf32, #tpu.memory_space<vmem>>, vector<1x16xf32>,
        %parallel_loop3A_322 = vector.shape_cast %parallel_loop3A_321 : vector<1x16xf32> to vector<16xf32>
        %parallel_loop3A_323 = vector.shape_cast %parallel_loop3A_318 : vector<16xf32> to vector<1x16xf32>
        tpu.vector_store %arg8[%parallel_loop3A_319, %parallel_loop3A_320], %parallel_loop3A_323 {strides = array<i32>} : memref<128x128xf32, #tpu.memory_space<vmem>>, vector<1x16xf32>,
      } {sc.loop_unroll_factor = 8 : i64, sc.parallel_access}
      %mul3A_86 = arith.constant 128 : i32
      %mul3A_87 = arith.muli %add3A_75, %mul3A_86 : i32
      %add3A_88 = arith.addi %mul3A_2, %mul3A_87 : i32
      %dma_start3A_89 = arith.constant 0 : i32
      %dma_start3A_90 = tpu.memref_slice %arg5[%add3A_88, %dma_start3A_89] : memref<204800x128xf32, #tpu.memory_space<hbm>> -> memref<128x128xf32, #tpu.memory_space<hbm>>
      %dma_start3A_91 = arith.constant 0 : i32
      %dma_start3A_92 = tpu.memref_slice %arg5[%add3A_88, %dma_start3A_91] : memref<204800x128xf32, #tpu.memory_space<hbm>> -> memref<128x128xf32, #tpu.memory_space<hbm>>
      tpu.enqueue_dma source(%arg8 : memref<128x128xf32, #tpu.memory_space<vmem>>) target(%dma_start3A_92 : memref<128x128xf32, #tpu.memory_space<hbm>>) target_semaphore(%arg18 : memref<!tpu.dma_semaphore, #tpu.memory_space<semaphore_mem>>)
      %ge3A = arith.constant 2 : i32
      %ge3A_93 = arith.cmpi sge, %add3A_75, %ge3A : i32
      %le3A = arith.constant 46 : i32
      %le3A_94 = arith.cmpi sle, %add3A_75, %le3A : i32
      %and3A = arith.andi %ge3A_93, %le3A_94 : i1
      %convert_element_type3A = arith.extui %and3A : i1 to i32
      %cond3A = arith.constant 0 : i32
      %cond3A_95 = arith.cmpi ne, %convert_element_type3A, %cond3A : i32
      scf.if %cond3A_95 {
        %sub3A = arith.constant 2 : i32
        %sub3A_208 = arith.subi %add3A_75, %sub3A : i32
        %mul3A_209 = arith.constant 128 : i32
        %mul3A_210 = arith.muli %sub3A_208, %mul3A_209 : i32
        %add3A_211 = arith.addi %mul3A_2, %mul3A_210 : i32
        %dma_wait3A_212 = arith.constant 0 : i32
        %dma_wait3A_213 = tpu.memref_slice %arg5[%add3A_211, %dma_wait3A_212] : memref<204800x128xf32, #tpu.memory_space<hbm>> -> memref<128x128xf32, #tpu.memory_space<hbm>>
        %dma_wait3A_214 = arith.constant 0 : i32
        %dma_wait3A_215 = tpu.memref_slice %arg5[%add3A_211, %dma_wait3A_214] : memref<204800x128xf32, #tpu.memory_space<hbm>> -> memref<128x128xf32, #tpu.memory_space<hbm>>
        tpu.wait_dma2 semaphore(%arg21 : memref<!tpu.dma_semaphore, #tpu.memory_space<semaphore_mem>>) src(%arg11 : memref<128x128xf32, #tpu.memory_space<vmem>>) dst(%dma_wait3A_215 : memref<128x128xf32, #tpu.memory_space<hbm>>)
        %add3A_216 = arith.constant 3 : i32
        %add3A_217 = arith.addi %add3A_75, %add3A_216 : i32
        %dma_start3A_218 = arith.constant 0 : i32
        %dma_start3A_219 = tpu.memref_slice %arg6[%add3A_217, %dma_start3A_218] : memref<50x128xi32, #tpu.memory_space<vmem>> -> memref<1x128xi32, #tpu.memory_space<vmem>>
        %dma_start3A_220 = tpu.memref_squeeze %dma_start3A_219 : memref<1x128xi32, #tpu.memory_space<vmem>> -> memref<128xi32, #tpu.memory_space<vmem>>
        %dma_start3A_221 = arith.constant 0 : i32
        %dma_start3A_222 = arith.constant 0 : i32
        %dma_start3A_223 = tpu.memref_slice %arg2[%dma_start3A_221, %dma_start3A_222] : memref<100000x128xf32, #tpu.memory_space<hbm>> -> memref<100000x128xf32, #tpu.memory_space<hbm>>
        tpu.enqueue_indirect_dma source(%dma_start3A_223 : memref<100000x128xf32, #tpu.memory_space<hbm>>) target(%arg11 : memref<128x128xf32, #tpu.memory_space<vmem>>) offsets(%dma_start3A_220 : memref<128xi32, #tpu.memory_space<vmem>>) semaphore(%arg16 : memref<!tpu.dma_semaphore, #tpu.memory_space<semaphore_mem>>)
      } else {
      }
      %add3A_96 = arith.constant 1 : i32
      %add3A_97 = arith.addi %mul3A_73, %add3A_96 : i32
      %dma_wait3A_98 = arith.constant 0 : i32
      %dma_wait3A_99 = tpu.memref_slice %arg6[%add3A_97, %dma_wait3A_98] : memref<50x128xi32, #tpu.memory_space<vmem>> -> memref<1x128xi32, #tpu.memory_space<vmem>>
      %dma_wait3A_100 = tpu.memref_squeeze %dma_wait3A_99 : memref<1x128xi32, #tpu.memory_space<vmem>> -> memref<128xi32, #tpu.memory_space<vmem>>
      %dma_wait3A_101 = arith.constant 0 : i32
      %dma_wait3A_102 = arith.constant 0 : i32
      %dma_wait3A_103 = tpu.memref_slice %arg2[%dma_wait3A_101, %dma_wait3A_102] : memref<100000x128xf32, #tpu.memory_space<hbm>> -> memref<100000x128xf32, #tpu.memory_space<hbm>>
      tpu.wait_indirect_dma semaphore(%arg14 : memref<!tpu.dma_semaphore, #tpu.memory_space<semaphore_mem>>) src(%dma_wait3A_103 : memref<100000x128xf32, #tpu.memory_space<hbm>>) dst(%arg9 : memref<128x128xf32, #tpu.memory_space<vmem>>)
      %mul3A_104 = arith.constant 128 : i32
      %mul3A_105 = arith.muli %add3A_97, %mul3A_104 : i32
      %parallel_loop3A_106 = arith.constant 0 : i32
      %parallel_loop3A_107 = arith.constant 128 : i32
      %parallel_loop3A_108 = arith.constant 1 : i32
      scf.for %parallel_loop3A_208 = %parallel_loop3A_106 to %parallel_loop3A_107 step %parallel_loop3A_108  : i32 {
        %parallel_loop3A_209 = arith.addi %mul3A_105, %parallel_loop3A_208 : i32
        %parallel_loop3A_210 = arith.constant 200 : i32
        %parallel_loop3A_211 = arith.remsi %parallel_loop3A_209, %parallel_loop3A_210 : i32
        %parallel_loop3A_212 = arith.index_cast %parallel_loop3A_208 : i32 to index
        %parallel_loop3A_213 = arith.constant 0 : index
        %parallel_loop3A_214 = tpu.vector_load %arg9[%parallel_loop3A_212, %parallel_loop3A_213] {strides = array<i32>} : memref<128x128xf32, #tpu.memory_space<vmem>>, vector<1x16xf32>,
        %parallel_loop3A_215 = vector.shape_cast %parallel_loop3A_214 : vector<1x16xf32> to vector<16xf32>
        %parallel_loop3A_216 = arith.index_cast %parallel_loop3A_211 : i32 to index
        %parallel_loop3A_217 = arith.constant 0 : index
        %parallel_loop3A_218 = tpu.vector_load %arg7[%parallel_loop3A_216, %parallel_loop3A_217] {strides = array<i32>} : memref<200x128xf32, #tpu.memory_space<vmem>>, vector<1x16xf32>,
        %parallel_loop3A_219 = vector.shape_cast %parallel_loop3A_218 : vector<1x16xf32> to vector<16xf32>
        %parallel_loop3A_220 = arith.addf %parallel_loop3A_215, %parallel_loop3A_219 : vector<16xf32>
        %parallel_loop3A_221 = arith.index_cast %parallel_loop3A_208 : i32 to index
        %parallel_loop3A_222 = arith.constant 0 : index
        %parallel_loop3A_223 = tpu.vector_load %arg9[%parallel_loop3A_221, %parallel_loop3A_222] {strides = array<i32>} : memref<128x128xf32, #tpu.memory_space<vmem>>, vector<1x16xf32>,
        %parallel_loop3A_224 = vector.shape_cast %parallel_loop3A_223 : vector<1x16xf32> to vector<16xf32>
        %parallel_loop3A_225 = vector.shape_cast %parallel_loop3A_220 : vector<16xf32> to vector<1x16xf32>
        tpu.vector_store %arg9[%parallel_loop3A_221, %parallel_loop3A_222], %parallel_loop3A_225 {strides = array<i32>} : memref<128x128xf32, #tpu.memory_space<vmem>>, vector<1x16xf32>,
        %parallel_loop3A_226 = arith.index_cast %parallel_loop3A_208 : i32 to index
        %parallel_loop3A_227 = arith.constant 16 : index
        %parallel_loop3A_228 = tpu.vector_load %arg9[%parallel_loop3A_226, %parallel_loop3A_227] {strides = array<i32>} : memref<128x128xf32, #tpu.memory_space<vmem>>, vector<1x16xf32>,
        %parallel_loop3A_229 = vector.shape_cast %parallel_loop3A_228 : vector<1x16xf32> to vector<16xf32>
        %parallel_loop3A_230 = arith.index_cast %parallel_loop3A_211 : i32 to index
        %parallel_loop3A_231 = arith.constant 16 : index
        %parallel_loop3A_232 = tpu.vector_load %arg7[%parallel_loop3A_230, %parallel_loop3A_231] {strides = array<i32>} : memref<200x128xf32, #tpu.memory_space<vmem>>, vector<1x16xf32>,
        %parallel_loop3A_233 = vector.shape_cast %parallel_loop3A_232 : vector<1x16xf32> to vector<16xf32>
        %parallel_loop3A_234 = arith.addf %parallel_loop3A_229, %parallel_loop3A_233 : vector<16xf32>
        %parallel_loop3A_235 = arith.index_cast %parallel_loop3A_208 : i32 to index
        %parallel_loop3A_236 = arith.constant 16 : index
        %parallel_loop3A_237 = tpu.vector_load %arg9[%parallel_loop3A_235, %parallel_loop3A_236] {strides = array<i32>} : memref<128x128xf32, #tpu.memory_space<vmem>>, vector<1x16xf32>,
        %parallel_loop3A_238 = vector.shape_cast %parallel_loop3A_237 : vector<1x16xf32> to vector<16xf32>
        %parallel_loop3A_239 = vector.shape_cast %parallel_loop3A_234 : vector<16xf32> to vector<1x16xf32>
        tpu.vector_store %arg9[%parallel_loop3A_235, %parallel_loop3A_236], %parallel_loop3A_239 {strides = array<i32>} : memref<128x128xf32, #tpu.memory_space<vmem>>, vector<1x16xf32>,
        %parallel_loop3A_240 = arith.index_cast %parallel_loop3A_208 : i32 to index
        %parallel_loop3A_241 = arith.constant 32 : index
        %parallel_loop3A_242 = tpu.vector_load %arg9[%parallel_loop3A_240, %parallel_loop3A_241] {strides = array<i32>} : memref<128x128xf32, #tpu.memory_space<vmem>>, vector<1x16xf32>,
        %parallel_loop3A_243 = vector.shape_cast %parallel_loop3A_242 : vector<1x16xf32> to vector<16xf32>
        %parallel_loop3A_244 = arith.index_cast %parallel_loop3A_211 : i32 to index
        %parallel_loop3A_245 = arith.constant 32 : index
        %parallel_loop3A_246 = tpu.vector_load %arg7[%parallel_loop3A_244, %parallel_loop3A_245] {strides = array<i32>} : memref<200x128xf32, #tpu.memory_space<vmem>>, vector<1x16xf32>,
        %parallel_loop3A_247 = vector.shape_cast %parallel_loop3A_246 : vector<1x16xf32> to vector<16xf32>
        %parallel_loop3A_248 = arith.addf %parallel_loop3A_243, %parallel_loop3A_247 : vector<16xf32>
        %parallel_loop3A_249 = arith.index_cast %parallel_loop3A_208 : i32 to index
        %parallel_loop3A_250 = arith.constant 32 : index
        %parallel_loop3A_251 = tpu.vector_load %arg9[%parallel_loop3A_249, %parallel_loop3A_250] {strides = array<i32>} : memref<128x128xf32, #tpu.memory_space<vmem>>, vector<1x16xf32>,
        %parallel_loop3A_252 = vector.shape_cast %parallel_loop3A_251 : vector<1x16xf32> to vector<16xf32>
        %parallel_loop3A_253 = vector.shape_cast %parallel_loop3A_248 : vector<16xf32> to vector<1x16xf32>
        tpu.vector_store %arg9[%parallel_loop3A_249, %parallel_loop3A_250], %parallel_loop3A_253 {strides = array<i32>} : memref<128x128xf32, #tpu.memory_space<vmem>>, vector<1x16xf32>,
        %parallel_loop3A_254 = arith.index_cast %parallel_loop3A_208 : i32 to index
        %parallel_loop3A_255 = arith.constant 48 : index
        %parallel_loop3A_256 = tpu.vector_load %arg9[%parallel_loop3A_254, %parallel_loop3A_255] {strides = array<i32>} : memref<128x128xf32, #tpu.memory_space<vmem>>, vector<1x16xf32>,
        %parallel_loop3A_257 = vector.shape_cast %parallel_loop3A_256 : vector<1x16xf32> to vector<16xf32>
        %parallel_loop3A_258 = arith.index_cast %parallel_loop3A_211 : i32 to index
        %parallel_loop3A_259 = arith.constant 48 : index
        %parallel_loop3A_260 = tpu.vector_load %arg7[%parallel_loop3A_258, %parallel_loop3A_259] {strides = array<i32>} : memref<200x128xf32, #tpu.memory_space<vmem>>, vector<1x16xf32>,
        %parallel_loop3A_261 = vector.shape_cast %parallel_loop3A_260 : vector<1x16xf32> to vector<16xf32>
        %parallel_loop3A_262 = arith.addf %parallel_loop3A_257, %parallel_loop3A_261 : vector<16xf32>
        %parallel_loop3A_263 = arith.index_cast %parallel_loop3A_208 : i32 to index
        %parallel_loop3A_264 = arith.constant 48 : index
        %parallel_loop3A_265 = tpu.vector_load %arg9[%parallel_loop3A_263, %parallel_loop3A_264] {strides = array<i32>} : memref<128x128xf32, #tpu.memory_space<vmem>>, vector<1x16xf32>,
        %parallel_loop3A_266 = vector.shape_cast %parallel_loop3A_265 : vector<1x16xf32> to vector<16xf32>
        %parallel_loop3A_267 = vector.shape_cast %parallel_loop3A_262 : vector<16xf32> to vector<1x16xf32>
        tpu.vector_store %arg9[%parallel_loop3A_263, %parallel_loop3A_264], %parallel_loop3A_267 {strides = array<i32>} : memref<128x128xf32, #tpu.memory_space<vmem>>, vector<1x16xf32>,
        %parallel_loop3A_268 = arith.index_cast %parallel_loop3A_208 : i32 to index
        %parallel_loop3A_269 = arith.constant 64 : index
        %parallel_loop3A_270 = tpu.vector_load %arg9[%parallel_loop3A_268, %parallel_loop3A_269] {strides = array<i32>} : memref<128x128xf32, #tpu.memory_space<vmem>>, vector<1x16xf32>,
        %parallel_loop3A_271 = vector.shape_cast %parallel_loop3A_270 : vector<1x16xf32> to vector<16xf32>
        %parallel_loop3A_272 = arith.index_cast %parallel_loop3A_211 : i32 to index
        %parallel_loop3A_273 = arith.constant 64 : index
        %parallel_loop3A_274 = tpu.vector_load %arg7[%parallel_loop3A_272, %parallel_loop3A_273] {strides = array<i32>} : memref<200x128xf32, #tpu.memory_space<vmem>>, vector<1x16xf32>,
        %parallel_loop3A_275 = vector.shape_cast %parallel_loop3A_274 : vector<1x16xf32> to vector<16xf32>
        %parallel_loop3A_276 = arith.addf %parallel_loop3A_271, %parallel_loop3A_275 : vector<16xf32>
        %parallel_loop3A_277 = arith.index_cast %parallel_loop3A_208 : i32 to index
        %parallel_loop3A_278 = arith.constant 64 : index
        %parallel_loop3A_279 = tpu.vector_load %arg9[%parallel_loop3A_277, %parallel_loop3A_278] {strides = array<i32>} : memref<128x128xf32, #tpu.memory_space<vmem>>, vector<1x16xf32>,
        %parallel_loop3A_280 = vector.shape_cast %parallel_loop3A_279 : vector<1x16xf32> to vector<16xf32>
        %parallel_loop3A_281 = vector.shape_cast %parallel_loop3A_276 : vector<16xf32> to vector<1x16xf32>
        tpu.vector_store %arg9[%parallel_loop3A_277, %parallel_loop3A_278], %parallel_loop3A_281 {strides = array<i32>} : memref<128x128xf32, #tpu.memory_space<vmem>>, vector<1x16xf32>,
        %parallel_loop3A_282 = arith.index_cast %parallel_loop3A_208 : i32 to index
        %parallel_loop3A_283 = arith.constant 80 : index
        %parallel_loop3A_284 = tpu.vector_load %arg9[%parallel_loop3A_282, %parallel_loop3A_283] {strides = array<i32>} : memref<128x128xf32, #tpu.memory_space<vmem>>, vector<1x16xf32>,
        %parallel_loop3A_285 = vector.shape_cast %parallel_loop3A_284 : vector<1x16xf32> to vector<16xf32>
        %parallel_loop3A_286 = arith.index_cast %parallel_loop3A_211 : i32 to index
        %parallel_loop3A_287 = arith.constant 80 : index
        %parallel_loop3A_288 = tpu.vector_load %arg7[%parallel_loop3A_286, %parallel_loop3A_287] {strides = array<i32>} : memref<200x128xf32, #tpu.memory_space<vmem>>, vector<1x16xf32>,
        %parallel_loop3A_289 = vector.shape_cast %parallel_loop3A_288 : vector<1x16xf32> to vector<16xf32>
        %parallel_loop3A_290 = arith.addf %parallel_loop3A_285, %parallel_loop3A_289 : vector<16xf32>
        %parallel_loop3A_291 = arith.index_cast %parallel_loop3A_208 : i32 to index
        %parallel_loop3A_292 = arith.constant 80 : index
        %parallel_loop3A_293 = tpu.vector_load %arg9[%parallel_loop3A_291, %parallel_loop3A_292] {strides = array<i32>} : memref<128x128xf32, #tpu.memory_space<vmem>>, vector<1x16xf32>,
        %parallel_loop3A_294 = vector.shape_cast %parallel_loop3A_293 : vector<1x16xf32> to vector<16xf32>
        %parallel_loop3A_295 = vector.shape_cast %parallel_loop3A_290 : vector<16xf32> to vector<1x16xf32>
        tpu.vector_store %arg9[%parallel_loop3A_291, %parallel_loop3A_292], %parallel_loop3A_295 {strides = array<i32>} : memref<128x128xf32, #tpu.memory_space<vmem>>, vector<1x16xf32>,
        %parallel_loop3A_296 = arith.index_cast %parallel_loop3A_208 : i32 to index
        %parallel_loop3A_297 = arith.constant 96 : index
        %parallel_loop3A_298 = tpu.vector_load %arg9[%parallel_loop3A_296, %parallel_loop3A_297] {strides = array<i32>} : memref<128x128xf32, #tpu.memory_space<vmem>>, vector<1x16xf32>,
        %parallel_loop3A_299 = vector.shape_cast %parallel_loop3A_298 : vector<1x16xf32> to vector<16xf32>
        %parallel_loop3A_300 = arith.index_cast %parallel_loop3A_211 : i32 to index
        %parallel_loop3A_301 = arith.constant 96 : index
        %parallel_loop3A_302 = tpu.vector_load %arg7[%parallel_loop3A_300, %parallel_loop3A_301] {strides = array<i32>} : memref<200x128xf32, #tpu.memory_space<vmem>>, vector<1x16xf32>,
        %parallel_loop3A_303 = vector.shape_cast %parallel_loop3A_302 : vector<1x16xf32> to vector<16xf32>
        %parallel_loop3A_304 = arith.addf %parallel_loop3A_299, %parallel_loop3A_303 : vector<16xf32>
        %parallel_loop3A_305 = arith.index_cast %parallel_loop3A_208 : i32 to index
        %parallel_loop3A_306 = arith.constant 96 : index
        %parallel_loop3A_307 = tpu.vector_load %arg9[%parallel_loop3A_305, %parallel_loop3A_306] {strides = array<i32>} : memref<128x128xf32, #tpu.memory_space<vmem>>, vector<1x16xf32>,
        %parallel_loop3A_308 = vector.shape_cast %parallel_loop3A_307 : vector<1x16xf32> to vector<16xf32>
        %parallel_loop3A_309 = vector.shape_cast %parallel_loop3A_304 : vector<16xf32> to vector<1x16xf32>
        tpu.vector_store %arg9[%parallel_loop3A_305, %parallel_loop3A_306], %parallel_loop3A_309 {strides = array<i32>} : memref<128x128xf32, #tpu.memory_space<vmem>>, vector<1x16xf32>,
        %parallel_loop3A_310 = arith.index_cast %parallel_loop3A_208 : i32 to index
        %parallel_loop3A_311 = arith.constant 112 : index
        %parallel_loop3A_312 = tpu.vector_load %arg9[%parallel_loop3A_310, %parallel_loop3A_311] {strides = array<i32>} : memref<128x128xf32, #tpu.memory_space<vmem>>, vector<1x16xf32>,
        %parallel_loop3A_313 = vector.shape_cast %parallel_loop3A_312 : vector<1x16xf32> to vector<16xf32>
        %parallel_loop3A_314 = arith.index_cast %parallel_loop3A_211 : i32 to index
        %parallel_loop3A_315 = arith.constant 112 : index
        %parallel_loop3A_316 = tpu.vector_load %arg7[%parallel_loop3A_314, %parallel_loop3A_315] {strides = array<i32>} : memref<200x128xf32, #tpu.memory_space<vmem>>, vector<1x16xf32>,
        %parallel_loop3A_317 = vector.shape_cast %parallel_loop3A_316 : vector<1x16xf32> to vector<16xf32>
        %parallel_loop3A_318 = arith.addf %parallel_loop3A_313, %parallel_loop3A_317 : vector<16xf32>
        %parallel_loop3A_319 = arith.index_cast %parallel_loop3A_208 : i32 to index
        %parallel_loop3A_320 = arith.constant 112 : index
        %parallel_loop3A_321 = tpu.vector_load %arg9[%parallel_loop3A_319, %parallel_loop3A_320] {strides = array<i32>} : memref<128x128xf32, #tpu.memory_space<vmem>>, vector<1x16xf32>,
        %parallel_loop3A_322 = vector.shape_cast %parallel_loop3A_321 : vector<1x16xf32> to vector<16xf32>
        %parallel_loop3A_323 = vector.shape_cast %parallel_loop3A_318 : vector<16xf32> to vector<1x16xf32>
        tpu.vector_store %arg9[%parallel_loop3A_319, %parallel_loop3A_320], %parallel_loop3A_323 {strides = array<i32>} : memref<128x128xf32, #tpu.memory_space<vmem>>, vector<1x16xf32>,
      } {sc.loop_unroll_factor = 8 : i64, sc.parallel_access}
      %mul3A_109 = arith.constant 128 : i32
      %mul3A_110 = arith.muli %add3A_97, %mul3A_109 : i32
      %add3A_111 = arith.addi %mul3A_2, %mul3A_110 : i32
      %dma_start3A_112 = arith.constant 0 : i32
      %dma_start3A_113 = tpu.memref_slice %arg5[%add3A_111, %dma_start3A_112] : memref<204800x128xf32, #tpu.memory_space<hbm>> -> memref<128x128xf32, #tpu.memory_space<hbm>>
      %dma_start3A_114 = arith.constant 0 : i32
      %dma_start3A_115 = tpu.memref_slice %arg5[%add3A_111, %dma_start3A_114] : memref<204800x128xf32, #tpu.memory_space<hbm>> -> memref<128x128xf32, #tpu.memory_space<hbm>>
      tpu.enqueue_dma source(%arg9 : memref<128x128xf32, #tpu.memory_space<vmem>>) target(%dma_start3A_115 : memref<128x128xf32, #tpu.memory_space<hbm>>) target_semaphore(%arg19 : memref<!tpu.dma_semaphore, #tpu.memory_space<semaphore_mem>>)
      %ge3A_116 = arith.constant 2 : i32
      %ge3A_117 = arith.cmpi sge, %add3A_97, %ge3A_116 : i32
      %le3A_118 = arith.constant 46 : i32
      %le3A_119 = arith.cmpi sle, %add3A_97, %le3A_118 : i32
      %and3A_120 = arith.andi %ge3A_117, %le3A_119 : i1
      %convert_element_type3A_121 = arith.extui %and3A_120 : i1 to i32
      %cond3A_122 = arith.constant 0 : i32
      %cond3A_123 = arith.cmpi ne, %convert_element_type3A_121, %cond3A_122 : i32
      scf.if %cond3A_123 {
        %sub3A = arith.constant 2 : i32
        %sub3A_208 = arith.subi %add3A_97, %sub3A : i32
        %mul3A_209 = arith.constant 128 : i32
        %mul3A_210 = arith.muli %sub3A_208, %mul3A_209 : i32
        %add3A_211 = arith.addi %mul3A_2, %mul3A_210 : i32
        %dma_wait3A_212 = arith.constant 0 : i32
        %dma_wait3A_213 = tpu.memref_slice %arg5[%add3A_211, %dma_wait3A_212] : memref<204800x128xf32, #tpu.memory_space<hbm>> -> memref<128x128xf32, #tpu.memory_space<hbm>>
        %dma_wait3A_214 = arith.constant 0 : i32
        %dma_wait3A_215 = tpu.memref_slice %arg5[%add3A_211, %dma_wait3A_214] : memref<204800x128xf32, #tpu.memory_space<hbm>> -> memref<128x128xf32, #tpu.memory_space<hbm>>
        tpu.wait_dma2 semaphore(%arg22 : memref<!tpu.dma_semaphore, #tpu.memory_space<semaphore_mem>>) src(%arg12 : memref<128x128xf32, #tpu.memory_space<vmem>>) dst(%dma_wait3A_215 : memref<128x128xf32, #tpu.memory_space<hbm>>)
        %add3A_216 = arith.constant 3 : i32
        %add3A_217 = arith.addi %add3A_97, %add3A_216 : i32
        %dma_start3A_218 = arith.constant 0 : i32
        %dma_start3A_219 = tpu.memref_slice %arg6[%add3A_217, %dma_start3A_218] : memref<50x128xi32, #tpu.memory_space<vmem>> -> memref<1x128xi32, #tpu.memory_space<vmem>>
        %dma_start3A_220 = tpu.memref_squeeze %dma_start3A_219 : memref<1x128xi32, #tpu.memory_space<vmem>> -> memref<128xi32, #tpu.memory_space<vmem>>
        %dma_start3A_221 = arith.constant 0 : i32
        %dma_start3A_222 = arith.constant 0 : i32
        %dma_start3A_223 = tpu.memref_slice %arg2[%dma_start3A_221, %dma_start3A_222] : memref<100000x128xf32, #tpu.memory_space<hbm>> -> memref<100000x128xf32, #tpu.memory_space<hbm>>
        tpu.enqueue_indirect_dma source(%dma_start3A_223 : memref<100000x128xf32, #tpu.memory_space<hbm>>) target(%arg12 : memref<128x128xf32, #tpu.memory_space<vmem>>) offsets(%dma_start3A_220 : memref<128xi32, #tpu.memory_space<vmem>>) semaphore(%arg17 : memref<!tpu.dma_semaphore, #tpu.memory_space<semaphore_mem>>)
      } else {
      }
      %add3A_124 = arith.constant 2 : i32
      %add3A_125 = arith.addi %mul3A_73, %add3A_124 : i32
      %dma_wait3A_126 = arith.constant 0 : i32
      %dma_wait3A_127 = tpu.memref_slice %arg6[%add3A_125, %dma_wait3A_126] : memref<50x128xi32, #tpu.memory_space<vmem>> -> memref<1x128xi32, #tpu.memory_space<vmem>>
      %dma_wait3A_128 = tpu.memref_squeeze %dma_wait3A_127 : memref<1x128xi32, #tpu.memory_space<vmem>> -> memref<128xi32, #tpu.memory_space<vmem>>
      %dma_wait3A_129 = arith.constant 0 : i32
      %dma_wait3A_130 = arith.constant 0 : i32
      %dma_wait3A_131 = tpu.memref_slice %arg2[%dma_wait3A_129, %dma_wait3A_130] : memref<100000x128xf32, #tpu.memory_space<hbm>> -> memref<100000x128xf32, #tpu.memory_space<hbm>>
      tpu.wait_indirect_dma semaphore(%arg15 : memref<!tpu.dma_semaphore, #tpu.memory_space<semaphore_mem>>) src(%dma_wait3A_131 : memref<100000x128xf32, #tpu.memory_space<hbm>>) dst(%arg10 : memref<128x128xf32, #tpu.memory_space<vmem>>)
      %mul3A_132 = arith.constant 128 : i32
      %mul3A_133 = arith.muli %add3A_125, %mul3A_132 : i32
      %parallel_loop3A_134 = arith.constant 0 : i32
      %parallel_loop3A_135 = arith.constant 128 : i32
      %parallel_loop3A_136 = arith.constant 1 : i32
      scf.for %parallel_loop3A_208 = %parallel_loop3A_134 to %parallel_loop3A_135 step %parallel_loop3A_136  : i32 {
        %parallel_loop3A_209 = arith.addi %mul3A_133, %parallel_loop3A_208 : i32
        %parallel_loop3A_210 = arith.constant 200 : i32
        %parallel_loop3A_211 = arith.remsi %parallel_loop3A_209, %parallel_loop3A_210 : i32
        %parallel_loop3A_212 = arith.index_cast %parallel_loop3A_208 : i32 to index
        %parallel_loop3A_213 = arith.constant 0 : index
        %parallel_loop3A_214 = tpu.vector_load %arg10[%parallel_loop3A_212, %parallel_loop3A_213] {strides = array<i32>} : memref<128x128xf32, #tpu.memory_space<vmem>>, vector<1x16xf32>,
        %parallel_loop3A_215 = vector.shape_cast %parallel_loop3A_214 : vector<1x16xf32> to vector<16xf32>
        %parallel_loop3A_216 = arith.index_cast %parallel_loop3A_211 : i32 to index
        %parallel_loop3A_217 = arith.constant 0 : index
        %parallel_loop3A_218 = tpu.vector_load %arg7[%parallel_loop3A_216, %parallel_loop3A_217] {strides = array<i32>} : memref<200x128xf32, #tpu.memory_space<vmem>>, vector<1x16xf32>,
        %parallel_loop3A_219 = vector.shape_cast %parallel_loop3A_218 : vector<1x16xf32> to vector<16xf32>
        %parallel_loop3A_220 = arith.addf %parallel_loop3A_215, %parallel_loop3A_219 : vector<16xf32>
        %parallel_loop3A_221 = arith.index_cast %parallel_loop3A_208 : i32 to index
        %parallel_loop3A_222 = arith.constant 0 : index
        %parallel_loop3A_223 = tpu.vector_load %arg10[%parallel_loop3A_221, %parallel_loop3A_222] {strides = array<i32>} : memref<128x128xf32, #tpu.memory_space<vmem>>, vector<1x16xf32>,
        %parallel_loop3A_224 = vector.shape_cast %parallel_loop3A_223 : vector<1x16xf32> to vector<16xf32>
        %parallel_loop3A_225 = vector.shape_cast %parallel_loop3A_220 : vector<16xf32> to vector<1x16xf32>
        tpu.vector_store %arg10[%parallel_loop3A_221, %parallel_loop3A_222], %parallel_loop3A_225 {strides = array<i32>} : memref<128x128xf32, #tpu.memory_space<vmem>>, vector<1x16xf32>,
        %parallel_loop3A_226 = arith.index_cast %parallel_loop3A_208 : i32 to index
        %parallel_loop3A_227 = arith.constant 16 : index
        %parallel_loop3A_228 = tpu.vector_load %arg10[%parallel_loop3A_226, %parallel_loop3A_227] {strides = array<i32>} : memref<128x128xf32, #tpu.memory_space<vmem>>, vector<1x16xf32>,
        %parallel_loop3A_229 = vector.shape_cast %parallel_loop3A_228 : vector<1x16xf32> to vector<16xf32>
        %parallel_loop3A_230 = arith.index_cast %parallel_loop3A_211 : i32 to index
        %parallel_loop3A_231 = arith.constant 16 : index
        %parallel_loop3A_232 = tpu.vector_load %arg7[%parallel_loop3A_230, %parallel_loop3A_231] {strides = array<i32>} : memref<200x128xf32, #tpu.memory_space<vmem>>, vector<1x16xf32>,
        %parallel_loop3A_233 = vector.shape_cast %parallel_loop3A_232 : vector<1x16xf32> to vector<16xf32>
        %parallel_loop3A_234 = arith.addf %parallel_loop3A_229, %parallel_loop3A_233 : vector<16xf32>
        %parallel_loop3A_235 = arith.index_cast %parallel_loop3A_208 : i32 to index
        %parallel_loop3A_236 = arith.constant 16 : index
        %parallel_loop3A_237 = tpu.vector_load %arg10[%parallel_loop3A_235, %parallel_loop3A_236] {strides = array<i32>} : memref<128x128xf32, #tpu.memory_space<vmem>>, vector<1x16xf32>,
        %parallel_loop3A_238 = vector.shape_cast %parallel_loop3A_237 : vector<1x16xf32> to vector<16xf32>
        %parallel_loop3A_239 = vector.shape_cast %parallel_loop3A_234 : vector<16xf32> to vector<1x16xf32>
        tpu.vector_store %arg10[%parallel_loop3A_235, %parallel_loop3A_236], %parallel_loop3A_239 {strides = array<i32>} : memref<128x128xf32, #tpu.memory_space<vmem>>, vector<1x16xf32>,
        %parallel_loop3A_240 = arith.index_cast %parallel_loop3A_208 : i32 to index
        %parallel_loop3A_241 = arith.constant 32 : index
        %parallel_loop3A_242 = tpu.vector_load %arg10[%parallel_loop3A_240, %parallel_loop3A_241] {strides = array<i32>} : memref<128x128xf32, #tpu.memory_space<vmem>>, vector<1x16xf32>,
        %parallel_loop3A_243 = vector.shape_cast %parallel_loop3A_242 : vector<1x16xf32> to vector<16xf32>
        %parallel_loop3A_244 = arith.index_cast %parallel_loop3A_211 : i32 to index
        %parallel_loop3A_245 = arith.constant 32 : index
        %parallel_loop3A_246 = tpu.vector_load %arg7[%parallel_loop3A_244, %parallel_loop3A_245] {strides = array<i32>} : memref<200x128xf32, #tpu.memory_space<vmem>>, vector<1x16xf32>,
        %parallel_loop3A_247 = vector.shape_cast %parallel_loop3A_246 : vector<1x16xf32> to vector<16xf32>
        %parallel_loop3A_248 = arith.addf %parallel_loop3A_243, %parallel_loop3A_247 : vector<16xf32>
        %parallel_loop3A_249 = arith.index_cast %parallel_loop3A_208 : i32 to index
        %parallel_loop3A_250 = arith.constant 32 : index
        %parallel_loop3A_251 = tpu.vector_load %arg10[%parallel_loop3A_249, %parallel_loop3A_250] {strides = array<i32>} : memref<128x128xf32, #tpu.memory_space<vmem>>, vector<1x16xf32>,
        %parallel_loop3A_252 = vector.shape_cast %parallel_loop3A_251 : vector<1x16xf32> to vector<16xf32>
        %parallel_loop3A_253 = vector.shape_cast %parallel_loop3A_248 : vector<16xf32> to vector<1x16xf32>
        tpu.vector_store %arg10[%parallel_loop3A_249, %parallel_loop3A_250], %parallel_loop3A_253 {strides = array<i32>} : memref<128x128xf32, #tpu.memory_space<vmem>>, vector<1x16xf32>,
        %parallel_loop3A_254 = arith.index_cast %parallel_loop3A_208 : i32 to index
        %parallel_loop3A_255 = arith.constant 48 : index
        %parallel_loop3A_256 = tpu.vector_load %arg10[%parallel_loop3A_254, %parallel_loop3A_255] {strides = array<i32>} : memref<128x128xf32, #tpu.memory_space<vmem>>, vector<1x16xf32>,
        %parallel_loop3A_257 = vector.shape_cast %parallel_loop3A_256 : vector<1x16xf32> to vector<16xf32>
        %parallel_loop3A_258 = arith.index_cast %parallel_loop3A_211 : i32 to index
        %parallel_loop3A_259 = arith.constant 48 : index
        %parallel_loop3A_260 = tpu.vector_load %arg7[%parallel_loop3A_258, %parallel_loop3A_259] {strides = array<i32>} : memref<200x128xf32, #tpu.memory_space<vmem>>, vector<1x16xf32>,
        %parallel_loop3A_261 = vector.shape_cast %parallel_loop3A_260 : vector<1x16xf32> to vector<16xf32>
        %parallel_loop3A_262 = arith.addf %parallel_loop3A_257, %parallel_loop3A_261 : vector<16xf32>
        %parallel_loop3A_263 = arith.index_cast %parallel_loop3A_208 : i32 to index
        %parallel_loop3A_264 = arith.constant 48 : index
        %parallel_loop3A_265 = tpu.vector_load %arg10[%parallel_loop3A_263, %parallel_loop3A_264] {strides = array<i32>} : memref<128x128xf32, #tpu.memory_space<vmem>>, vector<1x16xf32>,
        %parallel_loop3A_266 = vector.shape_cast %parallel_loop3A_265 : vector<1x16xf32> to vector<16xf32>
        %parallel_loop3A_267 = vector.shape_cast %parallel_loop3A_262 : vector<16xf32> to vector<1x16xf32>
        tpu.vector_store %arg10[%parallel_loop3A_263, %parallel_loop3A_264], %parallel_loop3A_267 {strides = array<i32>} : memref<128x128xf32, #tpu.memory_space<vmem>>, vector<1x16xf32>,
        %parallel_loop3A_268 = arith.index_cast %parallel_loop3A_208 : i32 to index
        %parallel_loop3A_269 = arith.constant 64 : index
        %parallel_loop3A_270 = tpu.vector_load %arg10[%parallel_loop3A_268, %parallel_loop3A_269] {strides = array<i32>} : memref<128x128xf32, #tpu.memory_space<vmem>>, vector<1x16xf32>,
        %parallel_loop3A_271 = vector.shape_cast %parallel_loop3A_270 : vector<1x16xf32> to vector<16xf32>
        %parallel_loop3A_272 = arith.index_cast %parallel_loop3A_211 : i32 to index
        %parallel_loop3A_273 = arith.constant 64 : index
        %parallel_loop3A_274 = tpu.vector_load %arg7[%parallel_loop3A_272, %parallel_loop3A_273] {strides = array<i32>} : memref<200x128xf32, #tpu.memory_space<vmem>>, vector<1x16xf32>,
        %parallel_loop3A_275 = vector.shape_cast %parallel_loop3A_274 : vector<1x16xf32> to vector<16xf32>
        %parallel_loop3A_276 = arith.addf %parallel_loop3A_271, %parallel_loop3A_275 : vector<16xf32>
        %parallel_loop3A_277 = arith.index_cast %parallel_loop3A_208 : i32 to index
        %parallel_loop3A_278 = arith.constant 64 : index
        %parallel_loop3A_279 = tpu.vector_load %arg10[%parallel_loop3A_277, %parallel_loop3A_278] {strides = array<i32>} : memref<128x128xf32, #tpu.memory_space<vmem>>, vector<1x16xf32>,
        %parallel_loop3A_280 = vector.shape_cast %parallel_loop3A_279 : vector<1x16xf32> to vector<16xf32>
        %parallel_loop3A_281 = vector.shape_cast %parallel_loop3A_276 : vector<16xf32> to vector<1x16xf32>
        tpu.vector_store %arg10[%parallel_loop3A_277, %parallel_loop3A_278], %parallel_loop3A_281 {strides = array<i32>} : memref<128x128xf32, #tpu.memory_space<vmem>>, vector<1x16xf32>,
        %parallel_loop3A_282 = arith.index_cast %parallel_loop3A_208 : i32 to index
        %parallel_loop3A_283 = arith.constant 80 : index
        %parallel_loop3A_284 = tpu.vector_load %arg10[%parallel_loop3A_282, %parallel_loop3A_283] {strides = array<i32>} : memref<128x128xf32, #tpu.memory_space<vmem>>, vector<1x16xf32>,
        %parallel_loop3A_285 = vector.shape_cast %parallel_loop3A_284 : vector<1x16xf32> to vector<16xf32>
        %parallel_loop3A_286 = arith.index_cast %parallel_loop3A_211 : i32 to index
        %parallel_loop3A_287 = arith.constant 80 : index
        %parallel_loop3A_288 = tpu.vector_load %arg7[%parallel_loop3A_286, %parallel_loop3A_287] {strides = array<i32>} : memref<200x128xf32, #tpu.memory_space<vmem>>, vector<1x16xf32>,
        %parallel_loop3A_289 = vector.shape_cast %parallel_loop3A_288 : vector<1x16xf32> to vector<16xf32>
        %parallel_loop3A_290 = arith.addf %parallel_loop3A_285, %parallel_loop3A_289 : vector<16xf32>
        %parallel_loop3A_291 = arith.index_cast %parallel_loop3A_208 : i32 to index
        %parallel_loop3A_292 = arith.constant 80 : index
        %parallel_loop3A_293 = tpu.vector_load %arg10[%parallel_loop3A_291, %parallel_loop3A_292] {strides = array<i32>} : memref<128x128xf32, #tpu.memory_space<vmem>>, vector<1x16xf32>,
        %parallel_loop3A_294 = vector.shape_cast %parallel_loop3A_293 : vector<1x16xf32> to vector<16xf32>
        %parallel_loop3A_295 = vector.shape_cast %parallel_loop3A_290 : vector<16xf32> to vector<1x16xf32>
        tpu.vector_store %arg10[%parallel_loop3A_291, %parallel_loop3A_292], %parallel_loop3A_295 {strides = array<i32>} : memref<128x128xf32, #tpu.memory_space<vmem>>, vector<1x16xf32>,
        %parallel_loop3A_296 = arith.index_cast %parallel_loop3A_208 : i32 to index
        %parallel_loop3A_297 = arith.constant 96 : index
        %parallel_loop3A_298 = tpu.vector_load %arg10[%parallel_loop3A_296, %parallel_loop3A_297] {strides = array<i32>} : memref<128x128xf32, #tpu.memory_space<vmem>>, vector<1x16xf32>,
        %parallel_loop3A_299 = vector.shape_cast %parallel_loop3A_298 : vector<1x16xf32> to vector<16xf32>
        %parallel_loop3A_300 = arith.index_cast %parallel_loop3A_211 : i32 to index
        %parallel_loop3A_301 = arith.constant 96 : index
        %parallel_loop3A_302 = tpu.vector_load %arg7[%parallel_loop3A_300, %parallel_loop3A_301] {strides = array<i32>} : memref<200x128xf32, #tpu.memory_space<vmem>>, vector<1x16xf32>,
        %parallel_loop3A_303 = vector.shape_cast %parallel_loop3A_302 : vector<1x16xf32> to vector<16xf32>
        %parallel_loop3A_304 = arith.addf %parallel_loop3A_299, %parallel_loop3A_303 : vector<16xf32>
        %parallel_loop3A_305 = arith.index_cast %parallel_loop3A_208 : i32 to index
        %parallel_loop3A_306 = arith.constant 96 : index
        %parallel_loop3A_307 = tpu.vector_load %arg10[%parallel_loop3A_305, %parallel_loop3A_306] {strides = array<i32>} : memref<128x128xf32, #tpu.memory_space<vmem>>, vector<1x16xf32>,
        %parallel_loop3A_308 = vector.shape_cast %parallel_loop3A_307 : vector<1x16xf32> to vector<16xf32>
        %parallel_loop3A_309 = vector.shape_cast %parallel_loop3A_304 : vector<16xf32> to vector<1x16xf32>
        tpu.vector_store %arg10[%parallel_loop3A_305, %parallel_loop3A_306], %parallel_loop3A_309 {strides = array<i32>} : memref<128x128xf32, #tpu.memory_space<vmem>>, vector<1x16xf32>,
        %parallel_loop3A_310 = arith.index_cast %parallel_loop3A_208 : i32 to index
        %parallel_loop3A_311 = arith.constant 112 : index
        %parallel_loop3A_312 = tpu.vector_load %arg10[%parallel_loop3A_310, %parallel_loop3A_311] {strides = array<i32>} : memref<128x128xf32, #tpu.memory_space<vmem>>, vector<1x16xf32>,
        %parallel_loop3A_313 = vector.shape_cast %parallel_loop3A_312 : vector<1x16xf32> to vector<16xf32>
        %parallel_loop3A_314 = arith.index_cast %parallel_loop3A_211 : i32 to index
        %parallel_loop3A_315 = arith.constant 112 : index
        %parallel_loop3A_316 = tpu.vector_load %arg7[%parallel_loop3A_314, %parallel_loop3A_315] {strides = array<i32>} : memref<200x128xf32, #tpu.memory_space<vmem>>, vector<1x16xf32>,
        %parallel_loop3A_317 = vector.shape_cast %parallel_loop3A_316 : vector<1x16xf32> to vector<16xf32>
        %parallel_loop3A_318 = arith.addf %parallel_loop3A_313, %parallel_loop3A_317 : vector<16xf32>
        %parallel_loop3A_319 = arith.index_cast %parallel_loop3A_208 : i32 to index
        %parallel_loop3A_320 = arith.constant 112 : index
        %parallel_loop3A_321 = tpu.vector_load %arg10[%parallel_loop3A_319, %parallel_loop3A_320] {strides = array<i32>} : memref<128x128xf32, #tpu.memory_space<vmem>>, vector<1x16xf32>,
        %parallel_loop3A_322 = vector.shape_cast %parallel_loop3A_321 : vector<1x16xf32> to vector<16xf32>
        %parallel_loop3A_323 = vector.shape_cast %parallel_loop3A_318 : vector<16xf32> to vector<1x16xf32>
        tpu.vector_store %arg10[%parallel_loop3A_319, %parallel_loop3A_320], %parallel_loop3A_323 {strides = array<i32>} : memref<128x128xf32, #tpu.memory_space<vmem>>, vector<1x16xf32>,
      } {sc.loop_unroll_factor = 8 : i64, sc.parallel_access}
      %mul3A_137 = arith.constant 128 : i32
      %mul3A_138 = arith.muli %add3A_125, %mul3A_137 : i32
      %add3A_139 = arith.addi %mul3A_2, %mul3A_138 : i32
      %dma_start3A_140 = arith.constant 0 : i32
      %dma_start3A_141 = tpu.memref_slice %arg5[%add3A_139, %dma_start3A_140] : memref<204800x128xf32, #tpu.memory_space<hbm>> -> memref<128x128xf32, #tpu.memory_space<hbm>>
      %dma_start3A_142 = arith.constant 0 : i32
      %dma_start3A_143 = tpu.memref_slice %arg5[%add3A_139, %dma_start3A_142] : memref<204800x128xf32, #tpu.memory_space<hbm>> -> memref<128x128xf32, #tpu.memory_space<hbm>>
      tpu.enqueue_dma source(%arg10 : memref<128x128xf32, #tpu.memory_space<vmem>>) target(%dma_start3A_143 : memref<128x128xf32, #tpu.memory_space<hbm>>) target_semaphore(%arg20 : memref<!tpu.dma_semaphore, #tpu.memory_space<semaphore_mem>>)
      %ge3A_144 = arith.constant 2 : i32
      %ge3A_145 = arith.cmpi sge, %add3A_125, %ge3A_144 : i32
      %le3A_146 = arith.constant 46 : i32
      %le3A_147 = arith.cmpi sle, %add3A_125, %le3A_146 : i32
      %and3A_148 = arith.andi %ge3A_145, %le3A_147 : i1
      %convert_element_type3A_149 = arith.extui %and3A_148 : i1 to i32
      %cond3A_150 = arith.constant 0 : i32
      %cond3A_151 = arith.cmpi ne, %convert_element_type3A_149, %cond3A_150 : i32
      scf.if %cond3A_151 {
        %sub3A = arith.constant 2 : i32
        %sub3A_208 = arith.subi %add3A_125, %sub3A : i32
        %mul3A_209 = arith.constant 128 : i32
        %mul3A_210 = arith.muli %sub3A_208, %mul3A_209 : i32
        %add3A_211 = arith.addi %mul3A_2, %mul3A_210 : i32
        %dma_wait3A_212 = arith.constant 0 : i32
        %dma_wait3A_213 = tpu.memref_slice %arg5[%add3A_211, %dma_wait3A_212] : memref<204800x128xf32, #tpu.memory_space<hbm>> -> memref<128x128xf32, #tpu.memory_space<hbm>>
        %dma_wait3A_214 = arith.constant 0 : i32
        %dma_wait3A_215 = tpu.memref_slice %arg5[%add3A_211, %dma_wait3A_214] : memref<204800x128xf32, #tpu.memory_space<hbm>> -> memref<128x128xf32, #tpu.memory_space<hbm>>
        tpu.wait_dma2 semaphore(%arg18 : memref<!tpu.dma_semaphore, #tpu.memory_space<semaphore_mem>>) src(%arg8 : memref<128x128xf32, #tpu.memory_space<vmem>>) dst(%dma_wait3A_215 : memref<128x128xf32, #tpu.memory_space<hbm>>)
        %add3A_216 = arith.constant 3 : i32
        %add3A_217 = arith.addi %add3A_125, %add3A_216 : i32
        %dma_start3A_218 = arith.constant 0 : i32
        %dma_start3A_219 = tpu.memref_slice %arg6[%add3A_217, %dma_start3A_218] : memref<50x128xi32, #tpu.memory_space<vmem>> -> memref<1x128xi32, #tpu.memory_space<vmem>>
        %dma_start3A_220 = tpu.memref_squeeze %dma_start3A_219 : memref<1x128xi32, #tpu.memory_space<vmem>> -> memref<128xi32, #tpu.memory_space<vmem>>
        %dma_start3A_221 = arith.constant 0 : i32
        %dma_start3A_222 = arith.constant 0 : i32
        %dma_start3A_223 = tpu.memref_slice %arg2[%dma_start3A_221, %dma_start3A_222] : memref<100000x128xf32, #tpu.memory_space<hbm>> -> memref<100000x128xf32, #tpu.memory_space<hbm>>
        tpu.enqueue_indirect_dma source(%dma_start3A_223 : memref<100000x128xf32, #tpu.memory_space<hbm>>) target(%arg8 : memref<128x128xf32, #tpu.memory_space<vmem>>) offsets(%dma_start3A_220 : memref<128xi32, #tpu.memory_space<vmem>>) semaphore(%arg13 : memref<!tpu.dma_semaphore, #tpu.memory_space<semaphore_mem>>)
      } else {
      }
      %add3A_152 = arith.constant 3 : i32
      %add3A_153 = arith.addi %mul3A_73, %add3A_152 : i32
      %dma_wait3A_154 = arith.constant 0 : i32
      %dma_wait3A_155 = tpu.memref_slice %arg6[%add3A_153, %dma_wait3A_154] : memref<50x128xi32, #tpu.memory_space<vmem>> -> memref<1x128xi32, #tpu.memory_space<vmem>>
      %dma_wait3A_156 = tpu.memref_squeeze %dma_wait3A_155 : memref<1x128xi32, #tpu.memory_space<vmem>> -> memref<128xi32, #tpu.memory_space<vmem>>
      %dma_wait3A_157 = arith.constant 0 : i32
      %dma_wait3A_158 = arith.constant 0 : i32
      %dma_wait3A_159 = tpu.memref_slice %arg2[%dma_wait3A_157, %dma_wait3A_158] : memref<100000x128xf32, #tpu.memory_space<hbm>> -> memref<100000x128xf32, #tpu.memory_space<hbm>>
      tpu.wait_indirect_dma semaphore(%arg16 : memref<!tpu.dma_semaphore, #tpu.memory_space<semaphore_mem>>) src(%dma_wait3A_159 : memref<100000x128xf32, #tpu.memory_space<hbm>>) dst(%arg11 : memref<128x128xf32, #tpu.memory_space<vmem>>)
      %mul3A_160 = arith.constant 128 : i32
      %mul3A_161 = arith.muli %add3A_153, %mul3A_160 : i32
      %parallel_loop3A_162 = arith.constant 0 : i32
      %parallel_loop3A_163 = arith.constant 128 : i32
      %parallel_loop3A_164 = arith.constant 1 : i32
      scf.for %parallel_loop3A_208 = %parallel_loop3A_162 to %parallel_loop3A_163 step %parallel_loop3A_164  : i32 {
        %parallel_loop3A_209 = arith.addi %mul3A_161, %parallel_loop3A_208 : i32
        %parallel_loop3A_210 = arith.constant 200 : i32
        %parallel_loop3A_211 = arith.remsi %parallel_loop3A_209, %parallel_loop3A_210 : i32
        %parallel_loop3A_212 = arith.index_cast %parallel_loop3A_208 : i32 to index
        %parallel_loop3A_213 = arith.constant 0 : index
        %parallel_loop3A_214 = tpu.vector_load %arg11[%parallel_loop3A_212, %parallel_loop3A_213] {strides = array<i32>} : memref<128x128xf32, #tpu.memory_space<vmem>>, vector<1x16xf32>,
        %parallel_loop3A_215 = vector.shape_cast %parallel_loop3A_214 : vector<1x16xf32> to vector<16xf32>
        %parallel_loop3A_216 = arith.index_cast %parallel_loop3A_211 : i32 to index
        %parallel_loop3A_217 = arith.constant 0 : index
        %parallel_loop3A_218 = tpu.vector_load %arg7[%parallel_loop3A_216, %parallel_loop3A_217] {strides = array<i32>} : memref<200x128xf32, #tpu.memory_space<vmem>>, vector<1x16xf32>,
        %parallel_loop3A_219 = vector.shape_cast %parallel_loop3A_218 : vector<1x16xf32> to vector<16xf32>
        %parallel_loop3A_220 = arith.addf %parallel_loop3A_215, %parallel_loop3A_219 : vector<16xf32>
        %parallel_loop3A_221 = arith.index_cast %parallel_loop3A_208 : i32 to index
        %parallel_loop3A_222 = arith.constant 0 : index
        %parallel_loop3A_223 = tpu.vector_load %arg11[%parallel_loop3A_221, %parallel_loop3A_222] {strides = array<i32>} : memref<128x128xf32, #tpu.memory_space<vmem>>, vector<1x16xf32>,
        %parallel_loop3A_224 = vector.shape_cast %parallel_loop3A_223 : vector<1x16xf32> to vector<16xf32>
        %parallel_loop3A_225 = vector.shape_cast %parallel_loop3A_220 : vector<16xf32> to vector<1x16xf32>
        tpu.vector_store %arg11[%parallel_loop3A_221, %parallel_loop3A_222], %parallel_loop3A_225 {strides = array<i32>} : memref<128x128xf32, #tpu.memory_space<vmem>>, vector<1x16xf32>,
        %parallel_loop3A_226 = arith.index_cast %parallel_loop3A_208 : i32 to index
        %parallel_loop3A_227 = arith.constant 16 : index
        %parallel_loop3A_228 = tpu.vector_load %arg11[%parallel_loop3A_226, %parallel_loop3A_227] {strides = array<i32>} : memref<128x128xf32, #tpu.memory_space<vmem>>, vector<1x16xf32>,
        %parallel_loop3A_229 = vector.shape_cast %parallel_loop3A_228 : vector<1x16xf32> to vector<16xf32>
        %parallel_loop3A_230 = arith.index_cast %parallel_loop3A_211 : i32 to index
        %parallel_loop3A_231 = arith.constant 16 : index
        %parallel_loop3A_232 = tpu.vector_load %arg7[%parallel_loop3A_230, %parallel_loop3A_231] {strides = array<i32>} : memref<200x128xf32, #tpu.memory_space<vmem>>, vector<1x16xf32>,
        %parallel_loop3A_233 = vector.shape_cast %parallel_loop3A_232 : vector<1x16xf32> to vector<16xf32>
        %parallel_loop3A_234 = arith.addf %parallel_loop3A_229, %parallel_loop3A_233 : vector<16xf32>
        %parallel_loop3A_235 = arith.index_cast %parallel_loop3A_208 : i32 to index
        %parallel_loop3A_236 = arith.constant 16 : index
        %parallel_loop3A_237 = tpu.vector_load %arg11[%parallel_loop3A_235, %parallel_loop3A_236] {strides = array<i32>} : memref<128x128xf32, #tpu.memory_space<vmem>>, vector<1x16xf32>,
        %parallel_loop3A_238 = vector.shape_cast %parallel_loop3A_237 : vector<1x16xf32> to vector<16xf32>
        %parallel_loop3A_239 = vector.shape_cast %parallel_loop3A_234 : vector<16xf32> to vector<1x16xf32>
        tpu.vector_store %arg11[%parallel_loop3A_235, %parallel_loop3A_236], %parallel_loop3A_239 {strides = array<i32>} : memref<128x128xf32, #tpu.memory_space<vmem>>, vector<1x16xf32>,
        %parallel_loop3A_240 = arith.index_cast %parallel_loop3A_208 : i32 to index
        %parallel_loop3A_241 = arith.constant 32 : index
        %parallel_loop3A_242 = tpu.vector_load %arg11[%parallel_loop3A_240, %parallel_loop3A_241] {strides = array<i32>} : memref<128x128xf32, #tpu.memory_space<vmem>>, vector<1x16xf32>,
        %parallel_loop3A_243 = vector.shape_cast %parallel_loop3A_242 : vector<1x16xf32> to vector<16xf32>
        %parallel_loop3A_244 = arith.index_cast %parallel_loop3A_211 : i32 to index
        %parallel_loop3A_245 = arith.constant 32 : index
        %parallel_loop3A_246 = tpu.vector_load %arg7[%parallel_loop3A_244, %parallel_loop3A_245] {strides = array<i32>} : memref<200x128xf32, #tpu.memory_space<vmem>>, vector<1x16xf32>,
        %parallel_loop3A_247 = vector.shape_cast %parallel_loop3A_246 : vector<1x16xf32> to vector<16xf32>
        %parallel_loop3A_248 = arith.addf %parallel_loop3A_243, %parallel_loop3A_247 : vector<16xf32>
        %parallel_loop3A_249 = arith.index_cast %parallel_loop3A_208 : i32 to index
        %parallel_loop3A_250 = arith.constant 32 : index
        %parallel_loop3A_251 = tpu.vector_load %arg11[%parallel_loop3A_249, %parallel_loop3A_250] {strides = array<i32>} : memref<128x128xf32, #tpu.memory_space<vmem>>, vector<1x16xf32>,
        %parallel_loop3A_252 = vector.shape_cast %parallel_loop3A_251 : vector<1x16xf32> to vector<16xf32>
        %parallel_loop3A_253 = vector.shape_cast %parallel_loop3A_248 : vector<16xf32> to vector<1x16xf32>
        tpu.vector_store %arg11[%parallel_loop3A_249, %parallel_loop3A_250], %parallel_loop3A_253 {strides = array<i32>} : memref<128x128xf32, #tpu.memory_space<vmem>>, vector<1x16xf32>,
        %parallel_loop3A_254 = arith.index_cast %parallel_loop3A_208 : i32 to index
        %parallel_loop3A_255 = arith.constant 48 : index
        %parallel_loop3A_256 = tpu.vector_load %arg11[%parallel_loop3A_254, %parallel_loop3A_255] {strides = array<i32>} : memref<128x128xf32, #tpu.memory_space<vmem>>, vector<1x16xf32>,
        %parallel_loop3A_257 = vector.shape_cast %parallel_loop3A_256 : vector<1x16xf32> to vector<16xf32>
        %parallel_loop3A_258 = arith.index_cast %parallel_loop3A_211 : i32 to index
        %parallel_loop3A_259 = arith.constant 48 : index
        %parallel_loop3A_260 = tpu.vector_load %arg7[%parallel_loop3A_258, %parallel_loop3A_259] {strides = array<i32>} : memref<200x128xf32, #tpu.memory_space<vmem>>, vector<1x16xf32>,
        %parallel_loop3A_261 = vector.shape_cast %parallel_loop3A_260 : vector<1x16xf32> to vector<16xf32>
        %parallel_loop3A_262 = arith.addf %parallel_loop3A_257, %parallel_loop3A_261 : vector<16xf32>
        %parallel_loop3A_263 = arith.index_cast %parallel_loop3A_208 : i32 to index
        %parallel_loop3A_264 = arith.constant 48 : index
        %parallel_loop3A_265 = tpu.vector_load %arg11[%parallel_loop3A_263, %parallel_loop3A_264] {strides = array<i32>} : memref<128x128xf32, #tpu.memory_space<vmem>>, vector<1x16xf32>,
        %parallel_loop3A_266 = vector.shape_cast %parallel_loop3A_265 : vector<1x16xf32> to vector<16xf32>
        %parallel_loop3A_267 = vector.shape_cast %parallel_loop3A_262 : vector<16xf32> to vector<1x16xf32>
        tpu.vector_store %arg11[%parallel_loop3A_263, %parallel_loop3A_264], %parallel_loop3A_267 {strides = array<i32>} : memref<128x128xf32, #tpu.memory_space<vmem>>, vector<1x16xf32>,
        %parallel_loop3A_268 = arith.index_cast %parallel_loop3A_208 : i32 to index
        %parallel_loop3A_269 = arith.constant 64 : index
        %parallel_loop3A_270 = tpu.vector_load %arg11[%parallel_loop3A_268, %parallel_loop3A_269] {strides = array<i32>} : memref<128x128xf32, #tpu.memory_space<vmem>>, vector<1x16xf32>,
        %parallel_loop3A_271 = vector.shape_cast %parallel_loop3A_270 : vector<1x16xf32> to vector<16xf32>
        %parallel_loop3A_272 = arith.index_cast %parallel_loop3A_211 : i32 to index
        %parallel_loop3A_273 = arith.constant 64 : index
        %parallel_loop3A_274 = tpu.vector_load %arg7[%parallel_loop3A_272, %parallel_loop3A_273] {strides = array<i32>} : memref<200x128xf32, #tpu.memory_space<vmem>>, vector<1x16xf32>,
        %parallel_loop3A_275 = vector.shape_cast %parallel_loop3A_274 : vector<1x16xf32> to vector<16xf32>
        %parallel_loop3A_276 = arith.addf %parallel_loop3A_271, %parallel_loop3A_275 : vector<16xf32>
        %parallel_loop3A_277 = arith.index_cast %parallel_loop3A_208 : i32 to index
        %parallel_loop3A_278 = arith.constant 64 : index
        %parallel_loop3A_279 = tpu.vector_load %arg11[%parallel_loop3A_277, %parallel_loop3A_278] {strides = array<i32>} : memref<128x128xf32, #tpu.memory_space<vmem>>, vector<1x16xf32>,
        %parallel_loop3A_280 = vector.shape_cast %parallel_loop3A_279 : vector<1x16xf32> to vector<16xf32>
        %parallel_loop3A_281 = vector.shape_cast %parallel_loop3A_276 : vector<16xf32> to vector<1x16xf32>
        tpu.vector_store %arg11[%parallel_loop3A_277, %parallel_loop3A_278], %parallel_loop3A_281 {strides = array<i32>} : memref<128x128xf32, #tpu.memory_space<vmem>>, vector<1x16xf32>,
        %parallel_loop3A_282 = arith.index_cast %parallel_loop3A_208 : i32 to index
        %parallel_loop3A_283 = arith.constant 80 : index
        %parallel_loop3A_284 = tpu.vector_load %arg11[%parallel_loop3A_282, %parallel_loop3A_283] {strides = array<i32>} : memref<128x128xf32, #tpu.memory_space<vmem>>, vector<1x16xf32>,
        %parallel_loop3A_285 = vector.shape_cast %parallel_loop3A_284 : vector<1x16xf32> to vector<16xf32>
        %parallel_loop3A_286 = arith.index_cast %parallel_loop3A_211 : i32 to index
        %parallel_loop3A_287 = arith.constant 80 : index
        %parallel_loop3A_288 = tpu.vector_load %arg7[%parallel_loop3A_286, %parallel_loop3A_287] {strides = array<i32>} : memref<200x128xf32, #tpu.memory_space<vmem>>, vector<1x16xf32>,
        %parallel_loop3A_289 = vector.shape_cast %parallel_loop3A_288 : vector<1x16xf32> to vector<16xf32>
        %parallel_loop3A_290 = arith.addf %parallel_loop3A_285, %parallel_loop3A_289 : vector<16xf32>
        %parallel_loop3A_291 = arith.index_cast %parallel_loop3A_208 : i32 to index
        %parallel_loop3A_292 = arith.constant 80 : index
        %parallel_loop3A_293 = tpu.vector_load %arg11[%parallel_loop3A_291, %parallel_loop3A_292] {strides = array<i32>} : memref<128x128xf32, #tpu.memory_space<vmem>>, vector<1x16xf32>,
        %parallel_loop3A_294 = vector.shape_cast %parallel_loop3A_293 : vector<1x16xf32> to vector<16xf32>
        %parallel_loop3A_295 = vector.shape_cast %parallel_loop3A_290 : vector<16xf32> to vector<1x16xf32>
        tpu.vector_store %arg11[%parallel_loop3A_291, %parallel_loop3A_292], %parallel_loop3A_295 {strides = array<i32>} : memref<128x128xf32, #tpu.memory_space<vmem>>, vector<1x16xf32>,
        %parallel_loop3A_296 = arith.index_cast %parallel_loop3A_208 : i32 to index
        %parallel_loop3A_297 = arith.constant 96 : index
        %parallel_loop3A_298 = tpu.vector_load %arg11[%parallel_loop3A_296, %parallel_loop3A_297] {strides = array<i32>} : memref<128x128xf32, #tpu.memory_space<vmem>>, vector<1x16xf32>,
        %parallel_loop3A_299 = vector.shape_cast %parallel_loop3A_298 : vector<1x16xf32> to vector<16xf32>
        %parallel_loop3A_300 = arith.index_cast %parallel_loop3A_211 : i32 to index
        %parallel_loop3A_301 = arith.constant 96 : index
        %parallel_loop3A_302 = tpu.vector_load %arg7[%parallel_loop3A_300, %parallel_loop3A_301] {strides = array<i32>} : memref<200x128xf32, #tpu.memory_space<vmem>>, vector<1x16xf32>,
        %parallel_loop3A_303 = vector.shape_cast %parallel_loop3A_302 : vector<1x16xf32> to vector<16xf32>
        %parallel_loop3A_304 = arith.addf %parallel_loop3A_299, %parallel_loop3A_303 : vector<16xf32>
        %parallel_loop3A_305 = arith.index_cast %parallel_loop3A_208 : i32 to index
        %parallel_loop3A_306 = arith.constant 96 : index
        %parallel_loop3A_307 = tpu.vector_load %arg11[%parallel_loop3A_305, %parallel_loop3A_306] {strides = array<i32>} : memref<128x128xf32, #tpu.memory_space<vmem>>, vector<1x16xf32>,
        %parallel_loop3A_308 = vector.shape_cast %parallel_loop3A_307 : vector<1x16xf32> to vector<16xf32>
        %parallel_loop3A_309 = vector.shape_cast %parallel_loop3A_304 : vector<16xf32> to vector<1x16xf32>
        tpu.vector_store %arg11[%parallel_loop3A_305, %parallel_loop3A_306], %parallel_loop3A_309 {strides = array<i32>} : memref<128x128xf32, #tpu.memory_space<vmem>>, vector<1x16xf32>,
        %parallel_loop3A_310 = arith.index_cast %parallel_loop3A_208 : i32 to index
        %parallel_loop3A_311 = arith.constant 112 : index
        %parallel_loop3A_312 = tpu.vector_load %arg11[%parallel_loop3A_310, %parallel_loop3A_311] {strides = array<i32>} : memref<128x128xf32, #tpu.memory_space<vmem>>, vector<1x16xf32>,
        %parallel_loop3A_313 = vector.shape_cast %parallel_loop3A_312 : vector<1x16xf32> to vector<16xf32>
        %parallel_loop3A_314 = arith.index_cast %parallel_loop3A_211 : i32 to index
        %parallel_loop3A_315 = arith.constant 112 : index
        %parallel_loop3A_316 = tpu.vector_load %arg7[%parallel_loop3A_314, %parallel_loop3A_315] {strides = array<i32>} : memref<200x128xf32, #tpu.memory_space<vmem>>, vector<1x16xf32>,
        %parallel_loop3A_317 = vector.shape_cast %parallel_loop3A_316 : vector<1x16xf32> to vector<16xf32>
        %parallel_loop3A_318 = arith.addf %parallel_loop3A_313, %parallel_loop3A_317 : vector<16xf32>
        %parallel_loop3A_319 = arith.index_cast %parallel_loop3A_208 : i32 to index
        %parallel_loop3A_320 = arith.constant 112 : index
        %parallel_loop3A_321 = tpu.vector_load %arg11[%parallel_loop3A_319, %parallel_loop3A_320] {strides = array<i32>} : memref<128x128xf32, #tpu.memory_space<vmem>>, vector<1x16xf32>,
        %parallel_loop3A_322 = vector.shape_cast %parallel_loop3A_321 : vector<1x16xf32> to vector<16xf32>
        %parallel_loop3A_323 = vector.shape_cast %parallel_loop3A_318 : vector<16xf32> to vector<1x16xf32>
        tpu.vector_store %arg11[%parallel_loop3A_319, %parallel_loop3A_320], %parallel_loop3A_323 {strides = array<i32>} : memref<128x128xf32, #tpu.memory_space<vmem>>, vector<1x16xf32>,
      } {sc.loop_unroll_factor = 8 : i64, sc.parallel_access}
      %mul3A_165 = arith.constant 128 : i32
      %mul3A_166 = arith.muli %add3A_153, %mul3A_165 : i32
      %add3A_167 = arith.addi %mul3A_2, %mul3A_166 : i32
      %dma_start3A_168 = arith.constant 0 : i32
      %dma_start3A_169 = tpu.memref_slice %arg5[%add3A_167, %dma_start3A_168] : memref<204800x128xf32, #tpu.memory_space<hbm>> -> memref<128x128xf32, #tpu.memory_space<hbm>>
      %dma_start3A_170 = arith.constant 0 : i32
      %dma_start3A_171 = tpu.memref_slice %arg5[%add3A_167, %dma_start3A_170] : memref<204800x128xf32, #tpu.memory_space<hbm>> -> memref<128x128xf32, #tpu.memory_space<hbm>>
      tpu.enqueue_dma source(%arg11 : memref<128x128xf32, #tpu.memory_space<vmem>>) target(%dma_start3A_171 : memref<128x128xf32, #tpu.memory_space<hbm>>) target_semaphore(%arg21 : memref<!tpu.dma_semaphore, #tpu.memory_space<semaphore_mem>>)
      %ge3A_172 = arith.constant 2 : i32
      %ge3A_173 = arith.cmpi sge, %add3A_153, %ge3A_172 : i32
      %le3A_174 = arith.constant 46 : i32
      %le3A_175 = arith.cmpi sle, %add3A_153, %le3A_174 : i32
      %and3A_176 = arith.andi %ge3A_173, %le3A_175 : i1
      %convert_element_type3A_177 = arith.extui %and3A_176 : i1 to i32
      %cond3A_178 = arith.constant 0 : i32
      %cond3A_179 = arith.cmpi ne, %convert_element_type3A_177, %cond3A_178 : i32
      scf.if %cond3A_179 {
        %sub3A = arith.constant 2 : i32
        %sub3A_208 = arith.subi %add3A_153, %sub3A : i32
        %mul3A_209 = arith.constant 128 : i32
        %mul3A_210 = arith.muli %sub3A_208, %mul3A_209 : i32
        %add3A_211 = arith.addi %mul3A_2, %mul3A_210 : i32
        %dma_wait3A_212 = arith.constant 0 : i32
        %dma_wait3A_213 = tpu.memref_slice %arg5[%add3A_211, %dma_wait3A_212] : memref<204800x128xf32, #tpu.memory_space<hbm>> -> memref<128x128xf32, #tpu.memory_space<hbm>>
        %dma_wait3A_214 = arith.constant 0 : i32
        %dma_wait3A_215 = tpu.memref_slice %arg5[%add3A_211, %dma_wait3A_214] : memref<204800x128xf32, #tpu.memory_space<hbm>> -> memref<128x128xf32, #tpu.memory_space<hbm>>
        tpu.wait_dma2 semaphore(%arg19 : memref<!tpu.dma_semaphore, #tpu.memory_space<semaphore_mem>>) src(%arg9 : memref<128x128xf32, #tpu.memory_space<vmem>>) dst(%dma_wait3A_215 : memref<128x128xf32, #tpu.memory_space<hbm>>)
        %add3A_216 = arith.constant 3 : i32
        %add3A_217 = arith.addi %add3A_153, %add3A_216 : i32
        %dma_start3A_218 = arith.constant 0 : i32
        %dma_start3A_219 = tpu.memref_slice %arg6[%add3A_217, %dma_start3A_218] : memref<50x128xi32, #tpu.memory_space<vmem>> -> memref<1x128xi32, #tpu.memory_space<vmem>>
        %dma_start3A_220 = tpu.memref_squeeze %dma_start3A_219 : memref<1x128xi32, #tpu.memory_space<vmem>> -> memref<128xi32, #tpu.memory_space<vmem>>
        %dma_start3A_221 = arith.constant 0 : i32
        %dma_start3A_222 = arith.constant 0 : i32
        %dma_start3A_223 = tpu.memref_slice %arg2[%dma_start3A_221, %dma_start3A_222] : memref<100000x128xf32, #tpu.memory_space<hbm>> -> memref<100000x128xf32, #tpu.memory_space<hbm>>
        tpu.enqueue_indirect_dma source(%dma_start3A_223 : memref<100000x128xf32, #tpu.memory_space<hbm>>) target(%arg9 : memref<128x128xf32, #tpu.memory_space<vmem>>) offsets(%dma_start3A_220 : memref<128xi32, #tpu.memory_space<vmem>>) semaphore(%arg14 : memref<!tpu.dma_semaphore, #tpu.memory_space<semaphore_mem>>)
      } else {
      }
      %add3A_180 = arith.constant 4 : i32
      %add3A_181 = arith.addi %mul3A_73, %add3A_180 : i32
      %dma_wait3A_182 = arith.constant 0 : i32
      %dma_wait3A_183 = tpu.memref_slice %arg6[%add3A_181, %dma_wait3A_182] : memref<50x128xi32, #tpu.memory_space<vmem>> -> memref<1x128xi32, #tpu.memory_space<vmem>>
      %dma_wait3A_184 = tpu.memref_squeeze %dma_wait3A_183 : memref<1x128xi32, #tpu.memory_space<vmem>> -> memref<128xi32, #tpu.memory_space<vmem>>
      %dma_wait3A_185 = arith.constant 0 : i32
      %dma_wait3A_186 = arith.constant 0 : i32
      %dma_wait3A_187 = tpu.memref_slice %arg2[%dma_wait3A_185, %dma_wait3A_186] : memref<100000x128xf32, #tpu.memory_space<hbm>> -> memref<100000x128xf32, #tpu.memory_space<hbm>>
      tpu.wait_indirect_dma semaphore(%arg17 : memref<!tpu.dma_semaphore, #tpu.memory_space<semaphore_mem>>) src(%dma_wait3A_187 : memref<100000x128xf32, #tpu.memory_space<hbm>>) dst(%arg12 : memref<128x128xf32, #tpu.memory_space<vmem>>)
      %mul3A_188 = arith.constant 128 : i32
      %mul3A_189 = arith.muli %add3A_181, %mul3A_188 : i32
      %parallel_loop3A_190 = arith.constant 0 : i32
      %parallel_loop3A_191 = arith.constant 128 : i32
      %parallel_loop3A_192 = arith.constant 1 : i32
      scf.for %parallel_loop3A_208 = %parallel_loop3A_190 to %parallel_loop3A_191 step %parallel_loop3A_192  : i32 {
        %parallel_loop3A_209 = arith.addi %mul3A_189, %parallel_loop3A_208 : i32
        %parallel_loop3A_210 = arith.constant 200 : i32
        %parallel_loop3A_211 = arith.remsi %parallel_loop3A_209, %parallel_loop3A_210 : i32
        %parallel_loop3A_212 = arith.index_cast %parallel_loop3A_208 : i32 to index
        %parallel_loop3A_213 = arith.constant 0 : index
        %parallel_loop3A_214 = tpu.vector_load %arg12[%parallel_loop3A_212, %parallel_loop3A_213] {strides = array<i32>} : memref<128x128xf32, #tpu.memory_space<vmem>>, vector<1x16xf32>,
        %parallel_loop3A_215 = vector.shape_cast %parallel_loop3A_214 : vector<1x16xf32> to vector<16xf32>
        %parallel_loop3A_216 = arith.index_cast %parallel_loop3A_211 : i32 to index
        %parallel_loop3A_217 = arith.constant 0 : index
        %parallel_loop3A_218 = tpu.vector_load %arg7[%parallel_loop3A_216, %parallel_loop3A_217] {strides = array<i32>} : memref<200x128xf32, #tpu.memory_space<vmem>>, vector<1x16xf32>,
        %parallel_loop3A_219 = vector.shape_cast %parallel_loop3A_218 : vector<1x16xf32> to vector<16xf32>
        %parallel_loop3A_220 = arith.addf %parallel_loop3A_215, %parallel_loop3A_219 : vector<16xf32>
        %parallel_loop3A_221 = arith.index_cast %parallel_loop3A_208 : i32 to index
        %parallel_loop3A_222 = arith.constant 0 : index
        %parallel_loop3A_223 = tpu.vector_load %arg12[%parallel_loop3A_221, %parallel_loop3A_222] {strides = array<i32>} : memref<128x128xf32, #tpu.memory_space<vmem>>, vector<1x16xf32>,
        %parallel_loop3A_224 = vector.shape_cast %parallel_loop3A_223 : vector<1x16xf32> to vector<16xf32>
        %parallel_loop3A_225 = vector.shape_cast %parallel_loop3A_220 : vector<16xf32> to vector<1x16xf32>
        tpu.vector_store %arg12[%parallel_loop3A_221, %parallel_loop3A_222], %parallel_loop3A_225 {strides = array<i32>} : memref<128x128xf32, #tpu.memory_space<vmem>>, vector<1x16xf32>,
        %parallel_loop3A_226 = arith.index_cast %parallel_loop3A_208 : i32 to index
        %parallel_loop3A_227 = arith.constant 16 : index
        %parallel_loop3A_228 = tpu.vector_load %arg12[%parallel_loop3A_226, %parallel_loop3A_227] {strides = array<i32>} : memref<128x128xf32, #tpu.memory_space<vmem>>, vector<1x16xf32>,
        %parallel_loop3A_229 = vector.shape_cast %parallel_loop3A_228 : vector<1x16xf32> to vector<16xf32>
        %parallel_loop3A_230 = arith.index_cast %parallel_loop3A_211 : i32 to index
        %parallel_loop3A_231 = arith.constant 16 : index
        %parallel_loop3A_232 = tpu.vector_load %arg7[%parallel_loop3A_230, %parallel_loop3A_231] {strides = array<i32>} : memref<200x128xf32, #tpu.memory_space<vmem>>, vector<1x16xf32>,
        %parallel_loop3A_233 = vector.shape_cast %parallel_loop3A_232 : vector<1x16xf32> to vector<16xf32>
        %parallel_loop3A_234 = arith.addf %parallel_loop3A_229, %parallel_loop3A_233 : vector<16xf32>
        %parallel_loop3A_235 = arith.index_cast %parallel_loop3A_208 : i32 to index
        %parallel_loop3A_236 = arith.constant 16 : index
        %parallel_loop3A_237 = tpu.vector_load %arg12[%parallel_loop3A_235, %parallel_loop3A_236] {strides = array<i32>} : memref<128x128xf32, #tpu.memory_space<vmem>>, vector<1x16xf32>,
        %parallel_loop3A_238 = vector.shape_cast %parallel_loop3A_237 : vector<1x16xf32> to vector<16xf32>
        %parallel_loop3A_239 = vector.shape_cast %parallel_loop3A_234 : vector<16xf32> to vector<1x16xf32>
        tpu.vector_store %arg12[%parallel_loop3A_235, %parallel_loop3A_236], %parallel_loop3A_239 {strides = array<i32>} : memref<128x128xf32, #tpu.memory_space<vmem>>, vector<1x16xf32>,
        %parallel_loop3A_240 = arith.index_cast %parallel_loop3A_208 : i32 to index
        %parallel_loop3A_241 = arith.constant 32 : index
        %parallel_loop3A_242 = tpu.vector_load %arg12[%parallel_loop3A_240, %parallel_loop3A_241] {strides = array<i32>} : memref<128x128xf32, #tpu.memory_space<vmem>>, vector<1x16xf32>,
        %parallel_loop3A_243 = vector.shape_cast %parallel_loop3A_242 : vector<1x16xf32> to vector<16xf32>
        %parallel_loop3A_244 = arith.index_cast %parallel_loop3A_211 : i32 to index
        %parallel_loop3A_245 = arith.constant 32 : index
        %parallel_loop3A_246 = tpu.vector_load %arg7[%parallel_loop3A_244, %parallel_loop3A_245] {strides = array<i32>} : memref<200x128xf32, #tpu.memory_space<vmem>>, vector<1x16xf32>,
        %parallel_loop3A_247 = vector.shape_cast %parallel_loop3A_246 : vector<1x16xf32> to vector<16xf32>
        %parallel_loop3A_248 = arith.addf %parallel_loop3A_243, %parallel_loop3A_247 : vector<16xf32>
        %parallel_loop3A_249 = arith.index_cast %parallel_loop3A_208 : i32 to index
        %parallel_loop3A_250 = arith.constant 32 : index
        %parallel_loop3A_251 = tpu.vector_load %arg12[%parallel_loop3A_249, %parallel_loop3A_250] {strides = array<i32>} : memref<128x128xf32, #tpu.memory_space<vmem>>, vector<1x16xf32>,
        %parallel_loop3A_252 = vector.shape_cast %parallel_loop3A_251 : vector<1x16xf32> to vector<16xf32>
        %parallel_loop3A_253 = vector.shape_cast %parallel_loop3A_248 : vector<16xf32> to vector<1x16xf32>
        tpu.vector_store %arg12[%parallel_loop3A_249, %parallel_loop3A_250], %parallel_loop3A_253 {strides = array<i32>} : memref<128x128xf32, #tpu.memory_space<vmem>>, vector<1x16xf32>,
        %parallel_loop3A_254 = arith.index_cast %parallel_loop3A_208 : i32 to index
        %parallel_loop3A_255 = arith.constant 48 : index
        %parallel_loop3A_256 = tpu.vector_load %arg12[%parallel_loop3A_254, %parallel_loop3A_255] {strides = array<i32>} : memref<128x128xf32, #tpu.memory_space<vmem>>, vector<1x16xf32>,
        %parallel_loop3A_257 = vector.shape_cast %parallel_loop3A_256 : vector<1x16xf32> to vector<16xf32>
        %parallel_loop3A_258 = arith.index_cast %parallel_loop3A_211 : i32 to index
        %parallel_loop3A_259 = arith.constant 48 : index
        %parallel_loop3A_260 = tpu.vector_load %arg7[%parallel_loop3A_258, %parallel_loop3A_259] {strides = array<i32>} : memref<200x128xf32, #tpu.memory_space<vmem>>, vector<1x16xf32>,
        %parallel_loop3A_261 = vector.shape_cast %parallel_loop3A_260 : vector<1x16xf32> to vector<16xf32>
        %parallel_loop3A_262 = arith.addf %parallel_loop3A_257, %parallel_loop3A_261 : vector<16xf32>
        %parallel_loop3A_263 = arith.index_cast %parallel_loop3A_208 : i32 to index
        %parallel_loop3A_264 = arith.constant 48 : index
        %parallel_loop3A_265 = tpu.vector_load %arg12[%parallel_loop3A_263, %parallel_loop3A_264] {strides = array<i32>} : memref<128x128xf32, #tpu.memory_space<vmem>>, vector<1x16xf32>,
        %parallel_loop3A_266 = vector.shape_cast %parallel_loop3A_265 : vector<1x16xf32> to vector<16xf32>
        %parallel_loop3A_267 = vector.shape_cast %parallel_loop3A_262 : vector<16xf32> to vector<1x16xf32>
        tpu.vector_store %arg12[%parallel_loop3A_263, %parallel_loop3A_264], %parallel_loop3A_267 {strides = array<i32>} : memref<128x128xf32, #tpu.memory_space<vmem>>, vector<1x16xf32>,
        %parallel_loop3A_268 = arith.index_cast %parallel_loop3A_208 : i32 to index
        %parallel_loop3A_269 = arith.constant 64 : index
        %parallel_loop3A_270 = tpu.vector_load %arg12[%parallel_loop3A_268, %parallel_loop3A_269] {strides = array<i32>} : memref<128x128xf32, #tpu.memory_space<vmem>>, vector<1x16xf32>,
        %parallel_loop3A_271 = vector.shape_cast %parallel_loop3A_270 : vector<1x16xf32> to vector<16xf32>
        %parallel_loop3A_272 = arith.index_cast %parallel_loop3A_211 : i32 to index
        %parallel_loop3A_273 = arith.constant 64 : index
        %parallel_loop3A_274 = tpu.vector_load %arg7[%parallel_loop3A_272, %parallel_loop3A_273] {strides = array<i32>} : memref<200x128xf32, #tpu.memory_space<vmem>>, vector<1x16xf32>,
        %parallel_loop3A_275 = vector.shape_cast %parallel_loop3A_274 : vector<1x16xf32> to vector<16xf32>
        %parallel_loop3A_276 = arith.addf %parallel_loop3A_271, %parallel_loop3A_275 : vector<16xf32>
        %parallel_loop3A_277 = arith.index_cast %parallel_loop3A_208 : i32 to index
        %parallel_loop3A_278 = arith.constant 64 : index
        %parallel_loop3A_279 = tpu.vector_load %arg12[%parallel_loop3A_277, %parallel_loop3A_278] {strides = array<i32>} : memref<128x128xf32, #tpu.memory_space<vmem>>, vector<1x16xf32>,
        %parallel_loop3A_280 = vector.shape_cast %parallel_loop3A_279 : vector<1x16xf32> to vector<16xf32>
        %parallel_loop3A_281 = vector.shape_cast %parallel_loop3A_276 : vector<16xf32> to vector<1x16xf32>
        tpu.vector_store %arg12[%parallel_loop3A_277, %parallel_loop3A_278], %parallel_loop3A_281 {strides = array<i32>} : memref<128x128xf32, #tpu.memory_space<vmem>>, vector<1x16xf32>,
        %parallel_loop3A_282 = arith.index_cast %parallel_loop3A_208 : i32 to index
        %parallel_loop3A_283 = arith.constant 80 : index
        %parallel_loop3A_284 = tpu.vector_load %arg12[%parallel_loop3A_282, %parallel_loop3A_283] {strides = array<i32>} : memref<128x128xf32, #tpu.memory_space<vmem>>, vector<1x16xf32>,
        %parallel_loop3A_285 = vector.shape_cast %parallel_loop3A_284 : vector<1x16xf32> to vector<16xf32>
        %parallel_loop3A_286 = arith.index_cast %parallel_loop3A_211 : i32 to index
        %parallel_loop3A_287 = arith.constant 80 : index
        %parallel_loop3A_288 = tpu.vector_load %arg7[%parallel_loop3A_286, %parallel_loop3A_287] {strides = array<i32>} : memref<200x128xf32, #tpu.memory_space<vmem>>, vector<1x16xf32>,
        %parallel_loop3A_289 = vector.shape_cast %parallel_loop3A_288 : vector<1x16xf32> to vector<16xf32>
        %parallel_loop3A_290 = arith.addf %parallel_loop3A_285, %parallel_loop3A_289 : vector<16xf32>
        %parallel_loop3A_291 = arith.index_cast %parallel_loop3A_208 : i32 to index
        %parallel_loop3A_292 = arith.constant 80 : index
        %parallel_loop3A_293 = tpu.vector_load %arg12[%parallel_loop3A_291, %parallel_loop3A_292] {strides = array<i32>} : memref<128x128xf32, #tpu.memory_space<vmem>>, vector<1x16xf32>,
        %parallel_loop3A_294 = vector.shape_cast %parallel_loop3A_293 : vector<1x16xf32> to vector<16xf32>
        %parallel_loop3A_295 = vector.shape_cast %parallel_loop3A_290 : vector<16xf32> to vector<1x16xf32>
        tpu.vector_store %arg12[%parallel_loop3A_291, %parallel_loop3A_292], %parallel_loop3A_295 {strides = array<i32>} : memref<128x128xf32, #tpu.memory_space<vmem>>, vector<1x16xf32>,
        %parallel_loop3A_296 = arith.index_cast %parallel_loop3A_208 : i32 to index
        %parallel_loop3A_297 = arith.constant 96 : index
        %parallel_loop3A_298 = tpu.vector_load %arg12[%parallel_loop3A_296, %parallel_loop3A_297] {strides = array<i32>} : memref<128x128xf32, #tpu.memory_space<vmem>>, vector<1x16xf32>,
        %parallel_loop3A_299 = vector.shape_cast %parallel_loop3A_298 : vector<1x16xf32> to vector<16xf32>
        %parallel_loop3A_300 = arith.index_cast %parallel_loop3A_211 : i32 to index
        %parallel_loop3A_301 = arith.constant 96 : index
        %parallel_loop3A_302 = tpu.vector_load %arg7[%parallel_loop3A_300, %parallel_loop3A_301] {strides = array<i32>} : memref<200x128xf32, #tpu.memory_space<vmem>>, vector<1x16xf32>,
        %parallel_loop3A_303 = vector.shape_cast %parallel_loop3A_302 : vector<1x16xf32> to vector<16xf32>
        %parallel_loop3A_304 = arith.addf %parallel_loop3A_299, %parallel_loop3A_303 : vector<16xf32>
        %parallel_loop3A_305 = arith.index_cast %parallel_loop3A_208 : i32 to index
        %parallel_loop3A_306 = arith.constant 96 : index
        %parallel_loop3A_307 = tpu.vector_load %arg12[%parallel_loop3A_305, %parallel_loop3A_306] {strides = array<i32>} : memref<128x128xf32, #tpu.memory_space<vmem>>, vector<1x16xf32>,
        %parallel_loop3A_308 = vector.shape_cast %parallel_loop3A_307 : vector<1x16xf32> to vector<16xf32>
        %parallel_loop3A_309 = vector.shape_cast %parallel_loop3A_304 : vector<16xf32> to vector<1x16xf32>
        tpu.vector_store %arg12[%parallel_loop3A_305, %parallel_loop3A_306], %parallel_loop3A_309 {strides = array<i32>} : memref<128x128xf32, #tpu.memory_space<vmem>>, vector<1x16xf32>,
        %parallel_loop3A_310 = arith.index_cast %parallel_loop3A_208 : i32 to index
        %parallel_loop3A_311 = arith.constant 112 : index
        %parallel_loop3A_312 = tpu.vector_load %arg12[%parallel_loop3A_310, %parallel_loop3A_311] {strides = array<i32>} : memref<128x128xf32, #tpu.memory_space<vmem>>, vector<1x16xf32>,
        %parallel_loop3A_313 = vector.shape_cast %parallel_loop3A_312 : vector<1x16xf32> to vector<16xf32>
        %parallel_loop3A_314 = arith.index_cast %parallel_loop3A_211 : i32 to index
        %parallel_loop3A_315 = arith.constant 112 : index
        %parallel_loop3A_316 = tpu.vector_load %arg7[%parallel_loop3A_314, %parallel_loop3A_315] {strides = array<i32>} : memref<200x128xf32, #tpu.memory_space<vmem>>, vector<1x16xf32>,
        %parallel_loop3A_317 = vector.shape_cast %parallel_loop3A_316 : vector<1x16xf32> to vector<16xf32>
        %parallel_loop3A_318 = arith.addf %parallel_loop3A_313, %parallel_loop3A_317 : vector<16xf32>
        %parallel_loop3A_319 = arith.index_cast %parallel_loop3A_208 : i32 to index
        %parallel_loop3A_320 = arith.constant 112 : index
        %parallel_loop3A_321 = tpu.vector_load %arg12[%parallel_loop3A_319, %parallel_loop3A_320] {strides = array<i32>} : memref<128x128xf32, #tpu.memory_space<vmem>>, vector<1x16xf32>,
        %parallel_loop3A_322 = vector.shape_cast %parallel_loop3A_321 : vector<1x16xf32> to vector<16xf32>
        %parallel_loop3A_323 = vector.shape_cast %parallel_loop3A_318 : vector<16xf32> to vector<1x16xf32>
        tpu.vector_store %arg12[%parallel_loop3A_319, %parallel_loop3A_320], %parallel_loop3A_323 {strides = array<i32>} : memref<128x128xf32, #tpu.memory_space<vmem>>, vector<1x16xf32>,
      } {sc.loop_unroll_factor = 8 : i64, sc.parallel_access}
      %mul3A_193 = arith.constant 128 : i32
      %mul3A_194 = arith.muli %add3A_181, %mul3A_193 : i32
      %add3A_195 = arith.addi %mul3A_2, %mul3A_194 : i32
      %dma_start3A_196 = arith.constant 0 : i32
      %dma_start3A_197 = tpu.memref_slice %arg5[%add3A_195, %dma_start3A_196] : memref<204800x128xf32, #tpu.memory_space<hbm>> -> memref<128x128xf32, #tpu.memory_space<hbm>>
      %dma_start3A_198 = arith.constant 0 : i32
      %dma_start3A_199 = tpu.memref_slice %arg5[%add3A_195, %dma_start3A_198] : memref<204800x128xf32, #tpu.memory_space<hbm>> -> memref<128x128xf32, #tpu.memory_space<hbm>>
      tpu.enqueue_dma source(%arg12 : memref<128x128xf32, #tpu.memory_space<vmem>>) target(%dma_start3A_199 : memref<128x128xf32, #tpu.memory_space<hbm>>) target_semaphore(%arg22 : memref<!tpu.dma_semaphore, #tpu.memory_space<semaphore_mem>>)
      %ge3A_200 = arith.constant 2 : i32
      %ge3A_201 = arith.cmpi sge, %add3A_181, %ge3A_200 : i32
      %le3A_202 = arith.constant 46 : i32
      %le3A_203 = arith.cmpi sle, %add3A_181, %le3A_202 : i32
      %and3A_204 = arith.andi %ge3A_201, %le3A_203 : i1
      %convert_element_type3A_205 = arith.extui %and3A_204 : i1 to i32
      %cond3A_206 = arith.constant 0 : i32
      %cond3A_207 = arith.cmpi ne, %convert_element_type3A_205, %cond3A_206 : i32
      scf.if %cond3A_207 {
        %sub3A = arith.constant 2 : i32
        %sub3A_208 = arith.subi %add3A_181, %sub3A : i32
        %mul3A_209 = arith.constant 128 : i32
        %mul3A_210 = arith.muli %sub3A_208, %mul3A_209 : i32
        %add3A_211 = arith.addi %mul3A_2, %mul3A_210 : i32
        %dma_wait3A_212 = arith.constant 0 : i32
        %dma_wait3A_213 = tpu.memref_slice %arg5[%add3A_211, %dma_wait3A_212] : memref<204800x128xf32, #tpu.memory_space<hbm>> -> memref<128x128xf32, #tpu.memory_space<hbm>>
        %dma_wait3A_214 = arith.constant 0 : i32
        %dma_wait3A_215 = tpu.memref_slice %arg5[%add3A_211, %dma_wait3A_214] : memref<204800x128xf32, #tpu.memory_space<hbm>> -> memref<128x128xf32, #tpu.memory_space<hbm>>
        tpu.wait_dma2 semaphore(%arg20 : memref<!tpu.dma_semaphore, #tpu.memory_space<semaphore_mem>>) src(%arg10 : memref<128x128xf32, #tpu.memory_space<vmem>>) dst(%dma_wait3A_215 : memref<128x128xf32, #tpu.memory_space<hbm>>)
        %add3A_216 = arith.constant 3 : i32
        %add3A_217 = arith.addi %add3A_181, %add3A_216 : i32
        %dma_start3A_218 = arith.constant 0 : i32
        %dma_start3A_219 = tpu.memref_slice %arg6[%add3A_217, %dma_start3A_218] : memref<50x128xi32, #tpu.memory_space<vmem>> -> memref<1x128xi32, #tpu.memory_space<vmem>>
        %dma_start3A_220 = tpu.memref_squeeze %dma_start3A_219 : memref<1x128xi32, #tpu.memory_space<vmem>> -> memref<128xi32, #tpu.memory_space<vmem>>
        %dma_start3A_221 = arith.constant 0 : i32
        %dma_start3A_222 = arith.constant 0 : i32
        %dma_start3A_223 = tpu.memref_slice %arg2[%dma_start3A_221, %dma_start3A_222] : memref<100000x128xf32, #tpu.memory_space<hbm>> -> memref<100000x128xf32, #tpu.memory_space<hbm>>
        tpu.enqueue_indirect_dma source(%dma_start3A_223 : memref<100000x128xf32, #tpu.memory_space<hbm>>) target(%arg10 : memref<128x128xf32, #tpu.memory_space<vmem>>) offsets(%dma_start3A_220 : memref<128xi32, #tpu.memory_space<vmem>>) semaphore(%arg15 : memref<!tpu.dma_semaphore, #tpu.memory_space<semaphore_mem>>)
      } else {
      }
    }
    %scan3A_41 = arith.constant 10 : i32
    %add3A_42 = arith.constant 5760 : i32
    %add3A_43 = arith.addi %mul3A_2, %add3A_42 : i32
    %dma_wait3A = arith.constant 0 : i32
    %dma_wait3A_44 = tpu.memref_slice %arg5[%add3A_43, %dma_wait3A] : memref<204800x128xf32, #tpu.memory_space<hbm>> -> memref<128x128xf32, #tpu.memory_space<hbm>>
    %dma_wait3A_45 = arith.constant 0 : i32
    %dma_wait3A_46 = tpu.memref_slice %arg5[%add3A_43, %dma_wait3A_45] : memref<204800x128xf32, #tpu.memory_space<hbm>> -> memref<128x128xf32, #tpu.memory_space<hbm>>
    tpu.wait_dma2 semaphore(%arg18 : memref<!tpu.dma_semaphore, #tpu.memory_space<semaphore_mem>>) src(%arg8 : memref<128x128xf32, #tpu.memory_space<vmem>>) dst(%dma_wait3A_46 : memref<128x128xf32, #tpu.memory_space<hbm>>)
    %add3A_47 = arith.constant 5888 : i32
    %add3A_48 = arith.addi %mul3A_2, %add3A_47 : i32
    %dma_wait3A_49 = arith.constant 0 : i32
    %dma_wait3A_50 = tpu.memref_slice %arg5[%add3A_48, %dma_wait3A_49] : memref<204800x128xf32, #tpu.memory_space<hbm>> -> memref<128x128xf32, #tpu.memory_space<hbm>>
    %dma_wait3A_51 = arith.constant 0 : i32
    %dma_wait3A_52 = tpu.memref_slice %arg5[%add3A_48, %dma_wait3A_51] : memref<204800x128xf32, #tpu.memory_space<hbm>> -> memref<128x128xf32, #tpu.memory_space<hbm>>
    tpu.wait_dma2 semaphore(%arg19 : memref<!tpu.dma_semaphore, #tpu.memory_space<semaphore_mem>>) src(%arg9 : memref<128x128xf32, #tpu.memory_space<vmem>>) dst(%dma_wait3A_52 : memref<128x128xf32, #tpu.memory_space<hbm>>)
    %add3A_53 = arith.constant 6016 : i32
    %add3A_54 = arith.addi %mul3A_2, %add3A_53 : i32
    %dma_wait3A_55 = arith.constant 0 : i32
    %dma_wait3A_56 = tpu.memref_slice %arg5[%add3A_54, %dma_wait3A_55] : memref<204800x128xf32, #tpu.memory_space<hbm>> -> memref<128x128xf32, #tpu.memory_space<hbm>>
    %dma_wait3A_57 = arith.constant 0 : i32
    %dma_wait3A_58 = tpu.memref_slice %arg5[%add3A_54, %dma_wait3A_57] : memref<204800x128xf32, #tpu.memory_space<hbm>> -> memref<128x128xf32, #tpu.memory_space<hbm>>
    tpu.wait_dma2 semaphore(%arg20 : memref<!tpu.dma_semaphore, #tpu.memory_space<semaphore_mem>>) src(%arg10 : memref<128x128xf32, #tpu.memory_space<vmem>>) dst(%dma_wait3A_58 : memref<128x128xf32, #tpu.memory_space<hbm>>)
    %add3A_59 = arith.constant 6144 : i32
    %add3A_60 = arith.addi %mul3A_2, %add3A_59 : i32
    %dma_wait3A_61 = arith.constant 0 : i32
    %dma_wait3A_62 = tpu.memref_slice %arg5[%add3A_60, %dma_wait3A_61] : memref<204800x128xf32, #tpu.memory_space<hbm>> -> memref<128x128xf32, #tpu.memory_space<hbm>>
    %dma_wait3A_63 = arith.constant 0 : i32
    %dma_wait3A_64 = tpu.memref_slice %arg5[%add3A_60, %dma_wait3A_63] : memref<204800x128xf32, #tpu.memory_space<hbm>> -> memref<128x128xf32, #tpu.memory_space<hbm>>
    tpu.wait_dma2 semaphore(%arg21 : memref<!tpu.dma_semaphore, #tpu.memory_space<semaphore_mem>>) src(%arg11 : memref<128x128xf32, #tpu.memory_space<vmem>>) dst(%dma_wait3A_64 : memref<128x128xf32, #tpu.memory_space<hbm>>)
    %add3A_65 = arith.constant 6272 : i32
    %add3A_66 = arith.addi %mul3A_2, %add3A_65 : i32
    %dma_wait3A_67 = arith.constant 0 : i32
    %dma_wait3A_68 = tpu.memref_slice %arg5[%add3A_66, %dma_wait3A_67] : memref<204800x128xf32, #tpu.memory_space<hbm>> -> memref<128x128xf32, #tpu.memory_space<hbm>>
    %dma_wait3A_69 = arith.constant 0 : i32
    %dma_wait3A_70 = tpu.memref_slice %arg5[%add3A_66, %dma_wait3A_69] : memref<204800x128xf32, #tpu.memory_space<hbm>> -> memref<128x128xf32, #tpu.memory_space<hbm>>
    tpu.wait_dma2 semaphore(%arg22 : memref<!tpu.dma_semaphore, #tpu.memory_space<semaphore_mem>>) src(%arg12 : memref<128x128xf32, #tpu.memory_space<vmem>>) dst(%dma_wait3A_70 : memref<128x128xf32, #tpu.memory_space<hbm>>)
    return
  }
}

</mosaic_0001>

<sc_bundles>
// kernel: kernel.3.cloned.1.call-start
scs
__scs_entry_jumppad:
0x0: {  	(pc) =	sbr.rel $0x88, $3  }
0x1: {  	(tag) =	ssettag $0x0;
	lr =	simm.s32 $0x1  }
0x2: {  	[smem:$0x3F9E] =	sst lr;
	_ =	strace $0xD0000000  }
0x3: {  	_ = 	snop  }
0x4: {  	_ = 	snop  }
0x5: {  	_ = 	snop  }
0x6: {  	_ = 	snop  }
0x7: {  	_ = 	snop  }
__scs_overlays_trampoline_lowered:
0x8: {  	[smem:$0x3FAD] =	sst s0  }
0x9: {  	[smem:$0x3FAE] =	sst s1  }
0xa: {  	[smem:$0x3FAF] =	sst s2  }
0xb: {  	[smem:$0x3FB0] =	sst s3  }
0xc: {  	[smem:$0x3FB1] =	sst s4  }
0xd: {  	[smem:$0x3FB2] =	sst s5  }
0xe: {  	[smem:$0x3FB3] =	sst s6  }
0xf: {  	[smem:$0x3FB4] =	sst s7  }
0x10: {  	[smem:$0x3FB5] =	sst s8  }
0x11: {  	[smem:$0x3FB6] =	sst s9;
	s0 =	simm.s32 @!p0 $0x0  }
0x12: {  	s1 =	sld [smem:$0x3F9C];
	s0 =	simm.s32 @p0 $0x1  }
0x13: {  	[smem:$0x3FB7] =	sst s0;
	s0 =	simm.s32 @!p1 $0x0  }
0x14: {  	s2 =	sld [smem:$0x3F9B];
	s0 =	simm.s32 @p1 $0x1  }
0x15: {  	[smem:$0x3FB8] =	sst s0;
	s0 =	simm.s32 @!p2 $0x0  }
0x16: {  	s3 =	sld [smem:$0x3FDB];
	s0 =	simm.s32 @p2 $0x1  }
0x17: {  	s4 =	simm.s32 $0x1BF5;
	[smem:$0x3FBA] =	sst s0  }
0x18: {  	s0 =	sld [smem:$0x3F9D];
	_ =	swait.ge [sflag:s4], $0x0  }
0x19: {  	s7 =	sld [smem:$0x3F9E]  }
0x1a: {  	s8 =	sadd.s32 $0xFFFFE003, lr  }
0x1b: {  	s9 =	sadd.s32 $0xFFFFFEF7, lr;
	s5 =	simm.s32 $0xFFFFFFFF;
	p2 =	slt.u32 s8, $0xFFFFF086  }
0x1c: {  	p1 =	slt.u32 s9, $0xF7A;
	s5 =	simm.s32 @!p2 $0x0  }
0x1d: {  	s5 =	simm.s32 @p1 $0x1;
	p0 =	seq.s32 s7, s2  }
0x1e: {  	s7 =	smul.u32 @!p0 $0xF7A, s2;
	p2 =	seq.s32 @!p0 s5, $0x0  }
0x1f: {  	s9 =	smul.u32 $0xF7A, s1;
	s8 =	simm.s32 @!p0 $0x1BF5;
	p2 =	por !p2, p0  }
0x20: {  	[sflag:s8] =	ssyncset.s32 @!p0 $0xFFFFF086;
	s6 =	sadd.s32 @!p0 s3, s7;
	s7 =	simm.s32 @!p0 $0x108  }
0x21: {  	s3 =	sadd.s32 s3, s9;
	s6 =	sadd.s32 @!p0 $0x88, s6;
	s7 =	simm.s32 @p2 $0x1082  }
0x22: {  	[simem:s7], [sflag:s8] =	dma.local @!p0 [hbm:s6], $0xF7A  }
0x23: {  	s9 =	sor.u32 $0xD0000000, s2;
	s6 =	simm.s32 $0x108;
	_ =	swait.ge @!p0 [sflag:s8], $0x0  }
0x24: {  	s3 =	sadd.s32 $0x88, s3;
	s6 =	simm.s32 @!p1 $0x1082;
	[sflag:s4] =	ssyncset.s32 $0xFFFFF086  }
0x25: {  	[simem:s6], [sflag:s4] =	dma.local [hbm:s3], $0xF7A  }
0x26: {  	[smem:$0x3F9E] =	sst s1;
	(tag) =	ssettag s2;
	_ =	strace s9  }
0x27: {  	s1 =	sld [smem:$0x3FAE]  }
0x28: {  	s2 =	sld [smem:$0x3FAF]  }
0x29: {  	s4 =	sld [smem:$0x3FB1]  }
0x2a: {  	p0 =	seq.s32 s5, $0x0;
	s5 =	sld [smem:$0x3FB2]  }
0x2b: {  	s6 =	sld [smem:$0x3FB3]  }
0x2c: {  	s7 =	sld [smem:$0x3FB4]  }
0x2d: {  	s3 =	simm.s32 $0x108;
	s8 =	sld [smem:$0x3FB5]  }
0x2e: {  	s3 =	simm.s32 @!p0 $0x1082;
	s9 =	sld [smem:$0x3FB6]  }
0x2f: {  	lr =	sadd.s32 s0, s3;
	s0 =	sld [smem:$0x3FAD]  }
0x30: {  	s3 =	sld [smem:$0x3FB0]  }
0x31: {  	[smem:$0x3FB9] =	sst s10  }
0x32: {  	s10 =	sld [smem:$0x3FB7];
	_ =	sdelay $0x3  }
0x33: {  	p0 =	seq.s32 s10, $0x1;
	s10 =	sld [smem:$0x3FB9];
	_ =	sdelay $0x3  }
0x34: {  	[smem:$0x3FB9] =	sst s10  }
0x35: {  	s10 =	sld [smem:$0x3FB8];
	_ =	sdelay $0x3  }
0x36: {  	p1 =	seq.s32 s10, $0x1;
	s10 =	sld [smem:$0x3FB9];
	_ =	sdelay $0x3  }
0x37: {  	[smem:$0x3FB9] =	sst s10  }
0x38: {  	s10 =	sld [smem:$0x3FBA]  }
0x39: {  	_ = 	snop;
	(pc) =	sbr.ind lr, $3  }
0x3a: {  	_ = 	snop  }
0x3b: {  	_ = 	snop  }
0x3c: {  	p2 =	seq.s32 s10, $0x1;
	s10 =	sld [smem:$0x3FB9]  }
0x3d: {  	_ =	shalt  }
0x3e: {  	_ =	shalt  }
0x3f: {  	_ =	shalt  }
0x40: {  	_ =	shalt  }
0x41: {  	_ =	shalt  }
0x42: {  	_ =	shalt  }
0x43: {  	_ =	shalt  }
0x44: {  	_ =	shalt  }
0x45: {  	_ =	shalt  }
0x46: {  	_ =	shalt  }
0x47: {  	_ =	shalt  }
0x48: {  	_ =	shalt  }
0x49: {  	_ =	shalt  }
0x4a: {  	_ =	shalt  }
0x4b: {  	_ =	shalt  }
0x4c: {  	_ =	shalt  }
0x4d: {  	_ =	shalt  }
0x4e: {  	_ =	shalt  }
0x4f: {  	_ =	shalt  }
0x50: {  	_ =	shalt  }
0x51: {  	_ =	shalt  }
0x52: {  	_ =	shalt  }
0x53: {  	_ =	shalt  }
0x54: {  	_ =	shalt  }
0x55: {  	_ =	shalt  }
0x56: {  	_ =	shalt  }
0x57: {  	_ =	shalt  }
0x58: {  	_ =	shalt  }
0x59: {  	_ =	shalt  }
0x5a: {  	_ =	shalt  }
0x5b: {  	_ =	shalt  }
0x5c: {  	_ =	shalt  }
0x5d: {  	_ =	shalt  }
0x5e: {  	_ =	shalt  }
0x5f: {  	_ =	shalt  }
0x60: {  	_ =	shalt  }
0x61: {  	_ =	shalt  }
0x62: {  	_ =	shalt  }
0x63: {  	_ =	shalt  }
0x64: {  	_ =	shalt  }
0x65: {  	_ =	shalt  }
0x66: {  	_ =	shalt  }
0x67: {  	_ =	shalt  }
0x68: {  	_ =	shalt  }
0x69: {  	_ =	shalt  }
0x6a: {  	_ =	shalt  }
0x6b: {  	_ =	shalt  }
0x6c: {  	_ =	shalt  }
0x6d: {  	_ =	shalt  }
0x6e: {  	_ =	shalt  }
0x6f: {  	_ =	shalt  }
0x70: {  	_ =	shalt  }
0x71: {  	_ =	shalt  }
0x72: {  	_ =	shalt  }
0x73: {  	_ =	shalt  }
0x74: {  	_ =	shalt  }
0x75: {  	_ =	shalt  }
0x76: {  	_ =	shalt  }
0x77: {  	_ =	shalt  }
0x78: {  	_ =	shalt  }
0x79: {  	_ =	shalt  }
0x7a: {  	_ =	shalt  }
0x7b: {  	_ =	shalt  }
0x7c: {  	_ =	shalt  }
0x7d: {  	_ =	shalt  }
0x7e: {  	_ =	shalt  }
0x7f: {  	_ =	shalt  }
0x80: {  	_ =	shalt  }
0x81: {  	_ =	shalt  }
0x82: {  	_ =	shalt  }
0x83: {  	_ =	shalt  }
0x84: {  	_ =	shalt  }
0x85: {  	_ =	shalt  }
0x86: {  	_ =	shalt  }
0x87: {  	_ =	shalt  }
.Lfunc_end0:
.L_simem_size_0:
called_computation_lowered:
.L_overlay_start_0:
0x88: {  	s2 =	sld [smem:$0x3FD9]  }
0x89: {  	s3 =	sld [smem:$0x3FFE];
	_ =	sdelay $0x1  }
0x8a: {  	s1 =	srdreg.scid  }
0x8b: {  	s0 =	sand.u32 $0x1, s1  }
0x8c: {  	s17 =	sshll.u32 s0, $0xA;
	s2 =	sadd.s32 s3, s2  }
0x8d: {  	s2 =	sadd.s32 s2, s17  }
0x8e: {  	[smem:$0x3FC5] =	sst s2  }
0x8f: {  	_ = 	snop  }
0x90: {  	s2 =	sld [smem:$0x3FC8]  }
0x91: {  	s18 =	sld [smem:$0x3FD0];
	(tm) =	ssettm $0x1  }
0x92: {  	s4 =	sld [smem:$0x3FFB];
	_ =	sdelay $0x3  }
0x93: {  	_ =	strace s4  }
0x94: {  	s4 =	sld [smem:$0x3FFC];
	_ =	sdelay $0x3  }
0x95: {  	_ =	strace s4  }
0x96: {  	s4 =	sld [smem:$0x3FFD];
	_ =	sdelay $0x3  }
0x97: {  	_ =	strace s4  }
0x98: {  	_ =	strace $0x8FFFFFFF  }
0x99: {  	s19 =	sld [smem:$0x3FDB];
	_ =	sdelay $0x1  }
0x9a: {  	s5 =	simm.s32 $_scs_section_size  }
0x9b: {  	s6 =	simm.s32 $_size__tile_overlayer_lowered;
	s7 =	simm.s32 $_tile_overlayer_lowered  }
0x9c: {  	s22 =	simm.s32 $0x1BFF;
	s21 =	sshll.u32 s7, $0x1;
	s4 =	sadd.s32 s5, s19  }
0x9d: {  	s8 =	simm.s32 $0x0;
	s20 =	sshll.u32 s6, $0x1;
	s6 =	sadd.s32 s21, s4  }
0x9e: {  	[timem:s8], [sflag:s22] =	dma.local [hbm:s6], s20  }
0x9f: {  	_ =	swait.ge [sflag:s22], s20  }
0xa0: {  	s5 =	ssub.s32 $0x0, s20;
	[sflag:s22] =	ssyncset.done $0x0  }
0xa1: {  	[sflag:s22] =	ssyncadd.s32 s5;
	_ =	sdelay $0x1  }
0xa2: {  	s23 =	simm.s32 $0x1B8B  }
0xa3: {  	_ =	swait.ge [sflag:s23], $0x1  }
0xa4: {  	[sflag:s23] =	ssyncset.done $0x0  }
0xa5: {  	s25 =	simm.s32 $0x1B8E;
	s24 =	sld [smem:$0x3FFE];
	[sflag:s23] =	ssyncadd.s32 $0xFFFFFFFF  }
0xa6: {  	s26 =	simm.s32 $execute0_lowered;
	[smem:$0x3FD2] =	sst s25  }
0xa7: {  	s6 =	sshll.u32 s26, $0x1;
	_ =	strace $0x80000046;
	[dreg:$0x1] =	wrdreg $0xFFFFFFFF  }
0xa8: {  	s28 =	simm.s32 $_size_execute0_lowered;
	s4 =	sadd.s32 s4, s6;
	[dreg:$0x0] =	wrdreg $0x0  }
0xa9: {  	s6 =	sshll.u32 s28, $0x1;
	[dreg:$0x2] =	wrdreg s4  }
0xaa: {  	[dreg:$0x3] =	wrdreg s6  }
0xab: {  	[dreg:$0x4] =	wrdreg $0xC0  }
0xac: {  	_ =	task [dreg:s8], $0x5FFFF  }
0xad: {  	[dreg:$0x1] =	wrdreg $0xFFFFFFFF  }
0xae: {  	[dreg:$0x0] =	wrdreg $0x60  }
0xaf: {  	[dreg:$0x2] =	wrdreg s2  }
0xb0: {  	[dreg:$0x3] =	wrdreg s24  }
0xb1: {  	[dreg:$0x4] =	wrdreg s18  }
0xb2: {  	[dreg:$0x5] =	wrdreg $0x9  }
0xb3: {  	_ =	task.clear_ibuf [dreg:s8], $0x6FFFF;
	_ =	strace $0x90000046  }
0xb4: {  	s29 =	simm.s32 $0x9;
	_ =	strace $0x80000048  }
0xb5: {  	_ =	swait.ge [sflag:s29], $0x1  }
0xb6: {  	[sflag:s29] =	ssyncadd.s32 $0xFFFFFFFF  }
0xb7: {  	_ =	strace $0x90000048  }
0xb8: {  	_ =	sfence  }
0xb9: {  	s30 =	sld [smem:$0x0];
	_ =	sdelay $0x2  }
0xba: {  	s31 =	sshll.u32 s1, $0xD;
	s1 =	sshrl.u32 s1, $0x2  }
0xbb: {  	s3 =	sand.u32 $0x4000, s31;
	s1 =	sadd.s32 s1, s30  }
0xbc: {  	s0 =	sor.u32 s3, s0;
	s1 =	sshll.u32 s1, $0x11  }
0xbd: {  	s0 =	sor.u32 s1, s0  }
0xbe: {  	s0 =	sadd.s32 $0x8F2B, s0  }
0xbf: {  	[sflag:s0] =	ssyncadd.remote.s32 $0x1  }
0xc0: {  	_ =	sfence.sel $0xFFFF  }
0xc1: {  	[dreg:$0x0] =	wrdreg $0xFFFFFFFF;
	(pc) =	sbr.abs _section_cstart, $3  }
0xc2: {  	[dreg:$0x1] =	wrdreg $0xFFFFFFFF  }
0xc3: {  	_ =	task.clear_ibuf [dreg:s8], $0x2FFFF;
	_ =	strace $0x9FFFFFFF  }
0xc4: {  	(tm) =	ssettm $0x7FFFFFFF  }
0xc5: {  	_ =	shalt  }
tec
execute0_lowered:
.L_overlay_start_1:
0x0: {  	(tag) =	ssettag $0x1  }
0x1: {  	s1 =	rddreg [dreg:$0x0]  }
0x2: {  	s0 =	rddreg [dreg:$0x1];
	s2 =	srdreg.scid  }
0x3: {  	s4 =	stileid.u32;
	s3 =	rddreg [dreg:$0x2]  }
0x4: {  	s13 =	simm.s32 $0x10000;
	s17 =	simm.s32 $0x1;
	s18 =	simm.s32 $0x2  }
0x5: {  	s19 =	simm.s32 $0x3;
	s2 =	sand.u32 $0x1, s2;
	s5 =	sshll.u32 s4, $0x1  }
0x6: {  	s20 =	simm.s32 $0x4;
	s4 =	simm.s32 $0x0;
	s5 =	sor.u32 s2, s5  }
0x7: {  	s21 =	simm.s32 $0x5;
	[smem:$0x7FF] =	sst s4;
	s6 =	smul.u32 $0x380, s5  }
.Ltmp0:
0x8: {  	s2 =	ssub.s32 $0x2, s2;
	_ =	strace $0x80000047;
	(pc) =	sbr.rel .LBB2_1-.Ltmp0, $4  }
0x9: {  	s30 =	sshrl.u32 s2, $0x1;
	s7 =	sadd.s32 s6, s0;
	s0 =	sadd.s32 $0x400, s0  }
0xa: {  	[dreg:$0x4] =	wrdreg s0;
	s0 =	ssub.s32 s2, s30;
	s31 =	sadd.s32 $0x1200, s7  }
0xb: {  	s24 =	simm.s32 $0x8;
	[dreg:$0x5] =	wrdreg s31;
	s0 =	smax.u32 s0, $0x1  }
0xc: {  	s6 =	smul.u32 $0x1900, s5;
	s5 =	simm.s32 $0x0;
	[dreg:$0x6] =	wrdreg s0  }
.LBB2_14:
0xd: {  	s0 =	simm.s32 $0x6  }
0xe: {  	_ =	swait.ge [sflag:s0], $0x4000  }
0xf: {  	[sflag:s0] =	ssyncset.done $0x0  }
0x10: {  	s29 =	simm.s32 $0x7;
	[sflag:s0] =	ssyncadd.s32 $0xFFFFC000  }
0x11: {  	_ =	swait.ge [sflag:s29], $0x4000  }
0x12: {  	[sflag:s29] =	ssyncset.done $0x0  }
0x13: {  	[sflag:s29] =	ssyncadd.s32 $0xFFFFC000  }
0x14: {  	_ =	swait.ge [sflag:s24], $0x4000  }
0x15: {  	[sflag:s24] =	ssyncset.done $0x0  }
0x16: {  	s30 =	simm.s32 $0x9;
	[sflag:s24] =	ssyncadd.s32 $0xFFFFC000  }
0x17: {  	_ =	swait.ge [sflag:s30], $0x4000  }
0x18: {  	[sflag:s30] =	ssyncset.done $0x0  }
0x19: {  	s2 =	simm.s32 $0xA;
	[sflag:s30] =	ssyncadd.s32 $0xFFFFC000  }
0x1a: {  	_ =	swait.ge [sflag:s2], $0x4000  }
0x1b: {  	s5 =	rddreg [dreg:$0x7]  }
0x1c: {  	s31 =	rddreg [dreg:$0x6];
	s5 =	sadd.s32 $0x1, s5  }
0x1d: {  	p0 =	sne.s32 s5, s31  }
.Ltmp1:
0x1e: {  	_ = 	snop;
	(pc) =	sbr.rel @!p0 .LBB2_15-.Ltmp1, $3  }
0x1f: {  	_ =	sdelay $0x1  }
0x20: {  	[sflag:s2] =	ssyncset.done $0x0  }
0x21: {  	[sflag:s2] =	ssyncadd.s32 $0xFFFFC000  }
.LBB2_1:
0x22: {  	[dreg:$0x7] =	wrdreg s5  }
0x23: {  	s0 =	rddreg [dreg:$0x5];
	s15 =	simm.s32 $0xC  }
0x24: {  	[tilespmem:s4], [sflag:$0xC] =	stream.linear.gather [hbm4b:s0+s4], $0x1900, $0x38;
	[tilespmem:$0x1C000] =	vst v63  }
0x25: {  	_ =	swait.ge [sflag:s15], $0x1900  }
0x26: {  	[sflag:s15] =	ssyncset.done $0x0  }
0x27: {  	s2 =	simm.s32 $0x1C00;
	s16 =	rddreg [dreg:$0x4];
	[sflag:s15] =	ssyncadd.s32 $0xFFFFE700  }
0x28: {  	[tilespmem:s2], [sflag:$0xB] =	stream.linear.gather [hbm4b:s16+s4], $0x6400, $0x38;
	[tilespmem:$0x1C000] =	vst v63  }
0x29: {  	s22 =	simm.s32 $0x8000;
	s23 =	simm.s32 $0x80  }
0x2a: {  	[tilespmem:s22], [sflag:$0x1] =	stream.indirect.gather [hbm4b:s1+s23], $0x80, s4, s23, $0xb8;
	[tilespmem:$0x1C000] =	vst v63  }
0x2b: {  	s25 =	simm.s32 $0xC000  }
0x2c: {  	[tilespmem:s25], [sflag:$0x2] =	stream.indirect.gather [hbm4b:s1+s23], $0x80, s23, s23, $0xb8;
	[tilespmem:$0x1C000] =	vst v63  }
0x2d: {  	s30 =	simm.s32 $0x100;
	s31 =	simm.s32 $0x180  }
0x2e: {  	[tilespmem:s13], [sflag:$0x3] =	stream.indirect.gather [hbm4b:s1+s23], $0x80, s30, s23, $0xb8;
	[tilespmem:$0x1C000] =	vst v63  }
0x2f: {  	s26 =	simm.s32 $0x14000;
	s28 =	simm.s32 $0x18000;
	s29 =	simm.s32 $0xB  }
0x30: {  	[tilespmem:s26], [sflag:$0x4] =	stream.indirect.gather [hbm4b:s1+s23], $0x80, s31, s23, $0xb8;
	[tilespmem:$0x1C000] =	vst v63  }
0x31: {  	s5 =	simm.s32 $0x9FF0;
	s7 =	simm.s32 $0xDFF0;
	s2 =	simm.s32 $0x200  }
0x32: {  	[tilespmem:s28], [sflag:$0x5] =	stream.indirect.gather [hbm4b:s1+s23], $0x80, s2, s23, $0xb8;
	[tilespmem:$0x1C000] =	vst v63  }
0x33: {  	s8 =	simm.s32 $0x11FF0;
	s9 =	simm.s32 $0x80;
	_ =	swait.ge [sflag:s29], $0x6400  }
0x34: {  	s0 =	simm.s32 $0x1FF0;
	s15 =	simm.s32 $0x5FF0;
	[sflag:s29] =	ssyncset.done $0x0  }
0x35: {  	s16 =	simm.s32 $0x0;
	s22 =	simm.s32 $0x0;
	[sflag:s29] =	ssyncadd.s32 $0xFFFF9C00  }
.LBB2_2:
0x36: {  	_ =	swait.ge [sflag:s17], $0x4000  }
0x37: {  	[sflag:s17] =	ssyncset.done $0x0  }
0x38: {  	s25 =	simm.s32 $0x8200;
	[sflag:s17] =	ssyncadd.s32 $0xFFFFC000  }
0x39: {  	v0 =	vld [tilespmem:s25+$0x180]  }
0x3a: {  	v9 =	vld [tilespmem:s25+$0xFFFFFE00]  }
0x3b: {  	v10 =	vld [tilespmem:s25+$0xFFFFFE80]  }
0x3c: {  	v11 =	vld [tilespmem:s25+$0xFFFFFF00]  }
0x3d: {  	v12 =	vld [tilespmem:s25+$0xFFFFFF80]  }
0x3e: {  	v13 =	vld [tilespmem:s25+$0x0]  }
0x3f: {  	v27 =	vld [tilespmem:s25+$0x100]  }
0x40: {  	v28 =	vld [tilespmem:s25+$0xFFFFFE10]  }
0x41: {  	v29 =	vld [tilespmem:s25+$0xFFFFFE90]  }
0x42: {  	v30 =	vld [tilespmem:s25+$0xFFFFFF10]  }
0x43: {  	v31 =	vld [tilespmem:s25+$0xFFFFFF90]  }
0x44: {  	s10 =	smulhi.u32 $0x51EB851F, s16;
	v32 =	vld [tilespmem:s25+$0x10]  }
0x45: {  	v33 =	vld [tilespmem:s25+$0x110]  }
0x46: {  	s10 =	sshrl.u32 s10, $0x6;
	v34 =	vld [tilespmem:s25+$0xFFFFFE20]  }
0x47: {  	s10 =	smul.u32 $0xFFFE7000, s10;
	v35 =	vld [tilespmem:s25+$0xFFFFFEA0]  }
0x48: {  	v36 =	vld [tilespmem:s25+$0xFFFFFF20]  }
0x49: {  	v37 =	vld [tilespmem:s25+$0xFFFFFFA0];
	s10 =	sshra.s32 s10, $0x2  }
0x4a: {  	v38 =	vld [tilespmem:s25+$0x20];
	s10 =	sadd.s32 s10, s0  }
0x4b: {  	v1 =	vld [tilespmem:s10+$0xFFFFFF90]  }
0x4c: {  	v39 =	vld [tilespmem:s25+$0x120]  }
0x4d: {  	v41 =	vld [tilespmem:s25+$0xFFFFFEB0]  }
0x4e: {  	v42 =	vld [tilespmem:s25+$0xFFFFFF30]  }
0x4f: {  	v43 =	vld [tilespmem:s25+$0xFFFFFFB0]  }
0x50: {  	v44 =	vld [tilespmem:s25+$0x30];
	v0 =	vadd.f32 v1, v0  }
0x51: {  	v45 =	vld [tilespmem:s25+$0x130]  }
0x52: {  	[tilespmem:s25+$0x180] =	vst v0;
	v0 =	vld [tilespmem:s25+$0x190]  }
0x53: {  	v1 =	vld [tilespmem:s10+$0xFFFFFFA0]  }
0x54: {  	v47 =	vld [tilespmem:s25+$0xFFFFFEC0]  }
0x55: {  	v48 =	vld [tilespmem:s25+$0xFFFFFF40]  }
0x56: {  	v49 =	vld [tilespmem:s25+$0xFFFFFFC0]  }
0x57: {  	v50 =	vld [tilespmem:s25+$0x40]  }
0x58: {  	v51 =	vld [tilespmem:s25+$0xC0];
	v0 =	vadd.f32 v1, v0  }
0x59: {  	v53 =	vld [tilespmem:s25+$0xFFFFFE50]  }
0x5a: {  	[tilespmem:s25+$0x190] =	vst v0;
	v0 =	vld [tilespmem:s25+$0x1A0]  }
0x5b: {  	v8 =	vld [tilespmem:s10+$0xFFFFFFB0]  }
0x5c: {  	v2 =	vld [tilespmem:s10+$0xFFFFFC10]  }
0x5d: {  	v3 =	vld [tilespmem:s10+$0xFFFFFC90]  }
0x5e: {  	v4 =	vld [tilespmem:s10+$0xFFFFFD10]  }
0x5f: {  	v54 =	vld [tilespmem:s25+$0xFFFFFF50]  }
0x60: {  	v55 =	vld [tilespmem:s25+$0xFFFFFFD0];
	v0 =	vadd.f32 v8, v0  }
0x61: {  	v56 =	vld [tilespmem:s25+$0x50];
	v2 =	vadd.f32 v2, v9  }
0x62: {  	[tilespmem:s25+$0x1A0] =	vst v0;
	v0 =	vadd.f32 v3, v10;
	v3 =	vld [tilespmem:s25+$0x1B0]  }
0x63: {  	[tilespmem:s25+$0xFFFFFE00] =	vst v2;
	v2 =	vadd.f32 v4, v11;
	v4 =	vld [tilespmem:s10+$0xFFFFFFC0]  }
0x64: {  	v6 =	vld [tilespmem:s10+$0xFFFFFE10]  }
0x65: {  	v1 =	vld [tilespmem:s10+$0xFFFFFE90]  }
0x66: {  	v8 =	vld [tilespmem:s25+$0x80]  }
0x67: {  	v5 =	vld [tilespmem:s10+$0xFFFFFD90]  }
0x68: {  	v57 =	vld [tilespmem:s25+$0xD0];
	v3 =	vadd.f32 v4, v3  }
0x69: {  	v7 =	vld [tilespmem:s10+$0xFFFFFF10]  }
0x6a: {  	[tilespmem:s25+$0x1B0] =	vst v3;
	v3 =	vld [tilespmem:s25+$0x1C0]  }
0x6b: {  	[tilespmem:s25+$0xFFFFFF00] =	vst v2;
	v2 =	vadd.f32 v6, v13;
	v1 =	vadd.f32 v1, v8;
	v8 =	vld [tilespmem:s10+$0xFFFFFFD0]  }
0x6c: {  	[tilespmem:s25+$0xFFFFFE80] =	vst v0;
	v0 =	vadd.f32 v5, v12;
	v5 =	vld [tilespmem:s10+$0xFFFFFC20]  }
0x6d: {  	[tilespmem:s25+$0x0] =	vst v2;
	v6 =	vld [tilespmem:s10+$0xFFFFFCA0]  }
0x6e: {  	v58 =	vld [tilespmem:s25+$0xFFFFFE60];
	v7 =	vadd.f32 v7, v27;
	[tilespmem:s25+$0xFFFFFF80] =	vst v0  }
0x6f: {  	[tilespmem:s25+$0x80] =	vst v1;
	v1 =	vld [tilespmem:s10+$0xFFFFFE20]  }
0x70: {  	[tilespmem:s25+$0x100] =	vst v7;
	v2 =	vld [tilespmem:s10+$0xFFFFFDA0];
	v3 =	vadd.f32 v8, v3  }
0x71: {  	v7 =	vld [tilespmem:s10+$0xFFFFFF20];
	v5 =	vadd.f32 v5, v28  }
0x72: {  	[tilespmem:s25+$0x1C0] =	vst v3;
	v3 =	vadd.f32 v6, v29;
	v6 =	vld [tilespmem:s25+$0x1D0]  }
0x73: {  	[tilespmem:s25+$0xFFFFFE10] =	vst v5;
	v5 =	vld [tilespmem:s10+$0xFFFFFFE0]  }
0x74: {  	v0 =	vld [tilespmem:s10+$0xFFFFFD20];
	v1 =	vadd.f32 v1, v32  }
0x75: {  	v4 =	vld [tilespmem:s10+$0xFFFFFEA0];
	v2 =	vadd.f32 v2, v31  }
0x76: {  	[tilespmem:s25+$0x10] =	vst v1;
	v1 =	vadd.f32 v7, v33;
	v8 =	vld [tilespmem:s25+$0x90]  }
0x77: {  	v59 =	vld [tilespmem:s25+$0xFFFFFF60];
	[tilespmem:s25+$0xFFFFFF90] =	vst v2  }
0x78: {  	v7 =	vld [tilespmem:s10+$0xFFFFFDB0];
	[tilespmem:s25+$0x110] =	vst v1;
	v5 =	vadd.f32 v5, v6  }
0x79: {  	v6 =	vld [tilespmem:s10+$0xFFFFFF30]  }
0x7a: {  	[tilespmem:s25+$0x1D0] =	vst v5;
	v5 =	vld [tilespmem:s25+$0x1E0]  }
0x7b: {  	v0 =	vadd.f32 v0, v30;
	v2 =	vadd.f32 v4, v8;
	v8 =	vld [tilespmem:s10+$0xFFFFFFF0]  }
0x7c: {  	[tilespmem:s25+$0xFFFFFE90] =	vst v3;
	v3 =	vld [tilespmem:s10+$0xFFFFFC30]  }
0x7d: {  	[tilespmem:s25+$0xFFFFFF10] =	vst v0;
	v0 =	vld [tilespmem:s10+$0xFFFFFCB0]  }
0x7e: {  	v4 =	vld [tilespmem:s10+$0xFFFFFD30]  }
0x7f: {  	[tilespmem:s25+$0x90] =	vst v2;
	v2 =	vld [tilespmem:s10+$0xFFFFFE30];
	v6 =	vadd.f32 v6, v39  }
0x80: {  	v1 =	vld [tilespmem:s10+$0xFFFFFEB0];
	v5 =	vadd.f32 v8, v5  }
0x81: {  	v3 =	vadd.f32 v3, v34;
	[tilespmem:s25+$0x120] =	vst v6;
	v8 =	vld [tilespmem:s25+$0xA0]  }
0x82: {  	v6 =	vld [tilespmem:s25+$0xFFFFFE30];
	[tilespmem:s25+$0x1E0] =	vst v5;
	v5 =	vadd.f32 v0, v35  }
0x83: {  	[tilespmem:s25+$0xFFFFFE20] =	vst v3;
	v3 =	vadd.f32 v4, v36;
	v40 =	vld [tilespmem:s10+$0xFFFFFF40]  }
0x84: {  	[tilespmem:s25+$0xFFFFFEA0] =	vst v5;
	v5 =	vadd.f32 v7, v37;
	v7 =	vld [tilespmem:s10+$0xFFFFFC40]  }
0x85: {  	v2 =	vadd.f32 v2, v38;
	[tilespmem:s25+$0xFFFFFF20] =	vst v3;
	v3 =	vld [tilespmem:s10+$0xFFFFFCC0]  }
0x86: {  	v1 =	vadd.f32 v1, v8;
	[tilespmem:s25+$0xFFFFFFA0] =	vst v5;
	v5 =	vld [tilespmem:s10+$0xFFFFFD40]  }
0x87: {  	[tilespmem:s25+$0x20] =	vst v2;
	v2 =	vld [tilespmem:s10+$0xFFFFFDC0]  }
0x88: {  	[tilespmem:s25+$0xA0] =	vst v1;
	v1 =	vld [tilespmem:s10+$0xFFFFFE40]  }
0x89: {  	v8 =	vld [tilespmem:s10+$0xFFFFFEC0];
	v6 =	vadd.f32 v7, v6  }
0x8a: {  	v7 =	vld [tilespmem:s25+$0xB0]  }
0x8b: {  	v3 =	vadd.f32 v3, v41;
	[tilespmem:s25+$0xFFFFFE30] =	vst v6;
	v6 =	vld [tilespmem:s25+$0xFFFFFE40]  }
0x8c: {  	v5 =	vadd.f32 v5, v42;
	v46 =	vld [tilespmem:s10+$0xFFFFFC50]  }
0x8d: {  	v60 =	vld [tilespmem:s25+$0xFFFFFFE0];
	[tilespmem:s25+$0xFFFFFEB0] =	vst v3;
	v1 =	vadd.f32 v1, v44  }
0x8e: {  	v61 =	vld [tilespmem:s25+$0x60];
	v2 =	vadd.f32 v2, v43;
	[tilespmem:s25+$0xFFFFFF30] =	vst v5  }
0x8f: {  	v3 =	vld [tilespmem:s10+$0xFFFFFCD0];
	[tilespmem:s25+$0x30] =	vst v1;
	v1 =	vadd.f32 v40, v45  }
0x90: {  	v5 =	vld [tilespmem:s10+$0xFFFFFD50];
	[tilespmem:s25+$0xFFFFFFB0] =	vst v2  }
0x91: {  	v2 =	vadd.f32 v8, v7;
	v7 =	vld [tilespmem:s10+$0xFFFFFDD0];
	[tilespmem:s25+$0x130] =	vst v1;
	v6 =	vadd.f32 v46, v6  }
0x92: {  	v1 =	vld [tilespmem:s10+$0xFFFFFF50]  }
0x93: {  	[tilespmem:s25+$0xFFFFFE40] =	vst v6;
	v6 =	vld [tilespmem:s25+$0x140]  }
0x94: {  	v62 =	vld [tilespmem:s25+$0xE0];
	v3 =	vadd.f32 v3, v47  }
0x95: {  	v8 =	vld [tilespmem:s10+$0xFFFFFE50];
	[tilespmem:s25+$0xB0] =	vst v2  }
0x96: {  	v2 =	vld [tilespmem:s10+$0xFFFFFED0];
	[tilespmem:s25+$0xFFFFFEC0] =	vst v3  }
0x97: {  	v5 =	vadd.f32 v5, v48;
	v3 =	vadd.f32 v7, v49;
	v7 =	vld [tilespmem:s10+$0xFFFFFCE0]  }
0x98: {  	v1 =	vadd.f32 v1, v6;
	v6 =	vld [tilespmem:s25+$0xFFFFFED0]  }
0x99: {  	v52 =	vld [tilespmem:s10+$0xFFFFFC60];
	[tilespmem:s25+$0xFFFFFF40] =	vst v5  }
0x9a: {  	v5 =	vadd.f32 v8, v50;
	v8 =	vld [tilespmem:s10+$0xFFFFFD60];
	[tilespmem:s25+$0xFFFFFFC0] =	vst v3  }
0x9b: {  	v3 =	vld [tilespmem:s10+$0xFFFFFDE0];
	[tilespmem:s25+$0x140] =	vst v1  }
0x9c: {  	v2 =	vadd.f32 v2, v51;
	v1 =	vld [tilespmem:s10+$0xFFFFFF60]  }
0x9d: {  	[tilespmem:s25+$0x40] =	vst v5;
	v6 =	vadd.f32 v7, v6;
	v7 =	vld [tilespmem:s25+$0x150]  }
0x9e: {  	v5 =	vld [tilespmem:s10+$0xFFFFFE60];
	[tilespmem:s25+$0xC0] =	vst v2;
	v9 =	vadd.f32 v52, v53  }
0x9f: {  	v2 =	vld [tilespmem:s10+$0xFFFFFEE0];
	v8 =	vadd.f32 v8, v54  }
0xa0: {  	v0 =	vld [tilespmem:s25+$0x1F0];
	[tilespmem:s25+$0xFFFFFE50] =	vst v9  }
0xa1: {  	v9 =	vld [tilespmem:s10+$0xFFFFFC70];
	v3 =	vadd.f32 v3, v55;
	[tilespmem:s25+$0xFFFFFF50] =	vst v8  }
0xa2: {  	v8 =	vld [tilespmem:s10+$0xFFFFFD70];
	[tilespmem:s25+$0xFFFFFED0] =	vst v6;
	v1 =	vadd.f32 v1, v7  }
0xa3: {  	v5 =	vadd.f32 v5, v56;
	[tilespmem:s25+$0xFFFFFFD0] =	vst v3;
	v6 =	vld [tilespmem:s10+$0xFFFFFCF0]  }
0xa4: {  	v2 =	vadd.f32 v2, v57;
	[tilespmem:s25+$0x150] =	vst v1;
	v1 =	vld [tilespmem:s25+$0xFFFFFEE0]  }
0xa5: {  	v3 =	vld [tilespmem:s10+$0xFFFFFDF0];
	[tilespmem:s25+$0x50] =	vst v5  }
0xa6: {  	v5 =	vld [tilespmem:s10+$0xFFFFFE70];
	[tilespmem:s25+$0xD0] =	vst v2  }
0xa7: {  	v2 =	vld [tilespmem:s10+$0xFFFFFEF0]  }
0xa8: {  	v9 =	vadd.f32 v9, v58;
	v7 =	vld [tilespmem:s10+$0xFFFFFF70]  }
0xa9: {  	v8 =	vadd.f32 v8, v59;
	v1 =	vadd.f32 v6, v1;
	v6 =	vld [tilespmem:s25+$0x160]  }
0xaa: {  	v4 =	vld [tilespmem:s10+$0x0];
	[tilespmem:s25+$0xFFFFFE60] =	vst v9;
	v12 =	vadd.f32 v3, v60  }
0xab: {  	v63 =	vld [tilespmem:s25+$0xFFFFFE70];
	[tilespmem:s25+$0xFFFFFF60] =	vst v8;
	v5 =	vadd.f32 v5, v61  }
0xac: {  	v9 =	vld [tilespmem:s10+$0xFFFFFC80];
	[tilespmem:s25+$0xFFFFFFE0] =	vst v12  }
0xad: {  	v8 =	vadd.f32 v2, v62;
	v2 =	vld [tilespmem:s10+$0xFFFFFE00];
	[tilespmem:s25+$0x60] =	vst v5  }
0xae: {  	[tilespmem:s25+$0xFFFFFEE0] =	vst v1;
	v1 =	vld [tilespmem:s10+$0xFFFFFD80];
	v5 =	vadd.f32 v7, v6  }
0xaf: {  	[tilespmem:s25+$0xE0] =	vst v8;
	v3 =	vld [tilespmem:s10+$0xFFFFFD00];
	v6 =	vadd.f32 v4, v0  }
0xb0: {  	v0 =	vld [tilespmem:s10+$0xFFFFFE80];
	[tilespmem:s25+$0x160] =	vst v5  }
0xb1: {  	s23 =	smul.u32 $0x280, s22;
	s11 =	simm.s32 $0x0;
	v4 =	vld [tilespmem:s10+$0xFFFFFF00];
	[tilespmem:s25+$0x1F0] =	vst v6;
	v6 =	vadd.f32 v9, v63  }
0xb2: {  	s12 =	sadd.s32 $0x8, s16;
	s26 =	simm.s32 $0x8200;
	s14 =	smov.u32 s0;
	v5 =	vld [tilespmem:s10+$0xFFFFFF80]  }
.LBB2_3:
0xb3: {  	s10 =	smulhi.u32 $0x51EB851F, s12;
	s11 =	sadd.s32 $0x8, s11;
	[tilespmem:s25+$0xFFFFFE70] =	vst v6;
	v6 =	vld [tilespmem:s25+$0xFFFFFEF0]  }
0xb4: {  	p0 =	slt.u32 s11, $0x78;
	v7 =	vld [tilespmem:s25+$0xFFFFFF70]  }
0xb5: {  	s10 =	sshrl.u32 s10, $0x6;
	v8 =	vld [tilespmem:s25+$0xFFFFFFF0]  }
0xb6: {  	s10 =	smul.u32 $0xFFFE7000, s10;
	v9 =	vld [tilespmem:s25+$0x70]  }
0xb7: {  	v10 =	vld [tilespmem:s25+$0xF0]  }
0xb8: {  	s14 =	sadd.s32 $0x400, s14;
	s25 =	sadd.s32 $0x400, s25;
	s10 =	sshra.s32 s10, $0x2;
	v3 =	vadd.f32 v3, v6;
	v6 =	vld [tilespmem:s26+$0x170]  }
0xb9: {  	s10 =	sadd.s32 s10, s14;
	v11 =	vld [tilespmem:s25+$0x180];
	v1 =	vadd.f32 v1, v7  }
0xba: {  	v7 =	vld [tilespmem:s10+$0xFFFFFF90];
	[tilespmem:s26+$0xFFFFFEF0] =	vst v3;
	v2 =	vadd.f32 v2, v8  }
0xbb: {  	v3 =	vld [tilespmem:s10+$0xFFFFFC10];
	[tilespmem:s26+$0xFFFFFF70] =	vst v1;
	v0 =	vadd.f32 v0, v9  }
0xbc: {  	v1 =	vld [tilespmem:s10+$0xFFFFFC90];
	[tilespmem:s26+$0xFFFFFFF0] =	vst v2;
	v2 =	vadd.f32 v4, v10  }
0xbd: {  	v4 =	vld [tilespmem:s10+$0xFFFFFD10];
	[tilespmem:s26+$0x70] =	vst v0;
	v0 =	vadd.f32 v5, v6  }
0xbe: {  	v5 =	vld [tilespmem:s10+$0xFFFFFD90];
	[tilespmem:s26+$0xF0] =	vst v2  }
0xbf: {  	v2 =	vld [tilespmem:s10+$0xFFFFFE10];
	v6 =	vadd.f32 v7, v11;
	[tilespmem:s26+$0x170] =	vst v0;
	s26 =	smov.u32 s25  }
0xc0: {  	v0 =	vld [tilespmem:s10+$0xFFFFFE90]  }
0xc1: {  	[tilespmem:s25+$0x180] =	vst v6;
	v6 =	vld [tilespmem:s25+$0x190]  }
0xc2: {  	v7 =	vld [tilespmem:s10+$0xFFFFFFA0]  }
0xc3: {  	v8 =	vld [tilespmem:s10+$0xFFFFFF10]  }
0xc4: {  	v9 =	vld [tilespmem:s25+$0xFFFFFE00]  }
0xc5: {  	v10 =	vld [tilespmem:s25+$0xFFFFFE80]  }
0xc6: {  	v11 =	vld [tilespmem:s25+$0xFFFFFF00]  }
0xc7: {  	v12 =	vld [tilespmem:s25+$0xFFFFFF80];
	v6 =	vadd.f32 v7, v6  }
0xc8: {  	v7 =	vld [tilespmem:s25+$0x0]  }
0xc9: {  	v3 =	vadd.f32 v3, v9;
	[tilespmem:s25+$0x190] =	vst v6;
	v6 =	vld [tilespmem:s25+$0x1A0]  }
0xca: {  	v1 =	vadd.f32 v1, v10;
	v9 =	vld [tilespmem:s10+$0xFFFFFFB0]  }
0xcb: {  	[tilespmem:s25+$0xFFFFFE00] =	vst v3;
	v3 =	vadd.f32 v4, v11;
	v4 =	vld [tilespmem:s25+$0x80]  }
0xcc: {  	[tilespmem:s25+$0xFFFFFE80] =	vst v1;
	v1 =	vadd.f32 v5, v12;
	v5 =	vld [tilespmem:s25+$0x100]  }
0xcd: {  	v10 =	vld [tilespmem:s10+$0xFFFFFC20];
	[tilespmem:s25+$0xFFFFFF00] =	vst v3;
	v2 =	vadd.f32 v2, v7  }
0xce: {  	v3 =	vld [tilespmem:s10+$0xFFFFFCA0];
	[tilespmem:s25+$0xFFFFFF80] =	vst v1  }
0xcf: {  	v1 =	vld [tilespmem:s10+$0xFFFFFD20];
	[tilespmem:s25+$0x0] =	vst v2;
	v2 =	vadd.f32 v9, v6  }
0xd0: {  	v6 =	vld [tilespmem:s10+$0xFFFFFDA0];
	v0 =	vadd.f32 v0, v4  }
0xd1: {  	v4 =	vadd.f32 v8, v5;
	[tilespmem:s25+$0x1A0] =	vst v2;
	v2 =	vld [tilespmem:s25+$0x1B0]  }
0xd2: {  	[tilespmem:s25+$0x80] =	vst v0;
	v0 =	vld [tilespmem:s10+$0xFFFFFFC0]  }
0xd3: {  	v5 =	vld [tilespmem:s10+$0xFFFFFE20];
	[tilespmem:s25+$0x100] =	vst v4  }
0xd4: {  	v4 =	vld [tilespmem:s10+$0xFFFFFEA0]  }
0xd5: {  	v7 =	vld [tilespmem:s10+$0xFFFFFF20]  }
0xd6: {  	v8 =	vld [tilespmem:s25+$0xFFFFFE10]  }
0xd7: {  	v9 =	vld [tilespmem:s25+$0xFFFFFE90];
	v0 =	vadd.f32 v0, v2  }
0xd8: {  	v2 =	vld [tilespmem:s25+$0xFFFFFF10]  }
0xd9: {  	[tilespmem:s25+$0x1B0] =	vst v0;
	v0 =	vld [tilespmem:s25+$0x1C0]  }
0xda: {  	v11 =	vld [tilespmem:s10+$0xFFFFFFD0]  }
0xdb: {  	v8 =	vadd.f32 v10, v8;
	v10 =	vld [tilespmem:s25+$0xFFFFFF90]  }
0xdc: {  	v3 =	vadd.f32 v3, v9;
	v9 =	vld [tilespmem:s25+$0x10]  }
0xdd: {  	[tilespmem:s25+$0xFFFFFE10] =	vst v8;
	v1 =	vadd.f32 v1, v2;
	v2 =	vld [tilespmem:s25+$0x90]  }
0xde: {  	[tilespmem:s25+$0xFFFFFE90] =	vst v3;
	v3 =	vld [tilespmem:s25+$0x110]  }
0xdf: {  	v8 =	vld [tilespmem:s10+$0xFFFFFC30];
	[tilespmem:s25+$0xFFFFFF10] =	vst v1;
	v0 =	vadd.f32 v11, v0  }
0xe0: {  	v1 =	vld [tilespmem:s10+$0xFFFFFCB0];
	v6 =	vadd.f32 v6, v10  }
0xe1: {  	v5 =	vadd.f32 v5, v9;
	[tilespmem:s25+$0x1C0] =	vst v0;
	v0 =	vld [tilespmem:s25+$0x1D0]  }
0xe2: {  	[tilespmem:s25+$0xFFFFFF90] =	vst v6;
	v2 =	vadd.f32 v4, v2;
	v4 =	vld [tilespmem:s10+$0xFFFFFFE0]  }
0xe3: {  	v6 =	vld [tilespmem:s10+$0xFFFFFD30];
	[tilespmem:s25+$0x10] =	vst v5;
	v3 =	vadd.f32 v7, v3  }
0xe4: {  	v5 =	vld [tilespmem:s10+$0xFFFFFDB0];
	[tilespmem:s25+$0x90] =	vst v2  }
0xe5: {  	v2 =	vld [tilespmem:s10+$0xFFFFFE30];
	[tilespmem:s25+$0x110] =	vst v3  }
0xe6: {  	v3 =	vld [tilespmem:s10+$0xFFFFFEB0]  }
0xe7: {  	v7 =	vld [tilespmem:s10+$0xFFFFFF30];
	v0 =	vadd.f32 v4, v0  }
0xe8: {  	v4 =	vld [tilespmem:s25+$0xFFFFFE20]  }
0xe9: {  	[tilespmem:s25+$0x1D0] =	vst v0;
	v0 =	vld [tilespmem:s25+$0x1E0]  }
0xea: {  	v9 =	vld [tilespmem:s10+$0xFFFFFFF0]  }
0xeb: {  	v10 =	vld [tilespmem:s25+$0xFFFFFEA0]  }
0xec: {  	v11 =	vld [tilespmem:s25+$0xFFFFFF20]  }
0xed: {  	v4 =	vadd.f32 v8, v4;
	v8 =	vld [tilespmem:s25+$0xFFFFFFA0]  }
0xee: {  	v12 =	vld [tilespmem:s25+$0x20]  }
0xef: {  	[tilespmem:s25+$0xFFFFFE20] =	vst v4;
	v4 =	vld [tilespmem:s25+$0xA0];
	v0 =	vadd.f32 v9, v0  }
0xf0: {  	v1 =	vadd.f32 v1, v10;
	v9 =	vld [tilespmem:s25+$0x120]  }
0xf1: {  	v6 =	vadd.f32 v6, v11;
	[tilespmem:s25+$0x1E0] =	vst v0;
	v0 =	vld [tilespmem:s25+$0x1F0]  }
0xf2: {  	[tilespmem:s25+$0xFFFFFEA0] =	vst v1;
	v1 =	vadd.f32 v5, v8;
	v5 =	vld [tilespmem:s10+$0x0]  }
0xf3: {  	v8 =	vld [tilespmem:s10+$0xFFFFFC40];
	[tilespmem:s25+$0xFFFFFF20] =	vst v6;
	v2 =	vadd.f32 v2, v12  }
0xf4: {  	v6 =	vld [tilespmem:s10+$0xFFFFFCC0];
	[tilespmem:s25+$0xFFFFFFA0] =	vst v1;
	v1 =	vadd.f32 v3, v4  }
0xf5: {  	v3 =	vld [tilespmem:s10+$0xFFFFFD40];
	[tilespmem:s25+$0x20] =	vst v2;
	v2 =	vadd.f32 v7, v9  }
0xf6: {  	v4 =	vld [tilespmem:s10+$0xFFFFFDC0];
	[tilespmem:s25+$0xA0] =	vst v1  }
0xf7: {  	v1 =	vld [tilespmem:s10+$0xFFFFFE40];
	[tilespmem:s25+$0x120] =	vst v2;
	v0 =	vadd.f32 v5, v0  }
0xf8: {  	v2 =	vld [tilespmem:s10+$0xFFFFFEC0]  }
0xf9: {  	v5 =	vld [tilespmem:s10+$0xFFFFFF40];
	[tilespmem:s25+$0x1F0] =	vst v0  }
0xfa: {  	v0 =	vld [tilespmem:s25+$0xFFFFFE30]  }
0xfb: {  	v7 =	vld [tilespmem:s25+$0xFFFFFEB0]  }
0xfc: {  	v9 =	vld [tilespmem:s25+$0xFFFFFF30]  }
0xfd: {  	v10 =	vld [tilespmem:s25+$0xFFFFFFB0]  }
0xfe: {  	v11 =	vld [tilespmem:s25+$0x30]  }
0xff: {  	v0 =	vadd.f32 v8, v0;
	v8 =	vld [tilespmem:s25+$0xB0]  }
0x100: {  	v6 =	vadd.f32 v6, v7;
	v7 =	vld [tilespmem:s25+$0x130]  }
0x101: {  	[tilespmem:s25+$0xFFFFFE30] =	vst v0;
	v0 =	vld [tilespmem:s25+$0xFFFFFE40];
	v3 =	vadd.f32 v3, v9  }
0x102: {  	v9 =	vld [tilespmem:s10+$0xFFFFFC50];
	[tilespmem:s25+$0xFFFFFEB0] =	vst v6;
	v4 =	vadd.f32 v4, v10  }
0x103: {  	v6 =	vld [tilespmem:s10+$0xFFFFFCD0];
	[tilespmem:s25+$0xFFFFFF30] =	vst v3;
	v1 =	vadd.f32 v1, v11  }
0x104: {  	v3 =	vld [tilespmem:s10+$0xFFFFFD50];
	[tilespmem:s25+$0xFFFFFFB0] =	vst v4;
	v2 =	vadd.f32 v2, v8  }
0x105: {  	v4 =	vld [tilespmem:s10+$0xFFFFFDD0];
	[tilespmem:s25+$0x30] =	vst v1;
	v1 =	vadd.f32 v5, v7  }
0x106: {  	v5 =	vld [tilespmem:s10+$0xFFFFFE50];
	[tilespmem:s25+$0xB0] =	vst v2  }
0x107: {  	v0 =	vadd.f32 v9, v0;
	v2 =	vld [tilespmem:s10+$0xFFFFFED0];
	[tilespmem:s25+$0x130] =	vst v1  }
0x108: {  	v1 =	vld [tilespmem:s10+$0xFFFFFF50]  }
0x109: {  	[tilespmem:s25+$0xFFFFFE40] =	vst v0;
	v0 =	vld [tilespmem:s25+$0xFFFFFEC0]  }
0x10a: {  	v7 =	vld [tilespmem:s25+$0xFFFFFF40]  }
0x10b: {  	v8 =	vld [tilespmem:s25+$0xFFFFFFC0]  }
0x10c: {  	v9 =	vld [tilespmem:s25+$0x40]  }
0x10d: {  	v10 =	vld [tilespmem:s25+$0xC0]  }
0x10e: {  	v0 =	vadd.f32 v6, v0;
	v6 =	vld [tilespmem:s25+$0x140]  }
0x10f: {  	v11 =	vld [tilespmem:s10+$0xFFFFFC60];
	v3 =	vadd.f32 v3, v7  }
0x110: {  	v7 =	vld [tilespmem:s25+$0xFFFFFE50];
	[tilespmem:s25+$0xFFFFFEC0] =	vst v0;
	v0 =	vadd.f32 v4, v8  }
0x111: {  	v4 =	vld [tilespmem:s10+$0xFFFFFCE0];
	[tilespmem:s25+$0xFFFFFF40] =	vst v3;
	v3 =	vadd.f32 v5, v9  }
0x112: {  	v5 =	vld [tilespmem:s10+$0xFFFFFD60];
	[tilespmem:s25+$0xFFFFFFC0] =	vst v0;
	v0 =	vadd.f32 v2, v10  }
0x113: {  	v2 =	vld [tilespmem:s10+$0xFFFFFDE0];
	[tilespmem:s25+$0x40] =	vst v3;
	v1 =	vadd.f32 v1, v6  }
0x114: {  	v3 =	vld [tilespmem:s10+$0xFFFFFE60];
	[tilespmem:s25+$0xC0] =	vst v0  }
0x115: {  	v0 =	vadd.f32 v11, v7;
	v6 =	vld [tilespmem:s10+$0xFFFFFEE0];
	[tilespmem:s25+$0x140] =	vst v1  }
0x116: {  	v1 =	vld [tilespmem:s10+$0xFFFFFF60]  }
0x117: {  	[tilespmem:s25+$0xFFFFFE50] =	vst v0;
	v0 =	vld [tilespmem:s25+$0xFFFFFED0]  }
0x118: {  	v7 =	vld [tilespmem:s25+$0xFFFFFF50]  }
0x119: {  	v8 =	vld [tilespmem:s25+$0xFFFFFFD0]  }
0x11a: {  	v9 =	vld [tilespmem:s25+$0x50]  }
0x11b: {  	v10 =	vld [tilespmem:s25+$0xD0]  }
0x11c: {  	v0 =	vadd.f32 v4, v0;
	v4 =	vld [tilespmem:s25+$0x150]  }
0x11d: {  	v11 =	vld [tilespmem:s10+$0xFFFFFC70];
	v5 =	vadd.f32 v5, v7  }
0x11e: {  	v7 =	vld [tilespmem:s25+$0xFFFFFE60];
	[tilespmem:s25+$0xFFFFFED0] =	vst v0;
	v0 =	vadd.f32 v2, v8  }
0x11f: {  	v2 =	vld [tilespmem:s10+$0xFFFFFCF0];
	[tilespmem:s25+$0xFFFFFF50] =	vst v5;
	v3 =	vadd.f32 v3, v9  }
0x120: {  	v5 =	vld [tilespmem:s10+$0xFFFFFD70];
	[tilespmem:s25+$0xFFFFFFD0] =	vst v0;
	v0 =	vadd.f32 v6, v10  }
0x121: {  	v6 =	vld [tilespmem:s10+$0xFFFFFDF0];
	[tilespmem:s25+$0x50] =	vst v3;
	v1 =	vadd.f32 v1, v4  }
0x122: {  	v4 =	vld [tilespmem:s10+$0xFFFFFE70];
	[tilespmem:s25+$0xD0] =	vst v0  }
0x123: {  	v0 =	vadd.f32 v11, v7;
	v7 =	vld [tilespmem:s10+$0xFFFFFEF0];
	[tilespmem:s25+$0x150] =	vst v1  }
0x124: {  	v8 =	vld [tilespmem:s10+$0xFFFFFF70]  }
0x125: {  	[tilespmem:s25+$0xFFFFFE60] =	vst v0;
	v0 =	vld [tilespmem:s25+$0xFFFFFEE0]  }
0x126: {  	v1 =	vld [tilespmem:s25+$0xFFFFFF60]  }
0x127: {  	v3 =	vld [tilespmem:s25+$0xFFFFFFE0]  }
0x128: {  	v9 =	vld [tilespmem:s25+$0x60]  }
0x129: {  	v10 =	vld [tilespmem:s25+$0xE0]  }
0x12a: {  	v0 =	vadd.f32 v2, v0;
	v11 =	vld [tilespmem:s25+$0x160]  }
0x12b: {  	v12 =	vld [tilespmem:s10+$0xFFFFFC80];
	v1 =	vadd.f32 v5, v1  }
0x12c: {  	v5 =	vld [tilespmem:s25+$0xFFFFFE70];
	[tilespmem:s25+$0xFFFFFEE0] =	vst v0;
	v0 =	vadd.f32 v6, v3  }
0x12d: {  	v3 =	vld [tilespmem:s10+$0xFFFFFD00];
	[tilespmem:s25+$0xFFFFFF60] =	vst v1;
	v4 =	vadd.f32 v4, v9  }
.Ltmp2:
0x12e: {  	v1 =	vld [tilespmem:s10+$0xFFFFFD80];
	[tilespmem:s25+$0xFFFFFFE0] =	vst v0;
	v6 =	vadd.f32 v7, v10;
	(pc) =	sbr.rel @p0 .LBB2_3-.Ltmp2, $4  }
0x12f: {  	v2 =	vld [tilespmem:s10+$0xFFFFFE00];
	[tilespmem:s25+$0x60] =	vst v4;
	v7 =	vadd.f32 v8, v11  }
0x130: {  	v0 =	vld [tilespmem:s10+$0xFFFFFE80];
	[tilespmem:s25+$0xE0] =	vst v6  }
0x131: {  	v6 =	vadd.f32 v12, v5;
	v4 =	vld [tilespmem:s10+$0xFFFFFF00];
	[tilespmem:s25+$0x160] =	vst v7  }
0x132: {  	s12 =	sadd.s32 $0x8, s12;
	v5 =	vld [tilespmem:s10+$0xFFFFFF80]  }
0x133: {  	v7 =	vld [tilespmem:s25+$0xFFFFFEF0]  }
0x134: {  	v8 =	vld [tilespmem:s25+$0xFFFFFF70]  }
0x135: {  	v9 =	vld [tilespmem:s25+$0xFFFFFFF0]  }
0x136: {  	v10 =	vld [tilespmem:s25+$0x70]  }
0x137: {  	v11 =	vld [tilespmem:s25+$0xF0]  }
0x138: {  	v3 =	vadd.f32 v3, v7;
	v7 =	vld [tilespmem:s26+$0x170]  }
0x139: {  	[tilespmem:s25+$0xFFFFFE70] =	vst v6;
	v1 =	vadd.f32 v1, v8  }
0x13a: {  	v2 =	vadd.f32 v2, v9;
	[tilespmem:s26+$0xFFFFFEF0] =	vst v3  }
0x13b: {  	v0 =	vadd.f32 v0, v10;
	[tilespmem:s26+$0xFFFFFF70] =	vst v1  }
0x13c: {  	[tilespmem:s26+$0xFFFFFFF0] =	vst v2;
	v1 =	vadd.f32 v4, v11  }
0x13d: {  	s10 =	sadd.s32 s6, s23;
	s25 =	smul.u32 $0x5, s22;
	[tilespmem:s26+$0x70] =	vst v0;
	v0 =	vadd.f32 v5, v7  }
0x13e: {  	s10 =	sshll.u32 s10, $0x4;
	[tilespmem:s26+$0xF0] =	vst v1  }
0x13f: {  	s11 =	simm.s32 $0x8000;
	s10 =	sadd.s32 s3, s10;
	[tilespmem:s26+$0x170] =	vst v0;
	s26 =	sadd.s32 $0xFFFFFFFE, s25  }
0x140: {  	[hbm4b:s10+s4] =	stream.linear.scatter [tilespmem:s11], [sflag:$0x6], $0x4000, $0x38;
	[tilespmem:$0x1C000] =	vst v63  }
0x141: {  	s14 =	smulhi.u32 $0x51EB851F, s9;
	p0 =	sgt.u32 s26, $0x2C  }
0x142: {  	s10 =	simm.s32 @!p0 $0x9;
	s11 =	smul.u32 @!p0 $0xA00, s22  }
0x143: {  	s28 =	sshrl.u32 s14, $0x6;
	_ =	swait.ge @!p0 [sflag:s10], $0x4000  }
0x144: {  	s12 =	simm.s32 @!p0 $0x14000;
	[sflag:s10] =	ssyncset.done @!p0 $0x0;
	s11 =	sshra.s32 @!p0 s11, $0x2  }
0x145: {  	[sflag:s10] =	ssyncadd.s32 @!p0 $0xFFFFC000;
	s10 =	sadd.s32 @!p0 $0x180, s11;
	s11 =	simm.s32 @!p0 $0x80  }
0x146: {  	[tilespmem:s12], [sflag:$0x4] =	stream.indirect.gather @!p0 [hbm4b:s1+s11], $0x80, s10, s11, $0xb8;
	[tilespmem:$0x1C000] =	vst v63  }
0x147: {  	s10 =	smul.u32 $0xFFFE7000, s28;
	_ =	swait.ge [sflag:s18], $0x4000  }
0x148: {  	[sflag:s18] =	ssyncset.done $0x0  }
0x149: {  	s26 =	simm.s32 $0xC200;
	s10 =	sshra.s32 s10, $0x2;
	[sflag:s18] =	ssyncadd.s32 $0xFFFFC000  }
0x14a: {  	s10 =	sadd.s32 s10, s15;
	v0 =	vld [tilespmem:s26+$0x180]  }
0x14b: {  	v1 =	vld [tilespmem:s10+$0xFFFFFF90]  }
0x14c: {  	v2 =	vld [tilespmem:s10+$0xFFFFFC10]  }
0x14d: {  	v3 =	vld [tilespmem:s10+$0xFFFFFC90]  }
0x14e: {  	v4 =	vld [tilespmem:s10+$0xFFFFFD10]  }
0x14f: {  	v5 =	vld [tilespmem:s10+$0xFFFFFD90]  }
0x150: {  	v6 =	vld [tilespmem:s10+$0xFFFFFE10]  }
0x151: {  	v7 =	vld [tilespmem:s10+$0xFFFFFF10]  }
0x152: {  	v24 =	vld [tilespmem:s26+$0xFFFFFE00]  }
0x153: {  	v25 =	vld [tilespmem:s26+$0xFFFFFE80]  }
0x154: {  	v26 =	vld [tilespmem:s26+$0xFFFFFF00]  }
0x155: {  	v12 =	vld [tilespmem:s26+$0xFFFFFF80]  }
0x156: {  	v13 =	vld [tilespmem:s26+$0x0]  }
0x157: {  	v27 =	vld [tilespmem:s26+$0x100]  }
0x158: {  	v28 =	vld [tilespmem:s26+$0xFFFFFE10]  }
0x159: {  	v29 =	vld [tilespmem:s26+$0xFFFFFE90]  }
0x15a: {  	v30 =	vld [tilespmem:s26+$0xFFFFFF10]  }
0x15b: {  	v31 =	vld [tilespmem:s26+$0xFFFFFF90]  }
0x15c: {  	v32 =	vld [tilespmem:s26+$0x10]  }
0x15d: {  	v33 =	vld [tilespmem:s26+$0x110]  }
0x15e: {  	v34 =	vld [tilespmem:s26+$0xFFFFFE20]  }
0x15f: {  	v35 =	vld [tilespmem:s26+$0xFFFFFEA0]  }
0x160: {  	v36 =	vld [tilespmem:s26+$0xFFFFFF20]  }
0x161: {  	v37 =	vld [tilespmem:s26+$0xFFFFFFA0];
	v0 =	vadd.f32 v1, v0  }
0x162: {  	v38 =	vld [tilespmem:s26+$0x20]  }
0x163: {  	[tilespmem:s26+$0x180] =	vst v0;
	v0 =	vld [tilespmem:s26+$0x190]  }
0x164: {  	v1 =	vld [tilespmem:s10+$0xFFFFFFA0]  }
0x165: {  	v39 =	vld [tilespmem:s26+$0x120]  }
0x166: {  	v41 =	vld [tilespmem:s26+$0xFFFFFEB0]  }
0x167: {  	v42 =	vld [tilespmem:s26+$0xFFFFFF30]  }
0x168: {  	v43 =	vld [tilespmem:s26+$0xFFFFFFB0]  }
0x169: {  	v44 =	vld [tilespmem:s26+$0x30];
	v0 =	vadd.f32 v1, v0  }
0x16a: {  	v45 =	vld [tilespmem:s26+$0x130]  }
0x16b: {  	[tilespmem:s26+$0x190] =	vst v0;
	v0 =	vld [tilespmem:s26+$0x1A0]  }
0x16c: {  	v8 =	vld [tilespmem:s10+$0xFFFFFFB0]  }
0x16d: {  	v47 =	vld [tilespmem:s26+$0xFFFFFEC0]  }
0x16e: {  	v48 =	vld [tilespmem:s26+$0xFFFFFF40]  }
0x16f: {  	v49 =	vld [tilespmem:s26+$0xFFFFFFC0]  }
0x170: {  	v50 =	vld [tilespmem:s26+$0x40]  }
0x171: {  	v51 =	vld [tilespmem:s26+$0xC0];
	v0 =	vadd.f32 v8, v0  }
0x172: {  	v53 =	vld [tilespmem:s26+$0xFFFFFE50];
	v2 =	vadd.f32 v2, v24  }
0x173: {  	[tilespmem:s26+$0x1A0] =	vst v0;
	v0 =	vadd.f32 v3, v25;
	v3 =	vld [tilespmem:s26+$0x1B0]  }
0x174: {  	[tilespmem:s26+$0xFFFFFE00] =	vst v2;
	v2 =	vadd.f32 v4, v26;
	v4 =	vld [tilespmem:s10+$0xFFFFFFC0]  }
0x175: {  	v54 =	vld [tilespmem:s26+$0xFFFFFF50]  }
0x176: {  	v1 =	vld [tilespmem:s10+$0xFFFFFE90]  }
0x177: {  	v8 =	vld [tilespmem:s26+$0x80]  }
0x178: {  	v55 =	vld [tilespmem:s26+$0xFFFFFFD0]  }
0x179: {  	v56 =	vld [tilespmem:s26+$0x50];
	v3 =	vadd.f32 v4, v3  }
0x17a: {  	v57 =	vld [tilespmem:s26+$0xD0]  }
0x17b: {  	[tilespmem:s26+$0x1B0] =	vst v3;
	v3 =	vld [tilespmem:s26+$0x1C0]  }
0x17c: {  	[tilespmem:s26+$0xFFFFFF00] =	vst v2;
	v2 =	vadd.f32 v6, v13;
	v1 =	vadd.f32 v1, v8;
	v8 =	vld [tilespmem:s10+$0xFFFFFFD0]  }
0x17d: {  	[tilespmem:s26+$0xFFFFFE80] =	vst v0;
	v0 =	vadd.f32 v5, v12;
	v5 =	vld [tilespmem:s10+$0xFFFFFC20]  }
0x17e: {  	[tilespmem:s26+$0x0] =	vst v2;
	v6 =	vld [tilespmem:s10+$0xFFFFFCA0]  }
0x17f: {  	v58 =	vld [tilespmem:s26+$0xFFFFFE60];
	v7 =	vadd.f32 v7, v27;
	[tilespmem:s26+$0xFFFFFF80] =	vst v0  }
0x180: {  	[tilespmem:s26+$0x80] =	vst v1;
	v1 =	vld [tilespmem:s10+$0xFFFFFE20]  }
0x181: {  	[tilespmem:s26+$0x100] =	vst v7;
	v2 =	vld [tilespmem:s10+$0xFFFFFDA0];
	v3 =	vadd.f32 v8, v3  }
0x182: {  	v7 =	vld [tilespmem:s10+$0xFFFFFF20];
	v5 =	vadd.f32 v5, v28  }
0x183: {  	[tilespmem:s26+$0x1C0] =	vst v3;
	v3 =	vadd.f32 v6, v29;
	v6 =	vld [tilespmem:s26+$0x1D0]  }
0x184: {  	[tilespmem:s26+$0xFFFFFE10] =	vst v5;
	v5 =	vld [tilespmem:s10+$0xFFFFFFE0]  }
0x185: {  	v0 =	vld [tilespmem:s10+$0xFFFFFD20];
	v1 =	vadd.f32 v1, v32  }
0x186: {  	v4 =	vld [tilespmem:s10+$0xFFFFFEA0];
	v2 =	vadd.f32 v2, v31  }
0x187: {  	[tilespmem:s26+$0x10] =	vst v1;
	v1 =	vadd.f32 v7, v33;
	v8 =	vld [tilespmem:s26+$0x90]  }
0x188: {  	v59 =	vld [tilespmem:s26+$0xFFFFFF60];
	[tilespmem:s26+$0xFFFFFF90] =	vst v2  }
0x189: {  	v7 =	vld [tilespmem:s10+$0xFFFFFDB0];
	[tilespmem:s26+$0x110] =	vst v1;
	v5 =	vadd.f32 v5, v6  }
0x18a: {  	v6 =	vld [tilespmem:s10+$0xFFFFFF30]  }
0x18b: {  	[tilespmem:s26+$0x1D0] =	vst v5;
	v5 =	vld [tilespmem:s26+$0x1E0]  }
0x18c: {  	v0 =	vadd.f32 v0, v30;
	v2 =	vadd.f32 v4, v8;
	v8 =	vld [tilespmem:s10+$0xFFFFFFF0]  }
0x18d: {  	[tilespmem:s26+$0xFFFFFE90] =	vst v3;
	v3 =	vld [tilespmem:s10+$0xFFFFFC30]  }
0x18e: {  	[tilespmem:s26+$0xFFFFFF10] =	vst v0;
	v0 =	vld [tilespmem:s10+$0xFFFFFCB0]  }
0x18f: {  	v4 =	vld [tilespmem:s10+$0xFFFFFD30]  }
0x190: {  	[tilespmem:s26+$0x90] =	vst v2;
	v2 =	vld [tilespmem:s10+$0xFFFFFE30];
	v6 =	vadd.f32 v6, v39  }
0x191: {  	v1 =	vld [tilespmem:s10+$0xFFFFFEB0];
	v5 =	vadd.f32 v8, v5  }
0x192: {  	v3 =	vadd.f32 v3, v34;
	[tilespmem:s26+$0x120] =	vst v6;
	v8 =	vld [tilespmem:s26+$0xA0]  }
0x193: {  	v6 =	vld [tilespmem:s26+$0xFFFFFE30];
	[tilespmem:s26+$0x1E0] =	vst v5;
	v5 =	vadd.f32 v0, v35  }
0x194: {  	[tilespmem:s26+$0xFFFFFE20] =	vst v3;
	v3 =	vadd.f32 v4, v36;
	v40 =	vld [tilespmem:s10+$0xFFFFFF40]  }
0x195: {  	[tilespmem:s26+$0xFFFFFEA0] =	vst v5;
	v5 =	vadd.f32 v7, v37;
	v7 =	vld [tilespmem:s10+$0xFFFFFC40]  }
0x196: {  	v2 =	vadd.f32 v2, v38;
	[tilespmem:s26+$0xFFFFFF20] =	vst v3;
	v3 =	vld [tilespmem:s10+$0xFFFFFCC0]  }
0x197: {  	v1 =	vadd.f32 v1, v8;
	[tilespmem:s26+$0xFFFFFFA0] =	vst v5;
	v5 =	vld [tilespmem:s10+$0xFFFFFD40]  }
0x198: {  	[tilespmem:s26+$0x20] =	vst v2;
	v2 =	vld [tilespmem:s10+$0xFFFFFDC0]  }
0x199: {  	[tilespmem:s26+$0xA0] =	vst v1;
	v1 =	vld [tilespmem:s10+$0xFFFFFE40]  }
0x19a: {  	v8 =	vld [tilespmem:s10+$0xFFFFFEC0];
	v6 =	vadd.f32 v7, v6  }
0x19b: {  	v7 =	vld [tilespmem:s26+$0xB0]  }
0x19c: {  	v3 =	vadd.f32 v3, v41;
	[tilespmem:s26+$0xFFFFFE30] =	vst v6;
	v6 =	vld [tilespmem:s26+$0xFFFFFE40]  }
0x19d: {  	v5 =	vadd.f32 v5, v42;
	v46 =	vld [tilespmem:s10+$0xFFFFFC50]  }
0x19e: {  	v60 =	vld [tilespmem:s26+$0xFFFFFFE0];
	[tilespmem:s26+$0xFFFFFEB0] =	vst v3;
	v1 =	vadd.f32 v1, v44  }
0x19f: {  	v61 =	vld [tilespmem:s26+$0x60];
	v2 =	vadd.f32 v2, v43;
	[tilespmem:s26+$0xFFFFFF30] =	vst v5  }
0x1a0: {  	v3 =	vld [tilespmem:s10+$0xFFFFFCD0];
	[tilespmem:s26+$0x30] =	vst v1;
	v1 =	vadd.f32 v40, v45  }
0x1a1: {  	v5 =	vld [tilespmem:s10+$0xFFFFFD50];
	[tilespmem:s26+$0xFFFFFFB0] =	vst v2  }
0x1a2: {  	v2 =	vadd.f32 v8, v7;
	v7 =	vld [tilespmem:s10+$0xFFFFFDD0];
	[tilespmem:s26+$0x130] =	vst v1;
	v6 =	vadd.f32 v46, v6  }
0x1a3: {  	v1 =	vld [tilespmem:s10+$0xFFFFFF50]  }
0x1a4: {  	[tilespmem:s26+$0xFFFFFE40] =	vst v6;
	v6 =	vld [tilespmem:s26+$0x140]  }
0x1a5: {  	v62 =	vld [tilespmem:s26+$0xE0];
	v3 =	vadd.f32 v3, v47  }
0x1a6: {  	v8 =	vld [tilespmem:s10+$0xFFFFFE50];
	[tilespmem:s26+$0xB0] =	vst v2  }
0x1a7: {  	v2 =	vld [tilespmem:s10+$0xFFFFFED0];
	[tilespmem:s26+$0xFFFFFEC0] =	vst v3  }
0x1a8: {  	v5 =	vadd.f32 v5, v48;
	v3 =	vadd.f32 v7, v49;
	v7 =	vld [tilespmem:s10+$0xFFFFFCE0]  }
0x1a9: {  	v1 =	vadd.f32 v1, v6;
	v6 =	vld [tilespmem:s26+$0xFFFFFED0]  }
0x1aa: {  	v52 =	vld [tilespmem:s10+$0xFFFFFC60];
	[tilespmem:s26+$0xFFFFFF40] =	vst v5  }
0x1ab: {  	v5 =	vadd.f32 v8, v50;
	v8 =	vld [tilespmem:s10+$0xFFFFFD60];
	[tilespmem:s26+$0xFFFFFFC0] =	vst v3  }
0x1ac: {  	v3 =	vld [tilespmem:s10+$0xFFFFFDE0];
	[tilespmem:s26+$0x140] =	vst v1  }
0x1ad: {  	v2 =	vadd.f32 v2, v51;
	v1 =	vld [tilespmem:s10+$0xFFFFFF60]  }
0x1ae: {  	[tilespmem:s26+$0x40] =	vst v5;
	v6 =	vadd.f32 v7, v6;
	v7 =	vld [tilespmem:s26+$0x150]  }
0x1af: {  	v5 =	vld [tilespmem:s10+$0xFFFFFE60];
	[tilespmem:s26+$0xC0] =	vst v2;
	v9 =	vadd.f32 v52, v53  }
0x1b0: {  	v2 =	vld [tilespmem:s10+$0xFFFFFEE0];
	v8 =	vadd.f32 v8, v54  }
0x1b1: {  	v0 =	vld [tilespmem:s26+$0x1F0];
	[tilespmem:s26+$0xFFFFFE50] =	vst v9  }
0x1b2: {  	v9 =	vld [tilespmem:s10+$0xFFFFFC70];
	v3 =	vadd.f32 v3, v55;
	[tilespmem:s26+$0xFFFFFF50] =	vst v8  }
0x1b3: {  	v8 =	vld [tilespmem:s10+$0xFFFFFD70];
	[tilespmem:s26+$0xFFFFFED0] =	vst v6;
	v1 =	vadd.f32 v1, v7  }
0x1b4: {  	v5 =	vadd.f32 v5, v56;
	[tilespmem:s26+$0xFFFFFFD0] =	vst v3;
	v6 =	vld [tilespmem:s10+$0xFFFFFCF0]  }
0x1b5: {  	v2 =	vadd.f32 v2, v57;
	[tilespmem:s26+$0x150] =	vst v1;
	v1 =	vld [tilespmem:s26+$0xFFFFFEE0]  }
0x1b6: {  	v3 =	vld [tilespmem:s10+$0xFFFFFDF0];
	[tilespmem:s26+$0x50] =	vst v5  }
0x1b7: {  	v5 =	vld [tilespmem:s10+$0xFFFFFE70];
	[tilespmem:s26+$0xD0] =	vst v2  }
0x1b8: {  	v2 =	vld [tilespmem:s10+$0xFFFFFEF0]  }
0x1b9: {  	v9 =	vadd.f32 v9, v58;
	v7 =	vld [tilespmem:s10+$0xFFFFFF70]  }
0x1ba: {  	v8 =	vadd.f32 v8, v59;
	v1 =	vadd.f32 v6, v1;
	v6 =	vld [tilespmem:s26+$0x160]  }
0x1bb: {  	v4 =	vld [tilespmem:s10+$0x0];
	[tilespmem:s26+$0xFFFFFE60] =	vst v9;
	v12 =	vadd.f32 v3, v60  }
0x1bc: {  	v63 =	vld [tilespmem:s26+$0xFFFFFE70];
	[tilespmem:s26+$0xFFFFFF60] =	vst v8;
	v5 =	vadd.f32 v5, v61  }
0x1bd: {  	v9 =	vld [tilespmem:s10+$0xFFFFFC80];
	[tilespmem:s26+$0xFFFFFFE0] =	vst v12  }
0x1be: {  	v8 =	vadd.f32 v2, v62;
	v2 =	vld [tilespmem:s10+$0xFFFFFE00];
	[tilespmem:s26+$0x60] =	vst v5  }
0x1bf: {  	[tilespmem:s26+$0xFFFFFEE0] =	vst v1;
	v1 =	vld [tilespmem:s10+$0xFFFFFD80];
	v5 =	vadd.f32 v7, v6  }
0x1c0: {  	[tilespmem:s26+$0xE0] =	vst v8;
	v3 =	vld [tilespmem:s10+$0xFFFFFD00];
	v6 =	vadd.f32 v4, v0  }
0x1c1: {  	v0 =	vld [tilespmem:s10+$0xFFFFFE80];
	[tilespmem:s26+$0x160] =	vst v5  }
0x1c2: {  	s29 =	sadd.s32 $0x80, s23;
	s14 =	sadd.s32 $0x8, s9;
	v4 =	vld [tilespmem:s10+$0xFFFFFF00];
	[tilespmem:s26+$0x1F0] =	vst v6;
	v6 =	vadd.f32 v9, v63  }
0x1c3: {  	s12 =	simm.s32 $0x0;
	s11 =	simm.s32 $0xC200;
	v5 =	vld [tilespmem:s10+$0xFFFFFF80];
	s10 =	smov.u32 s15  }
.LBB2_5:
0x1c4: {  	s28 =	smulhi.u32 $0x51EB851F, s14;
	s12 =	sadd.s32 $0x8, s12;
	[tilespmem:s26+$0xFFFFFE70] =	vst v6;
	v6 =	vld [tilespmem:s26+$0xFFFFFEF0]  }
0x1c5: {  	p0 =	slt.u32 s12, $0x78;
	v7 =	vld [tilespmem:s26+$0xFFFFFF70]  }
0x1c6: {  	s28 =	sshrl.u32 s28, $0x6;
	v8 =	vld [tilespmem:s26+$0xFFFFFFF0]  }
0x1c7: {  	s28 =	smul.u32 $0xFFFE7000, s28;
	v9 =	vld [tilespmem:s26+$0x70]  }
0x1c8: {  	v10 =	vld [tilespmem:s26+$0xF0]  }
0x1c9: {  	s10 =	sadd.s32 $0x400, s10;
	s26 =	sadd.s32 $0x400, s26;
	s28 =	sshra.s32 s28, $0x2;
	v3 =	vadd.f32 v3, v6;
	v6 =	vld [tilespmem:s11+$0x170]  }
0x1ca: {  	s28 =	sadd.s32 s28, s10;
	v11 =	vld [tilespmem:s26+$0x180];
	v1 =	vadd.f32 v1, v7  }
0x1cb: {  	v7 =	vld [tilespmem:s28+$0xFFFFFF90];
	[tilespmem:s11+$0xFFFFFEF0] =	vst v3;
	v2 =	vadd.f32 v2, v8  }
0x1cc: {  	v3 =	vld [tilespmem:s28+$0xFFFFFC10];
	[tilespmem:s11+$0xFFFFFF70] =	vst v1;
	v0 =	vadd.f32 v0, v9  }
0x1cd: {  	v1 =	vld [tilespmem:s28+$0xFFFFFC90];
	[tilespmem:s11+$0xFFFFFFF0] =	vst v2;
	v2 =	vadd.f32 v4, v10  }
0x1ce: {  	v4 =	vld [tilespmem:s28+$0xFFFFFD10];
	[tilespmem:s11+$0x70] =	vst v0;
	v0 =	vadd.f32 v5, v6  }
0x1cf: {  	v5 =	vld [tilespmem:s28+$0xFFFFFD90];
	[tilespmem:s11+$0xF0] =	vst v2  }
0x1d0: {  	v2 =	vld [tilespmem:s28+$0xFFFFFE10];
	v6 =	vadd.f32 v7, v11;
	[tilespmem:s11+$0x170] =	vst v0;
	s11 =	smov.u32 s26  }
0x1d1: {  	v0 =	vld [tilespmem:s28+$0xFFFFFE90]  }
0x1d2: {  	[tilespmem:s26+$0x180] =	vst v6;
	v6 =	vld [tilespmem:s26+$0x190]  }
0x1d3: {  	v7 =	vld [tilespmem:s28+$0xFFFFFFA0]  }
0x1d4: {  	v8 =	vld [tilespmem:s28+$0xFFFFFF10]  }
0x1d5: {  	v9 =	vld [tilespmem:s26+$0xFFFFFE00]  }
0x1d6: {  	v10 =	vld [tilespmem:s26+$0xFFFFFE80]  }
0x1d7: {  	v11 =	vld [tilespmem:s26+$0xFFFFFF00]  }
0x1d8: {  	v12 =	vld [tilespmem:s26+$0xFFFFFF80];
	v6 =	vadd.f32 v7, v6  }
0x1d9: {  	v7 =	vld [tilespmem:s26+$0x0]  }
0x1da: {  	v3 =	vadd.f32 v3, v9;
	[tilespmem:s26+$0x190] =	vst v6;
	v6 =	vld [tilespmem:s26+$0x1A0]  }
0x1db: {  	v1 =	vadd.f32 v1, v10;
	v9 =	vld [tilespmem:s28+$0xFFFFFFB0]  }
0x1dc: {  	[tilespmem:s26+$0xFFFFFE00] =	vst v3;
	v3 =	vadd.f32 v4, v11;
	v4 =	vld [tilespmem:s26+$0x80]  }
0x1dd: {  	[tilespmem:s26+$0xFFFFFE80] =	vst v1;
	v1 =	vadd.f32 v5, v12;
	v5 =	vld [tilespmem:s26+$0x100]  }
0x1de: {  	v10 =	vld [tilespmem:s28+$0xFFFFFC20];
	[tilespmem:s26+$0xFFFFFF00] =	vst v3;
	v2 =	vadd.f32 v2, v7  }
0x1df: {  	v3 =	vld [tilespmem:s28+$0xFFFFFCA0];
	[tilespmem:s26+$0xFFFFFF80] =	vst v1  }
0x1e0: {  	v1 =	vld [tilespmem:s28+$0xFFFFFD20];
	[tilespmem:s26+$0x0] =	vst v2;
	v2 =	vadd.f32 v9, v6  }
0x1e1: {  	v6 =	vld [tilespmem:s28+$0xFFFFFDA0];
	v0 =	vadd.f32 v0, v4  }
0x1e2: {  	v4 =	vadd.f32 v8, v5;
	[tilespmem:s26+$0x1A0] =	vst v2;
	v2 =	vld [tilespmem:s26+$0x1B0]  }
0x1e3: {  	[tilespmem:s26+$0x80] =	vst v0;
	v0 =	vld [tilespmem:s28+$0xFFFFFFC0]  }
0x1e4: {  	v5 =	vld [tilespmem:s28+$0xFFFFFE20];
	[tilespmem:s26+$0x100] =	vst v4  }
0x1e5: {  	v4 =	vld [tilespmem:s28+$0xFFFFFEA0]  }
0x1e6: {  	v7 =	vld [tilespmem:s28+$0xFFFFFF20]  }
0x1e7: {  	v8 =	vld [tilespmem:s26+$0xFFFFFE10]  }
0x1e8: {  	v9 =	vld [tilespmem:s26+$0xFFFFFE90];
	v0 =	vadd.f32 v0, v2  }
0x1e9: {  	v2 =	vld [tilespmem:s26+$0xFFFFFF10]  }
0x1ea: {  	[tilespmem:s26+$0x1B0] =	vst v0;
	v0 =	vld [tilespmem:s26+$0x1C0]  }
0x1eb: {  	v11 =	vld [tilespmem:s28+$0xFFFFFFD0]  }
0x1ec: {  	v8 =	vadd.f32 v10, v8;
	v10 =	vld [tilespmem:s26+$0xFFFFFF90]  }
0x1ed: {  	v3 =	vadd.f32 v3, v9;
	v9 =	vld [tilespmem:s26+$0x10]  }
0x1ee: {  	[tilespmem:s26+$0xFFFFFE10] =	vst v8;
	v1 =	vadd.f32 v1, v2;
	v2 =	vld [tilespmem:s26+$0x90]  }
0x1ef: {  	[tilespmem:s26+$0xFFFFFE90] =	vst v3;
	v3 =	vld [tilespmem:s26+$0x110]  }
0x1f0: {  	v8 =	vld [tilespmem:s28+$0xFFFFFC30];
	[tilespmem:s26+$0xFFFFFF10] =	vst v1;
	v0 =	vadd.f32 v11, v0  }
0x1f1: {  	v1 =	vld [tilespmem:s28+$0xFFFFFCB0];
	v6 =	vadd.f32 v6, v10  }
0x1f2: {  	v5 =	vadd.f32 v5, v9;
	[tilespmem:s26+$0x1C0] =	vst v0;
	v0 =	vld [tilespmem:s26+$0x1D0]  }
0x1f3: {  	[tilespmem:s26+$0xFFFFFF90] =	vst v6;
	v2 =	vadd.f32 v4, v2;
	v4 =	vld [tilespmem:s28+$0xFFFFFFE0]  }
0x1f4: {  	v6 =	vld [tilespmem:s28+$0xFFFFFD30];
	[tilespmem:s26+$0x10] =	vst v5;
	v3 =	vadd.f32 v7, v3  }
0x1f5: {  	v5 =	vld [tilespmem:s28+$0xFFFFFDB0];
	[tilespmem:s26+$0x90] =	vst v2  }
0x1f6: {  	v2 =	vld [tilespmem:s28+$0xFFFFFE30];
	[tilespmem:s26+$0x110] =	vst v3  }
0x1f7: {  	v3 =	vld [tilespmem:s28+$0xFFFFFEB0]  }
0x1f8: {  	v7 =	vld [tilespmem:s28+$0xFFFFFF30];
	v0 =	vadd.f32 v4, v0  }
0x1f9: {  	v4 =	vld [tilespmem:s26+$0xFFFFFE20]  }
0x1fa: {  	[tilespmem:s26+$0x1D0] =	vst v0;
	v0 =	vld [tilespmem:s26+$0x1E0]  }
0x1fb: {  	v9 =	vld [tilespmem:s28+$0xFFFFFFF0]  }
0x1fc: {  	v10 =	vld [tilespmem:s26+$0xFFFFFEA0]  }
0x1fd: {  	v11 =	vld [tilespmem:s26+$0xFFFFFF20]  }
0x1fe: {  	v4 =	vadd.f32 v8, v4;
	v8 =	vld [tilespmem:s26+$0xFFFFFFA0]  }
0x1ff: {  	v12 =	vld [tilespmem:s26+$0x20]  }
0x200: {  	[tilespmem:s26+$0xFFFFFE20] =	vst v4;
	v4 =	vld [tilespmem:s26+$0xA0];
	v0 =	vadd.f32 v9, v0  }
0x201: {  	v1 =	vadd.f32 v1, v10;
	v9 =	vld [tilespmem:s26+$0x120]  }
0x202: {  	v6 =	vadd.f32 v6, v11;
	[tilespmem:s26+$0x1E0] =	vst v0;
	v0 =	vld [tilespmem:s26+$0x1F0]  }
0x203: {  	[tilespmem:s26+$0xFFFFFEA0] =	vst v1;
	v1 =	vadd.f32 v5, v8;
	v5 =	vld [tilespmem:s28+$0x0]  }
0x204: {  	v8 =	vld [tilespmem:s28+$0xFFFFFC40];
	[tilespmem:s26+$0xFFFFFF20] =	vst v6;
	v2 =	vadd.f32 v2, v12  }
0x205: {  	v6 =	vld [tilespmem:s28+$0xFFFFFCC0];
	[tilespmem:s26+$0xFFFFFFA0] =	vst v1;
	v1 =	vadd.f32 v3, v4  }
0x206: {  	v3 =	vld [tilespmem:s28+$0xFFFFFD40];
	[tilespmem:s26+$0x20] =	vst v2;
	v2 =	vadd.f32 v7, v9  }
0x207: {  	v4 =	vld [tilespmem:s28+$0xFFFFFDC0];
	[tilespmem:s26+$0xA0] =	vst v1  }
0x208: {  	v1 =	vld [tilespmem:s28+$0xFFFFFE40];
	[tilespmem:s26+$0x120] =	vst v2;
	v0 =	vadd.f32 v5, v0  }
0x209: {  	v2 =	vld [tilespmem:s28+$0xFFFFFEC0]  }
0x20a: {  	v5 =	vld [tilespmem:s28+$0xFFFFFF40];
	[tilespmem:s26+$0x1F0] =	vst v0  }
0x20b: {  	v0 =	vld [tilespmem:s26+$0xFFFFFE30]  }
0x20c: {  	v7 =	vld [tilespmem:s26+$0xFFFFFEB0]  }
0x20d: {  	v9 =	vld [tilespmem:s26+$0xFFFFFF30]  }
0x20e: {  	v10 =	vld [tilespmem:s26+$0xFFFFFFB0]  }
0x20f: {  	v11 =	vld [tilespmem:s26+$0x30]  }
0x210: {  	v0 =	vadd.f32 v8, v0;
	v8 =	vld [tilespmem:s26+$0xB0]  }
0x211: {  	v6 =	vadd.f32 v6, v7;
	v7 =	vld [tilespmem:s26+$0x130]  }
0x212: {  	[tilespmem:s26+$0xFFFFFE30] =	vst v0;
	v0 =	vld [tilespmem:s26+$0xFFFFFE40];
	v3 =	vadd.f32 v3, v9  }
0x213: {  	v9 =	vld [tilespmem:s28+$0xFFFFFC50];
	[tilespmem:s26+$0xFFFFFEB0] =	vst v6;
	v4 =	vadd.f32 v4, v10  }
0x214: {  	v6 =	vld [tilespmem:s28+$0xFFFFFCD0];
	[tilespmem:s26+$0xFFFFFF30] =	vst v3;
	v1 =	vadd.f32 v1, v11  }
0x215: {  	v3 =	vld [tilespmem:s28+$0xFFFFFD50];
	[tilespmem:s26+$0xFFFFFFB0] =	vst v4;
	v2 =	vadd.f32 v2, v8  }
0x216: {  	v4 =	vld [tilespmem:s28+$0xFFFFFDD0];
	[tilespmem:s26+$0x30] =	vst v1;
	v1 =	vadd.f32 v5, v7  }
0x217: {  	v5 =	vld [tilespmem:s28+$0xFFFFFE50];
	[tilespmem:s26+$0xB0] =	vst v2  }
0x218: {  	v0 =	vadd.f32 v9, v0;
	v2 =	vld [tilespmem:s28+$0xFFFFFED0];
	[tilespmem:s26+$0x130] =	vst v1  }
0x219: {  	v1 =	vld [tilespmem:s28+$0xFFFFFF50]  }
0x21a: {  	[tilespmem:s26+$0xFFFFFE40] =	vst v0;
	v0 =	vld [tilespmem:s26+$0xFFFFFEC0]  }
0x21b: {  	v7 =	vld [tilespmem:s26+$0xFFFFFF40]  }
0x21c: {  	v8 =	vld [tilespmem:s26+$0xFFFFFFC0]  }
0x21d: {  	v9 =	vld [tilespmem:s26+$0x40]  }
0x21e: {  	v10 =	vld [tilespmem:s26+$0xC0]  }
0x21f: {  	v0 =	vadd.f32 v6, v0;
	v6 =	vld [tilespmem:s26+$0x140]  }
0x220: {  	v11 =	vld [tilespmem:s28+$0xFFFFFC60];
	v3 =	vadd.f32 v3, v7  }
0x221: {  	v7 =	vld [tilespmem:s26+$0xFFFFFE50];
	[tilespmem:s26+$0xFFFFFEC0] =	vst v0;
	v0 =	vadd.f32 v4, v8  }
0x222: {  	v4 =	vld [tilespmem:s28+$0xFFFFFCE0];
	[tilespmem:s26+$0xFFFFFF40] =	vst v3;
	v3 =	vadd.f32 v5, v9  }
0x223: {  	v5 =	vld [tilespmem:s28+$0xFFFFFD60];
	[tilespmem:s26+$0xFFFFFFC0] =	vst v0;
	v0 =	vadd.f32 v2, v10  }
0x224: {  	v2 =	vld [tilespmem:s28+$0xFFFFFDE0];
	[tilespmem:s26+$0x40] =	vst v3;
	v1 =	vadd.f32 v1, v6  }
0x225: {  	v3 =	vld [tilespmem:s28+$0xFFFFFE60];
	[tilespmem:s26+$0xC0] =	vst v0  }
0x226: {  	v0 =	vadd.f32 v11, v7;
	v6 =	vld [tilespmem:s28+$0xFFFFFEE0];
	[tilespmem:s26+$0x140] =	vst v1  }
0x227: {  	v1 =	vld [tilespmem:s28+$0xFFFFFF60]  }
0x228: {  	[tilespmem:s26+$0xFFFFFE50] =	vst v0;
	v0 =	vld [tilespmem:s26+$0xFFFFFED0]  }
0x229: {  	v7 =	vld [tilespmem:s26+$0xFFFFFF50]  }
0x22a: {  	v8 =	vld [tilespmem:s26+$0xFFFFFFD0]  }
0x22b: {  	v9 =	vld [tilespmem:s26+$0x50]  }
0x22c: {  	v10 =	vld [tilespmem:s26+$0xD0]  }
0x22d: {  	v0 =	vadd.f32 v4, v0;
	v4 =	vld [tilespmem:s26+$0x150]  }
0x22e: {  	v11 =	vld [tilespmem:s28+$0xFFFFFC70];
	v5 =	vadd.f32 v5, v7  }
0x22f: {  	v7 =	vld [tilespmem:s26+$0xFFFFFE60];
	[tilespmem:s26+$0xFFFFFED0] =	vst v0;
	v0 =	vadd.f32 v2, v8  }
0x230: {  	v2 =	vld [tilespmem:s28+$0xFFFFFCF0];
	[tilespmem:s26+$0xFFFFFF50] =	vst v5;
	v3 =	vadd.f32 v3, v9  }
0x231: {  	v5 =	vld [tilespmem:s28+$0xFFFFFD70];
	[tilespmem:s26+$0xFFFFFFD0] =	vst v0;
	v0 =	vadd.f32 v6, v10  }
0x232: {  	v6 =	vld [tilespmem:s28+$0xFFFFFDF0];
	[tilespmem:s26+$0x50] =	vst v3;
	v1 =	vadd.f32 v1, v4  }
0x233: {  	v4 =	vld [tilespmem:s28+$0xFFFFFE70];
	[tilespmem:s26+$0xD0] =	vst v0  }
0x234: {  	v0 =	vadd.f32 v11, v7;
	v7 =	vld [tilespmem:s28+$0xFFFFFEF0];
	[tilespmem:s26+$0x150] =	vst v1  }
0x235: {  	v8 =	vld [tilespmem:s28+$0xFFFFFF70]  }
0x236: {  	[tilespmem:s26+$0xFFFFFE60] =	vst v0;
	v0 =	vld [tilespmem:s26+$0xFFFFFEE0]  }
0x237: {  	v1 =	vld [tilespmem:s26+$0xFFFFFF60]  }
0x238: {  	v3 =	vld [tilespmem:s26+$0xFFFFFFE0]  }
0x239: {  	v9 =	vld [tilespmem:s26+$0x60]  }
0x23a: {  	v10 =	vld [tilespmem:s26+$0xE0]  }
0x23b: {  	v0 =	vadd.f32 v2, v0;
	v11 =	vld [tilespmem:s26+$0x160]  }
0x23c: {  	v12 =	vld [tilespmem:s28+$0xFFFFFC80];
	v1 =	vadd.f32 v5, v1  }
0x23d: {  	v5 =	vld [tilespmem:s26+$0xFFFFFE70];
	[tilespmem:s26+$0xFFFFFEE0] =	vst v0;
	v0 =	vadd.f32 v6, v3  }
0x23e: {  	v3 =	vld [tilespmem:s28+$0xFFFFFD00];
	[tilespmem:s26+$0xFFFFFF60] =	vst v1;
	v4 =	vadd.f32 v4, v9  }
.Ltmp3:
0x23f: {  	v1 =	vld [tilespmem:s28+$0xFFFFFD80];
	[tilespmem:s26+$0xFFFFFFE0] =	vst v0;
	v6 =	vadd.f32 v7, v10;
	(pc) =	sbr.rel @p0 .LBB2_5-.Ltmp3, $4  }
0x240: {  	v2 =	vld [tilespmem:s28+$0xFFFFFE00];
	[tilespmem:s26+$0x60] =	vst v4;
	v7 =	vadd.f32 v8, v11  }
0x241: {  	v0 =	vld [tilespmem:s28+$0xFFFFFE80];
	[tilespmem:s26+$0xE0] =	vst v6  }
0x242: {  	v6 =	vadd.f32 v12, v5;
	v4 =	vld [tilespmem:s28+$0xFFFFFF00];
	[tilespmem:s26+$0x160] =	vst v7  }
0x243: {  	s14 =	sadd.s32 $0x8, s14;
	v5 =	vld [tilespmem:s28+$0xFFFFFF80]  }
0x244: {  	v7 =	vld [tilespmem:s26+$0xFFFFFEF0]  }
0x245: {  	v8 =	vld [tilespmem:s26+$0xFFFFFF70]  }
0x246: {  	v9 =	vld [tilespmem:s26+$0xFFFFFFF0]  }
0x247: {  	v10 =	vld [tilespmem:s26+$0x70]  }
0x248: {  	v11 =	vld [tilespmem:s26+$0xF0]  }
0x249: {  	v3 =	vadd.f32 v3, v7;
	v7 =	vld [tilespmem:s11+$0x170]  }
0x24a: {  	[tilespmem:s26+$0xFFFFFE70] =	vst v6;
	v1 =	vadd.f32 v1, v8  }
0x24b: {  	v2 =	vadd.f32 v2, v9;
	[tilespmem:s11+$0xFFFFFEF0] =	vst v3  }
0x24c: {  	v0 =	vadd.f32 v0, v10;
	[tilespmem:s11+$0xFFFFFF70] =	vst v1  }
0x24d: {  	[tilespmem:s11+$0xFFFFFFF0] =	vst v2;
	v1 =	vadd.f32 v4, v11  }
0x24e: {  	s10 =	sadd.s32 s6, s29;
	[tilespmem:s11+$0x70] =	vst v0;
	v0 =	vadd.f32 v5, v7  }
0x24f: {  	s26 =	simm.s32 $0xC000;
	s28 =	sadd.s32 $0xFFFFFFFF, s25;
	s10 =	sshll.u32 s10, $0x4;
	[tilespmem:s11+$0xF0] =	vst v1  }
0x250: {  	s14 =	smulhi.u32 $0x51EB851F, s30;
	p0 =	sgt.u32 s28, $0x2C;
	s10 =	sadd.s32 s3, s10;
	[tilespmem:s11+$0x170] =	vst v0  }
0x251: {  	[hbm4b:s10+s4] =	stream.linear.scatter [tilespmem:s26], [sflag:$0x7], $0x4000, $0x38;
	[tilespmem:$0x1C000] =	vst v63  }
0x252: {  	s11 =	smul.u32 @!p0 $0xA00, s22;
	s10 =	simm.s32 @!p0 $0xA  }
0x253: {  	s12 =	simm.s32 @!p0 $0x18000;
	_ =	swait.ge @!p0 [sflag:s10], $0x4000  }
0x254: {  	s29 =	sshrl.u32 s14, $0x6;
	s11 =	sshra.s32 @!p0 s11, $0x2;
	[sflag:s10] =	ssyncset.done @!p0 $0x0  }
0x255: {  	[sflag:s10] =	ssyncadd.s32 @!p0 $0xFFFFC000;
	s10 =	sadd.s32 @!p0 $0x200, s11;
	s11 =	simm.s32 @!p0 $0x80  }
0x256: {  	[tilespmem:s12], [sflag:$0x5] =	stream.indirect.gather @!p0 [hbm4b:s1+s11], $0x80, s10, s11, $0xb8;
	[tilespmem:$0x1C000] =	vst v63  }
0x257: {  	s10 =	smul.u32 $0xFFFE7000, s29;
	_ =	swait.ge [sflag:s19], $0x4000  }
0x258: {  	[sflag:s19] =	ssyncset.done $0x0  }
0x259: {  	s25 =	simm.s32 $0x10200;
	s10 =	sshra.s32 s10, $0x2;
	[sflag:s19] =	ssyncadd.s32 $0xFFFFC000  }
0x25a: {  	s10 =	sadd.s32 s10, s5;
	v0 =	vld [tilespmem:s25+$0x180]  }
0x25b: {  	v1 =	vld [tilespmem:s10+$0xFFFFFF90]  }
0x25c: {  	v2 =	vld [tilespmem:s10+$0xFFFFFC10]  }
0x25d: {  	v3 =	vld [tilespmem:s10+$0xFFFFFC90]  }
0x25e: {  	v4 =	vld [tilespmem:s10+$0xFFFFFD10]  }
0x25f: {  	v5 =	vld [tilespmem:s10+$0xFFFFFD90]  }
0x260: {  	v6 =	vld [tilespmem:s10+$0xFFFFFE10]  }
0x261: {  	v7 =	vld [tilespmem:s10+$0xFFFFFF10]  }
0x262: {  	v24 =	vld [tilespmem:s25+$0xFFFFFE00]  }
0x263: {  	v25 =	vld [tilespmem:s25+$0xFFFFFE80]  }
0x264: {  	v26 =	vld [tilespmem:s25+$0xFFFFFF00]  }
0x265: {  	v12 =	vld [tilespmem:s25+$0xFFFFFF80]  }
0x266: {  	v13 =	vld [tilespmem:s25+$0x0]  }
0x267: {  	v27 =	vld [tilespmem:s25+$0x100]  }
0x268: {  	v28 =	vld [tilespmem:s25+$0xFFFFFE10]  }
0x269: {  	v29 =	vld [tilespmem:s25+$0xFFFFFE90]  }
0x26a: {  	v30 =	vld [tilespmem:s25+$0xFFFFFF10]  }
0x26b: {  	v31 =	vld [tilespmem:s25+$0xFFFFFF90]  }
0x26c: {  	v32 =	vld [tilespmem:s25+$0x10]  }
0x26d: {  	v33 =	vld [tilespmem:s25+$0x110]  }
0x26e: {  	v34 =	vld [tilespmem:s25+$0xFFFFFE20]  }
0x26f: {  	v35 =	vld [tilespmem:s25+$0xFFFFFEA0]  }
0x270: {  	v36 =	vld [tilespmem:s25+$0xFFFFFF20]  }
0x271: {  	v37 =	vld [tilespmem:s25+$0xFFFFFFA0];
	v0 =	vadd.f32 v1, v0  }
0x272: {  	v38 =	vld [tilespmem:s25+$0x20]  }
0x273: {  	[tilespmem:s25+$0x180] =	vst v0;
	v0 =	vld [tilespmem:s25+$0x190]  }
0x274: {  	v1 =	vld [tilespmem:s10+$0xFFFFFFA0]  }
0x275: {  	v39 =	vld [tilespmem:s25+$0x120]  }
0x276: {  	v41 =	vld [tilespmem:s25+$0xFFFFFEB0]  }
0x277: {  	v42 =	vld [tilespmem:s25+$0xFFFFFF30]  }
0x278: {  	v43 =	vld [tilespmem:s25+$0xFFFFFFB0]  }
0x279: {  	v44 =	vld [tilespmem:s25+$0x30];
	v0 =	vadd.f32 v1, v0  }
0x27a: {  	v45 =	vld [tilespmem:s25+$0x130]  }
0x27b: {  	[tilespmem:s25+$0x190] =	vst v0;
	v0 =	vld [tilespmem:s25+$0x1A0]  }
0x27c: {  	v8 =	vld [tilespmem:s10+$0xFFFFFFB0]  }
0x27d: {  	v47 =	vld [tilespmem:s25+$0xFFFFFEC0]  }
0x27e: {  	v48 =	vld [tilespmem:s25+$0xFFFFFF40]  }
0x27f: {  	v49 =	vld [tilespmem:s25+$0xFFFFFFC0]  }
0x280: {  	v50 =	vld [tilespmem:s25+$0x40]  }
0x281: {  	v51 =	vld [tilespmem:s25+$0xC0];
	v0 =	vadd.f32 v8, v0  }
0x282: {  	v53 =	vld [tilespmem:s25+$0xFFFFFE50];
	v2 =	vadd.f32 v2, v24  }
0x283: {  	[tilespmem:s25+$0x1A0] =	vst v0;
	v0 =	vadd.f32 v3, v25;
	v3 =	vld [tilespmem:s25+$0x1B0]  }
0x284: {  	[tilespmem:s25+$0xFFFFFE00] =	vst v2;
	v2 =	vadd.f32 v4, v26;
	v4 =	vld [tilespmem:s10+$0xFFFFFFC0]  }
0x285: {  	v54 =	vld [tilespmem:s25+$0xFFFFFF50]  }
0x286: {  	v1 =	vld [tilespmem:s10+$0xFFFFFE90]  }
0x287: {  	v8 =	vld [tilespmem:s25+$0x80]  }
0x288: {  	v55 =	vld [tilespmem:s25+$0xFFFFFFD0]  }
0x289: {  	v56 =	vld [tilespmem:s25+$0x50];
	v3 =	vadd.f32 v4, v3  }
0x28a: {  	v57 =	vld [tilespmem:s25+$0xD0]  }
0x28b: {  	[tilespmem:s25+$0x1B0] =	vst v3;
	v3 =	vld [tilespmem:s25+$0x1C0]  }
0x28c: {  	[tilespmem:s25+$0xFFFFFF00] =	vst v2;
	v2 =	vadd.f32 v6, v13;
	v1 =	vadd.f32 v1, v8;
	v8 =	vld [tilespmem:s10+$0xFFFFFFD0]  }
0x28d: {  	[tilespmem:s25+$0xFFFFFE80] =	vst v0;
	v0 =	vadd.f32 v5, v12;
	v5 =	vld [tilespmem:s10+$0xFFFFFC20]  }
0x28e: {  	[tilespmem:s25+$0x0] =	vst v2;
	v6 =	vld [tilespmem:s10+$0xFFFFFCA0]  }
0x28f: {  	v58 =	vld [tilespmem:s25+$0xFFFFFE60];
	v7 =	vadd.f32 v7, v27;
	[tilespmem:s25+$0xFFFFFF80] =	vst v0  }
0x290: {  	[tilespmem:s25+$0x80] =	vst v1;
	v1 =	vld [tilespmem:s10+$0xFFFFFE20]  }
0x291: {  	[tilespmem:s25+$0x100] =	vst v7;
	v2 =	vld [tilespmem:s10+$0xFFFFFDA0];
	v3 =	vadd.f32 v8, v3  }
0x292: {  	v7 =	vld [tilespmem:s10+$0xFFFFFF20];
	v5 =	vadd.f32 v5, v28  }
0x293: {  	[tilespmem:s25+$0x1C0] =	vst v3;
	v3 =	vadd.f32 v6, v29;
	v6 =	vld [tilespmem:s25+$0x1D0]  }
0x294: {  	[tilespmem:s25+$0xFFFFFE10] =	vst v5;
	v5 =	vld [tilespmem:s10+$0xFFFFFFE0]  }
0x295: {  	v0 =	vld [tilespmem:s10+$0xFFFFFD20];
	v1 =	vadd.f32 v1, v32  }
0x296: {  	v4 =	vld [tilespmem:s10+$0xFFFFFEA0];
	v2 =	vadd.f32 v2, v31  }
0x297: {  	[tilespmem:s25+$0x10] =	vst v1;
	v1 =	vadd.f32 v7, v33;
	v8 =	vld [tilespmem:s25+$0x90]  }
0x298: {  	v59 =	vld [tilespmem:s25+$0xFFFFFF60];
	[tilespmem:s25+$0xFFFFFF90] =	vst v2  }
0x299: {  	v7 =	vld [tilespmem:s10+$0xFFFFFDB0];
	[tilespmem:s25+$0x110] =	vst v1;
	v5 =	vadd.f32 v5, v6  }
0x29a: {  	v6 =	vld [tilespmem:s10+$0xFFFFFF30]  }
0x29b: {  	[tilespmem:s25+$0x1D0] =	vst v5;
	v5 =	vld [tilespmem:s25+$0x1E0]  }
0x29c: {  	v0 =	vadd.f32 v0, v30;
	v2 =	vadd.f32 v4, v8;
	v8 =	vld [tilespmem:s10+$0xFFFFFFF0]  }
0x29d: {  	[tilespmem:s25+$0xFFFFFE90] =	vst v3;
	v3 =	vld [tilespmem:s10+$0xFFFFFC30]  }
0x29e: {  	[tilespmem:s25+$0xFFFFFF10] =	vst v0;
	v0 =	vld [tilespmem:s10+$0xFFFFFCB0]  }
0x29f: {  	v4 =	vld [tilespmem:s10+$0xFFFFFD30]  }
0x2a0: {  	[tilespmem:s25+$0x90] =	vst v2;
	v2 =	vld [tilespmem:s10+$0xFFFFFE30];
	v6 =	vadd.f32 v6, v39  }
0x2a1: {  	v1 =	vld [tilespmem:s10+$0xFFFFFEB0];
	v5 =	vadd.f32 v8, v5  }
0x2a2: {  	v3 =	vadd.f32 v3, v34;
	[tilespmem:s25+$0x120] =	vst v6;
	v8 =	vld [tilespmem:s25+$0xA0]  }
0x2a3: {  	v6 =	vld [tilespmem:s25+$0xFFFFFE30];
	[tilespmem:s25+$0x1E0] =	vst v5;
	v5 =	vadd.f32 v0, v35  }
0x2a4: {  	[tilespmem:s25+$0xFFFFFE20] =	vst v3;
	v3 =	vadd.f32 v4, v36;
	v40 =	vld [tilespmem:s10+$0xFFFFFF40]  }
0x2a5: {  	[tilespmem:s25+$0xFFFFFEA0] =	vst v5;
	v5 =	vadd.f32 v7, v37;
	v7 =	vld [tilespmem:s10+$0xFFFFFC40]  }
0x2a6: {  	v2 =	vadd.f32 v2, v38;
	[tilespmem:s25+$0xFFFFFF20] =	vst v3;
	v3 =	vld [tilespmem:s10+$0xFFFFFCC0]  }
0x2a7: {  	v1 =	vadd.f32 v1, v8;
	[tilespmem:s25+$0xFFFFFFA0] =	vst v5;
	v5 =	vld [tilespmem:s10+$0xFFFFFD40]  }
0x2a8: {  	[tilespmem:s25+$0x20] =	vst v2;
	v2 =	vld [tilespmem:s10+$0xFFFFFDC0]  }
0x2a9: {  	[tilespmem:s25+$0xA0] =	vst v1;
	v1 =	vld [tilespmem:s10+$0xFFFFFE40]  }
0x2aa: {  	v8 =	vld [tilespmem:s10+$0xFFFFFEC0];
	v6 =	vadd.f32 v7, v6  }
0x2ab: {  	v7 =	vld [tilespmem:s25+$0xB0]  }
0x2ac: {  	v3 =	vadd.f32 v3, v41;
	[tilespmem:s25+$0xFFFFFE30] =	vst v6;
	v6 =	vld [tilespmem:s25+$0xFFFFFE40]  }
0x2ad: {  	v5 =	vadd.f32 v5, v42;
	v46 =	vld [tilespmem:s10+$0xFFFFFC50]  }
0x2ae: {  	v60 =	vld [tilespmem:s25+$0xFFFFFFE0];
	[tilespmem:s25+$0xFFFFFEB0] =	vst v3;
	v1 =	vadd.f32 v1, v44  }
0x2af: {  	v61 =	vld [tilespmem:s25+$0x60];
	v2 =	vadd.f32 v2, v43;
	[tilespmem:s25+$0xFFFFFF30] =	vst v5  }
0x2b0: {  	v3 =	vld [tilespmem:s10+$0xFFFFFCD0];
	[tilespmem:s25+$0x30] =	vst v1;
	v1 =	vadd.f32 v40, v45  }
0x2b1: {  	v5 =	vld [tilespmem:s10+$0xFFFFFD50];
	[tilespmem:s25+$0xFFFFFFB0] =	vst v2  }
0x2b2: {  	v2 =	vadd.f32 v8, v7;
	v7 =	vld [tilespmem:s10+$0xFFFFFDD0];
	[tilespmem:s25+$0x130] =	vst v1;
	v6 =	vadd.f32 v46, v6  }
0x2b3: {  	v1 =	vld [tilespmem:s10+$0xFFFFFF50]  }
0x2b4: {  	[tilespmem:s25+$0xFFFFFE40] =	vst v6;
	v6 =	vld [tilespmem:s25+$0x140]  }
0x2b5: {  	v62 =	vld [tilespmem:s25+$0xE0];
	v3 =	vadd.f32 v3, v47  }
0x2b6: {  	v8 =	vld [tilespmem:s10+$0xFFFFFE50];
	[tilespmem:s25+$0xB0] =	vst v2  }
0x2b7: {  	v2 =	vld [tilespmem:s10+$0xFFFFFED0];
	[tilespmem:s25+$0xFFFFFEC0] =	vst v3  }
0x2b8: {  	v5 =	vadd.f32 v5, v48;
	v3 =	vadd.f32 v7, v49;
	v7 =	vld [tilespmem:s10+$0xFFFFFCE0]  }
0x2b9: {  	v1 =	vadd.f32 v1, v6;
	v6 =	vld [tilespmem:s25+$0xFFFFFED0]  }
0x2ba: {  	v52 =	vld [tilespmem:s10+$0xFFFFFC60];
	[tilespmem:s25+$0xFFFFFF40] =	vst v5  }
0x2bb: {  	v5 =	vadd.f32 v8, v50;
	v8 =	vld [tilespmem:s10+$0xFFFFFD60];
	[tilespmem:s25+$0xFFFFFFC0] =	vst v3  }
0x2bc: {  	v3 =	vld [tilespmem:s10+$0xFFFFFDE0];
	[tilespmem:s25+$0x140] =	vst v1  }
0x2bd: {  	v2 =	vadd.f32 v2, v51;
	v1 =	vld [tilespmem:s10+$0xFFFFFF60]  }
0x2be: {  	[tilespmem:s25+$0x40] =	vst v5;
	v6 =	vadd.f32 v7, v6;
	v7 =	vld [tilespmem:s25+$0x150]  }
0x2bf: {  	v5 =	vld [tilespmem:s10+$0xFFFFFE60];
	[tilespmem:s25+$0xC0] =	vst v2;
	v9 =	vadd.f32 v52, v53  }
0x2c0: {  	v2 =	vld [tilespmem:s10+$0xFFFFFEE0];
	v8 =	vadd.f32 v8, v54  }
0x2c1: {  	v0 =	vld [tilespmem:s25+$0x1F0];
	[tilespmem:s25+$0xFFFFFE50] =	vst v9  }
0x2c2: {  	v9 =	vld [tilespmem:s10+$0xFFFFFC70];
	v3 =	vadd.f32 v3, v55;
	[tilespmem:s25+$0xFFFFFF50] =	vst v8  }
0x2c3: {  	v8 =	vld [tilespmem:s10+$0xFFFFFD70];
	[tilespmem:s25+$0xFFFFFED0] =	vst v6;
	v1 =	vadd.f32 v1, v7  }
0x2c4: {  	v5 =	vadd.f32 v5, v56;
	[tilespmem:s25+$0xFFFFFFD0] =	vst v3;
	v6 =	vld [tilespmem:s10+$0xFFFFFCF0]  }
0x2c5: {  	v2 =	vadd.f32 v2, v57;
	[tilespmem:s25+$0x150] =	vst v1;
	v1 =	vld [tilespmem:s25+$0xFFFFFEE0]  }
0x2c6: {  	v3 =	vld [tilespmem:s10+$0xFFFFFDF0];
	[tilespmem:s25+$0x50] =	vst v5  }
0x2c7: {  	v5 =	vld [tilespmem:s10+$0xFFFFFE70];
	[tilespmem:s25+$0xD0] =	vst v2  }
0x2c8: {  	v2 =	vld [tilespmem:s10+$0xFFFFFEF0]  }
0x2c9: {  	v9 =	vadd.f32 v9, v58;
	v7 =	vld [tilespmem:s10+$0xFFFFFF70]  }
0x2ca: {  	v8 =	vadd.f32 v8, v59;
	v1 =	vadd.f32 v6, v1;
	v6 =	vld [tilespmem:s25+$0x160]  }
0x2cb: {  	v4 =	vld [tilespmem:s10+$0x0];
	[tilespmem:s25+$0xFFFFFE60] =	vst v9;
	v12 =	vadd.f32 v3, v60  }
0x2cc: {  	v63 =	vld [tilespmem:s25+$0xFFFFFE70];
	[tilespmem:s25+$0xFFFFFF60] =	vst v8;
	v5 =	vadd.f32 v5, v61  }
0x2cd: {  	v9 =	vld [tilespmem:s10+$0xFFFFFC80];
	[tilespmem:s25+$0xFFFFFFE0] =	vst v12  }
0x2ce: {  	v8 =	vadd.f32 v2, v62;
	v2 =	vld [tilespmem:s10+$0xFFFFFE00];
	[tilespmem:s25+$0x60] =	vst v5  }
0x2cf: {  	[tilespmem:s25+$0xFFFFFEE0] =	vst v1;
	v1 =	vld [tilespmem:s10+$0xFFFFFD80];
	v5 =	vadd.f32 v7, v6  }
0x2d0: {  	[tilespmem:s25+$0xE0] =	vst v8;
	v3 =	vld [tilespmem:s10+$0xFFFFFD00];
	v6 =	vadd.f32 v4, v0  }
0x2d1: {  	v0 =	vld [tilespmem:s10+$0xFFFFFE80];
	[tilespmem:s25+$0x160] =	vst v5  }
0x2d2: {  	s14 =	sadd.s32 $0x8, s30;
	s26 =	sadd.s32 $0x100, s23;
	v4 =	vld [tilespmem:s10+$0xFFFFFF00];
	[tilespmem:s25+$0x1F0] =	vst v6;
	v6 =	vadd.f32 v9, v63  }
0x2d3: {  	s12 =	simm.s32 $0x0;
	s11 =	simm.s32 $0x10200;
	v5 =	vld [tilespmem:s10+$0xFFFFFF80];
	s10 =	smov.u32 s5  }
.LBB2_7:
0x2d4: {  	s28 =	smulhi.u32 $0x51EB851F, s14;
	s12 =	sadd.s32 $0x8, s12;
	[tilespmem:s25+$0xFFFFFE70] =	vst v6;
	v6 =	vld [tilespmem:s25+$0xFFFFFEF0]  }
0x2d5: {  	p0 =	slt.u32 s12, $0x78;
	v7 =	vld [tilespmem:s25+$0xFFFFFF70]  }
0x2d6: {  	s28 =	sshrl.u32 s28, $0x6;
	v8 =	vld [tilespmem:s25+$0xFFFFFFF0]  }
0x2d7: {  	s28 =	smul.u32 $0xFFFE7000, s28;
	v9 =	vld [tilespmem:s25+$0x70]  }
0x2d8: {  	v10 =	vld [tilespmem:s25+$0xF0]  }
0x2d9: {  	s10 =	sadd.s32 $0x400, s10;
	s25 =	sadd.s32 $0x400, s25;
	s28 =	sshra.s32 s28, $0x2;
	v3 =	vadd.f32 v3, v6;
	v6 =	vld [tilespmem:s11+$0x170]  }
0x2da: {  	s28 =	sadd.s32 s28, s10;
	v11 =	vld [tilespmem:s25+$0x180];
	v1 =	vadd.f32 v1, v7  }
0x2db: {  	v7 =	vld [tilespmem:s28+$0xFFFFFF90];
	[tilespmem:s11+$0xFFFFFEF0] =	vst v3;
	v2 =	vadd.f32 v2, v8  }
0x2dc: {  	v3 =	vld [tilespmem:s28+$0xFFFFFC10];
	[tilespmem:s11+$0xFFFFFF70] =	vst v1;
	v0 =	vadd.f32 v0, v9  }
0x2dd: {  	v1 =	vld [tilespmem:s28+$0xFFFFFC90];
	[tilespmem:s11+$0xFFFFFFF0] =	vst v2;
	v2 =	vadd.f32 v4, v10  }
0x2de: {  	v4 =	vld [tilespmem:s28+$0xFFFFFD10];
	[tilespmem:s11+$0x70] =	vst v0;
	v0 =	vadd.f32 v5, v6  }
0x2df: {  	v5 =	vld [tilespmem:s28+$0xFFFFFD90];
	[tilespmem:s11+$0xF0] =	vst v2  }
0x2e0: {  	v2 =	vld [tilespmem:s28+$0xFFFFFE10];
	v6 =	vadd.f32 v7, v11;
	[tilespmem:s11+$0x170] =	vst v0;
	s11 =	smov.u32 s25  }
0x2e1: {  	v0 =	vld [tilespmem:s28+$0xFFFFFE90]  }
0x2e2: {  	[tilespmem:s25+$0x180] =	vst v6;
	v6 =	vld [tilespmem:s25+$0x190]  }
0x2e3: {  	v7 =	vld [tilespmem:s28+$0xFFFFFFA0]  }
0x2e4: {  	v8 =	vld [tilespmem:s28+$0xFFFFFF10]  }
0x2e5: {  	v9 =	vld [tilespmem:s25+$0xFFFFFE00]  }
0x2e6: {  	v10 =	vld [tilespmem:s25+$0xFFFFFE80]  }
0x2e7: {  	v11 =	vld [tilespmem:s25+$0xFFFFFF00]  }
0x2e8: {  	v12 =	vld [tilespmem:s25+$0xFFFFFF80];
	v6 =	vadd.f32 v7, v6  }
0x2e9: {  	v7 =	vld [tilespmem:s25+$0x0]  }
0x2ea: {  	v3 =	vadd.f32 v3, v9;
	[tilespmem:s25+$0x190] =	vst v6;
	v6 =	vld [tilespmem:s25+$0x1A0]  }
0x2eb: {  	v1 =	vadd.f32 v1, v10;
	v9 =	vld [tilespmem:s28+$0xFFFFFFB0]  }
0x2ec: {  	[tilespmem:s25+$0xFFFFFE00] =	vst v3;
	v3 =	vadd.f32 v4, v11;
	v4 =	vld [tilespmem:s25+$0x80]  }
0x2ed: {  	[tilespmem:s25+$0xFFFFFE80] =	vst v1;
	v1 =	vadd.f32 v5, v12;
	v5 =	vld [tilespmem:s25+$0x100]  }
0x2ee: {  	v10 =	vld [tilespmem:s28+$0xFFFFFC20];
	[tilespmem:s25+$0xFFFFFF00] =	vst v3;
	v2 =	vadd.f32 v2, v7  }
0x2ef: {  	v3 =	vld [tilespmem:s28+$0xFFFFFCA0];
	[tilespmem:s25+$0xFFFFFF80] =	vst v1  }
0x2f0: {  	v1 =	vld [tilespmem:s28+$0xFFFFFD20];
	[tilespmem:s25+$0x0] =	vst v2;
	v2 =	vadd.f32 v9, v6  }
0x2f1: {  	v6 =	vld [tilespmem:s28+$0xFFFFFDA0];
	v0 =	vadd.f32 v0, v4  }
0x2f2: {  	v4 =	vadd.f32 v8, v5;
	[tilespmem:s25+$0x1A0] =	vst v2;
	v2 =	vld [tilespmem:s25+$0x1B0]  }
0x2f3: {  	[tilespmem:s25+$0x80] =	vst v0;
	v0 =	vld [tilespmem:s28+$0xFFFFFFC0]  }
0x2f4: {  	v5 =	vld [tilespmem:s28+$0xFFFFFE20];
	[tilespmem:s25+$0x100] =	vst v4  }
0x2f5: {  	v4 =	vld [tilespmem:s28+$0xFFFFFEA0]  }
0x2f6: {  	v7 =	vld [tilespmem:s28+$0xFFFFFF20]  }
0x2f7: {  	v8 =	vld [tilespmem:s25+$0xFFFFFE10]  }
0x2f8: {  	v9 =	vld [tilespmem:s25+$0xFFFFFE90];
	v0 =	vadd.f32 v0, v2  }
0x2f9: {  	v2 =	vld [tilespmem:s25+$0xFFFFFF10]  }
0x2fa: {  	[tilespmem:s25+$0x1B0] =	vst v0;
	v0 =	vld [tilespmem:s25+$0x1C0]  }
0x2fb: {  	v11 =	vld [tilespmem:s28+$0xFFFFFFD0]  }
0x2fc: {  	v8 =	vadd.f32 v10, v8;
	v10 =	vld [tilespmem:s25+$0xFFFFFF90]  }
0x2fd: {  	v3 =	vadd.f32 v3, v9;
	v9 =	vld [tilespmem:s25+$0x10]  }
0x2fe: {  	[tilespmem:s25+$0xFFFFFE10] =	vst v8;
	v1 =	vadd.f32 v1, v2;
	v2 =	vld [tilespmem:s25+$0x90]  }
0x2ff: {  	[tilespmem:s25+$0xFFFFFE90] =	vst v3;
	v3 =	vld [tilespmem:s25+$0x110]  }
0x300: {  	v8 =	vld [tilespmem:s28+$0xFFFFFC30];
	[tilespmem:s25+$0xFFFFFF10] =	vst v1;
	v0 =	vadd.f32 v11, v0  }
0x301: {  	v1 =	vld [tilespmem:s28+$0xFFFFFCB0];
	v6 =	vadd.f32 v6, v10  }
0x302: {  	v5 =	vadd.f32 v5, v9;
	[tilespmem:s25+$0x1C0] =	vst v0;
	v0 =	vld [tilespmem:s25+$0x1D0]  }
0x303: {  	[tilespmem:s25+$0xFFFFFF90] =	vst v6;
	v2 =	vadd.f32 v4, v2;
	v4 =	vld [tilespmem:s28+$0xFFFFFFE0]  }
0x304: {  	v6 =	vld [tilespmem:s28+$0xFFFFFD30];
	[tilespmem:s25+$0x10] =	vst v5;
	v3 =	vadd.f32 v7, v3  }
0x305: {  	v5 =	vld [tilespmem:s28+$0xFFFFFDB0];
	[tilespmem:s25+$0x90] =	vst v2  }
0x306: {  	v2 =	vld [tilespmem:s28+$0xFFFFFE30];
	[tilespmem:s25+$0x110] =	vst v3  }
0x307: {  	v3 =	vld [tilespmem:s28+$0xFFFFFEB0]  }
0x308: {  	v7 =	vld [tilespmem:s28+$0xFFFFFF30];
	v0 =	vadd.f32 v4, v0  }
0x309: {  	v4 =	vld [tilespmem:s25+$0xFFFFFE20]  }
0x30a: {  	[tilespmem:s25+$0x1D0] =	vst v0;
	v0 =	vld [tilespmem:s25+$0x1E0]  }
0x30b: {  	v9 =	vld [tilespmem:s28+$0xFFFFFFF0]  }
0x30c: {  	v10 =	vld [tilespmem:s25+$0xFFFFFEA0]  }
0x30d: {  	v11 =	vld [tilespmem:s25+$0xFFFFFF20]  }
0x30e: {  	v4 =	vadd.f32 v8, v4;
	v8 =	vld [tilespmem:s25+$0xFFFFFFA0]  }
0x30f: {  	v12 =	vld [tilespmem:s25+$0x20]  }
0x310: {  	[tilespmem:s25+$0xFFFFFE20] =	vst v4;
	v4 =	vld [tilespmem:s25+$0xA0];
	v0 =	vadd.f32 v9, v0  }
0x311: {  	v1 =	vadd.f32 v1, v10;
	v9 =	vld [tilespmem:s25+$0x120]  }
0x312: {  	v6 =	vadd.f32 v6, v11;
	[tilespmem:s25+$0x1E0] =	vst v0;
	v0 =	vld [tilespmem:s25+$0x1F0]  }
0x313: {  	[tilespmem:s25+$0xFFFFFEA0] =	vst v1;
	v1 =	vadd.f32 v5, v8;
	v5 =	vld [tilespmem:s28+$0x0]  }
0x314: {  	v8 =	vld [tilespmem:s28+$0xFFFFFC40];
	[tilespmem:s25+$0xFFFFFF20] =	vst v6;
	v2 =	vadd.f32 v2, v12  }
0x315: {  	v6 =	vld [tilespmem:s28+$0xFFFFFCC0];
	[tilespmem:s25+$0xFFFFFFA0] =	vst v1;
	v1 =	vadd.f32 v3, v4  }
0x316: {  	v3 =	vld [tilespmem:s28+$0xFFFFFD40];
	[tilespmem:s25+$0x20] =	vst v2;
	v2 =	vadd.f32 v7, v9  }
0x317: {  	v4 =	vld [tilespmem:s28+$0xFFFFFDC0];
	[tilespmem:s25+$0xA0] =	vst v1  }
0x318: {  	v1 =	vld [tilespmem:s28+$0xFFFFFE40];
	[tilespmem:s25+$0x120] =	vst v2;
	v0 =	vadd.f32 v5, v0  }
0x319: {  	v2 =	vld [tilespmem:s28+$0xFFFFFEC0]  }
0x31a: {  	v5 =	vld [tilespmem:s28+$0xFFFFFF40];
	[tilespmem:s25+$0x1F0] =	vst v0  }
0x31b: {  	v0 =	vld [tilespmem:s25+$0xFFFFFE30]  }
0x31c: {  	v7 =	vld [tilespmem:s25+$0xFFFFFEB0]  }
0x31d: {  	v9 =	vld [tilespmem:s25+$0xFFFFFF30]  }
0x31e: {  	v10 =	vld [tilespmem:s25+$0xFFFFFFB0]  }
0x31f: {  	v11 =	vld [tilespmem:s25+$0x30]  }
0x320: {  	v0 =	vadd.f32 v8, v0;
	v8 =	vld [tilespmem:s25+$0xB0]  }
0x321: {  	v6 =	vadd.f32 v6, v7;
	v7 =	vld [tilespmem:s25+$0x130]  }
0x322: {  	[tilespmem:s25+$0xFFFFFE30] =	vst v0;
	v0 =	vld [tilespmem:s25+$0xFFFFFE40];
	v3 =	vadd.f32 v3, v9  }
0x323: {  	v9 =	vld [tilespmem:s28+$0xFFFFFC50];
	[tilespmem:s25+$0xFFFFFEB0] =	vst v6;
	v4 =	vadd.f32 v4, v10  }
0x324: {  	v6 =	vld [tilespmem:s28+$0xFFFFFCD0];
	[tilespmem:s25+$0xFFFFFF30] =	vst v3;
	v1 =	vadd.f32 v1, v11  }
0x325: {  	v3 =	vld [tilespmem:s28+$0xFFFFFD50];
	[tilespmem:s25+$0xFFFFFFB0] =	vst v4;
	v2 =	vadd.f32 v2, v8  }
0x326: {  	v4 =	vld [tilespmem:s28+$0xFFFFFDD0];
	[tilespmem:s25+$0x30] =	vst v1;
	v1 =	vadd.f32 v5, v7  }
0x327: {  	v5 =	vld [tilespmem:s28+$0xFFFFFE50];
	[tilespmem:s25+$0xB0] =	vst v2  }
0x328: {  	v0 =	vadd.f32 v9, v0;
	v2 =	vld [tilespmem:s28+$0xFFFFFED0];
	[tilespmem:s25+$0x130] =	vst v1  }
0x329: {  	v1 =	vld [tilespmem:s28+$0xFFFFFF50]  }
0x32a: {  	[tilespmem:s25+$0xFFFFFE40] =	vst v0;
	v0 =	vld [tilespmem:s25+$0xFFFFFEC0]  }
0x32b: {  	v7 =	vld [tilespmem:s25+$0xFFFFFF40]  }
0x32c: {  	v8 =	vld [tilespmem:s25+$0xFFFFFFC0]  }
0x32d: {  	v9 =	vld [tilespmem:s25+$0x40]  }
0x32e: {  	v10 =	vld [tilespmem:s25+$0xC0]  }
0x32f: {  	v0 =	vadd.f32 v6, v0;
	v6 =	vld [tilespmem:s25+$0x140]  }
0x330: {  	v11 =	vld [tilespmem:s28+$0xFFFFFC60];
	v3 =	vadd.f32 v3, v7  }
0x331: {  	v7 =	vld [tilespmem:s25+$0xFFFFFE50];
	[tilespmem:s25+$0xFFFFFEC0] =	vst v0;
	v0 =	vadd.f32 v4, v8  }
0x332: {  	v4 =	vld [tilespmem:s28+$0xFFFFFCE0];
	[tilespmem:s25+$0xFFFFFF40] =	vst v3;
	v3 =	vadd.f32 v5, v9  }
0x333: {  	v5 =	vld [tilespmem:s28+$0xFFFFFD60];
	[tilespmem:s25+$0xFFFFFFC0] =	vst v0;
	v0 =	vadd.f32 v2, v10  }
0x334: {  	v2 =	vld [tilespmem:s28+$0xFFFFFDE0];
	[tilespmem:s25+$0x40] =	vst v3;
	v1 =	vadd.f32 v1, v6  }
0x335: {  	v3 =	vld [tilespmem:s28+$0xFFFFFE60];
	[tilespmem:s25+$0xC0] =	vst v0  }
0x336: {  	v0 =	vadd.f32 v11, v7;
	v6 =	vld [tilespmem:s28+$0xFFFFFEE0];
	[tilespmem:s25+$0x140] =	vst v1  }
0x337: {  	v1 =	vld [tilespmem:s28+$0xFFFFFF60]  }
0x338: {  	[tilespmem:s25+$0xFFFFFE50] =	vst v0;
	v0 =	vld [tilespmem:s25+$0xFFFFFED0]  }
0x339: {  	v7 =	vld [tilespmem:s25+$0xFFFFFF50]  }
0x33a: {  	v8 =	vld [tilespmem:s25+$0xFFFFFFD0]  }
0x33b: {  	v9 =	vld [tilespmem:s25+$0x50]  }
0x33c: {  	v10 =	vld [tilespmem:s25+$0xD0]  }
0x33d: {  	v0 =	vadd.f32 v4, v0;
	v4 =	vld [tilespmem:s25+$0x150]  }
0x33e: {  	v11 =	vld [tilespmem:s28+$0xFFFFFC70];
	v5 =	vadd.f32 v5, v7  }
0x33f: {  	v7 =	vld [tilespmem:s25+$0xFFFFFE60];
	[tilespmem:s25+$0xFFFFFED0] =	vst v0;
	v0 =	vadd.f32 v2, v8  }
0x340: {  	v2 =	vld [tilespmem:s28+$0xFFFFFCF0];
	[tilespmem:s25+$0xFFFFFF50] =	vst v5;
	v3 =	vadd.f32 v3, v9  }
0x341: {  	v5 =	vld [tilespmem:s28+$0xFFFFFD70];
	[tilespmem:s25+$0xFFFFFFD0] =	vst v0;
	v0 =	vadd.f32 v6, v10  }
0x342: {  	v6 =	vld [tilespmem:s28+$0xFFFFFDF0];
	[tilespmem:s25+$0x50] =	vst v3;
	v1 =	vadd.f32 v1, v4  }
0x343: {  	v4 =	vld [tilespmem:s28+$0xFFFFFE70];
	[tilespmem:s25+$0xD0] =	vst v0  }
0x344: {  	v0 =	vadd.f32 v11, v7;
	v7 =	vld [tilespmem:s28+$0xFFFFFEF0];
	[tilespmem:s25+$0x150] =	vst v1  }
0x345: {  	v8 =	vld [tilespmem:s28+$0xFFFFFF70]  }
0x346: {  	[tilespmem:s25+$0xFFFFFE60] =	vst v0;
	v0 =	vld [tilespmem:s25+$0xFFFFFEE0]  }
0x347: {  	v1 =	vld [tilespmem:s25+$0xFFFFFF60]  }
0x348: {  	v3 =	vld [tilespmem:s25+$0xFFFFFFE0]  }
0x349: {  	v9 =	vld [tilespmem:s25+$0x60]  }
0x34a: {  	v10 =	vld [tilespmem:s25+$0xE0]  }
0x34b: {  	v0 =	vadd.f32 v2, v0;
	v11 =	vld [tilespmem:s25+$0x160]  }
0x34c: {  	v12 =	vld [tilespmem:s28+$0xFFFFFC80];
	v1 =	vadd.f32 v5, v1  }
0x34d: {  	v5 =	vld [tilespmem:s25+$0xFFFFFE70];
	[tilespmem:s25+$0xFFFFFEE0] =	vst v0;
	v0 =	vadd.f32 v6, v3  }
0x34e: {  	v3 =	vld [tilespmem:s28+$0xFFFFFD00];
	[tilespmem:s25+$0xFFFFFF60] =	vst v1;
	v4 =	vadd.f32 v4, v9  }
.Ltmp4:
0x34f: {  	v1 =	vld [tilespmem:s28+$0xFFFFFD80];
	[tilespmem:s25+$0xFFFFFFE0] =	vst v0;
	v6 =	vadd.f32 v7, v10;
	(pc) =	sbr.rel @p0 .LBB2_7-.Ltmp4, $4  }
0x350: {  	v2 =	vld [tilespmem:s28+$0xFFFFFE00];
	[tilespmem:s25+$0x60] =	vst v4;
	v7 =	vadd.f32 v8, v11  }
0x351: {  	v0 =	vld [tilespmem:s28+$0xFFFFFE80];
	[tilespmem:s25+$0xE0] =	vst v6  }
0x352: {  	v6 =	vadd.f32 v12, v5;
	v4 =	vld [tilespmem:s28+$0xFFFFFF00];
	[tilespmem:s25+$0x160] =	vst v7  }
0x353: {  	s14 =	sadd.s32 $0x8, s14;
	v5 =	vld [tilespmem:s28+$0xFFFFFF80]  }
0x354: {  	v7 =	vld [tilespmem:s25+$0xFFFFFEF0]  }
0x355: {  	v8 =	vld [tilespmem:s25+$0xFFFFFF70]  }
0x356: {  	v9 =	vld [tilespmem:s25+$0xFFFFFFF0]  }
0x357: {  	v10 =	vld [tilespmem:s25+$0x70]  }
0x358: {  	v11 =	vld [tilespmem:s25+$0xF0]  }
0x359: {  	v3 =	vadd.f32 v3, v7;
	v7 =	vld [tilespmem:s11+$0x170]  }
0x35a: {  	[tilespmem:s25+$0xFFFFFE70] =	vst v6;
	v1 =	vadd.f32 v1, v8  }
0x35b: {  	v2 =	vadd.f32 v2, v9;
	[tilespmem:s11+$0xFFFFFEF0] =	vst v3  }
0x35c: {  	v0 =	vadd.f32 v0, v10;
	[tilespmem:s11+$0xFFFFFF70] =	vst v1  }
0x35d: {  	[tilespmem:s11+$0xFFFFFFF0] =	vst v2;
	v1 =	vadd.f32 v4, v11  }
0x35e: {  	s10 =	sadd.s32 s6, s26;
	[tilespmem:s11+$0x70] =	vst v0;
	v0 =	vadd.f32 v5, v7  }
0x35f: {  	s10 =	sshll.u32 s10, $0x4;
	[tilespmem:s11+$0xF0] =	vst v1  }
0x360: {  	p0 =	seq.s32 s22, $0x9;
	s14 =	smulhi.u32 $0x51EB851F, s31;
	s10 =	sadd.s32 s3, s10;
	[tilespmem:s11+$0x170] =	vst v0  }
0x361: {  	[hbm4b:s10+s4] =	stream.linear.scatter [tilespmem:s13], [sflag:$0x8], $0x4000, $0x38;
	[tilespmem:$0x1C000] =	vst v63  }
0x362: {  	s11 =	smul.u32 @!p0 $0xA00, s22;
	s10 =	simm.s32 @!p0 $0x6  }
0x363: {  	s12 =	simm.s32 @!p0 $0x8000;
	_ =	swait.ge @!p0 [sflag:s10], $0x4000  }
0x364: {  	s28 =	sshrl.u32 s14, $0x6;
	s25 =	sshra.s32 @!p0 s11, $0x2;
	[sflag:s10] =	ssyncset.done @!p0 $0x0  }
0x365: {  	s11 =	simm.s32 @!p0 $0x80;
	[sflag:s10] =	ssyncadd.s32 @!p0 $0xFFFFC000;
	s10 =	sadd.s32 @!p0 $0x280, s25  }
0x366: {  	[tilespmem:s12], [sflag:$0x1] =	stream.indirect.gather @!p0 [hbm4b:s1+s11], $0x80, s10, s11, $0xb8;
	[tilespmem:$0x1C000] =	vst v63  }
0x367: {  	s10 =	smul.u32 $0xFFFE7000, s28;
	_ =	swait.ge [sflag:s20], $0x4000  }
0x368: {  	[sflag:s20] =	ssyncset.done $0x0  }
0x369: {  	s26 =	simm.s32 $0x14200;
	s10 =	sshra.s32 s10, $0x2;
	[sflag:s20] =	ssyncadd.s32 $0xFFFFC000  }
0x36a: {  	s10 =	sadd.s32 s10, s7;
	v0 =	vld [tilespmem:s26+$0x180]  }
0x36b: {  	v1 =	vld [tilespmem:s10+$0xFFFFFF90]  }
0x36c: {  	v2 =	vld [tilespmem:s10+$0xFFFFFC10]  }
0x36d: {  	v3 =	vld [tilespmem:s10+$0xFFFFFC90]  }
0x36e: {  	v4 =	vld [tilespmem:s10+$0xFFFFFD10]  }
0x36f: {  	v5 =	vld [tilespmem:s10+$0xFFFFFD90]  }
0x370: {  	v6 =	vld [tilespmem:s10+$0xFFFFFE10]  }
0x371: {  	v7 =	vld [tilespmem:s10+$0xFFFFFF10]  }
0x372: {  	v24 =	vld [tilespmem:s26+$0xFFFFFE00]  }
0x373: {  	v25 =	vld [tilespmem:s26+$0xFFFFFE80]  }
0x374: {  	v26 =	vld [tilespmem:s26+$0xFFFFFF00]  }
0x375: {  	v12 =	vld [tilespmem:s26+$0xFFFFFF80]  }
0x376: {  	v13 =	vld [tilespmem:s26+$0x0]  }
0x377: {  	v27 =	vld [tilespmem:s26+$0x100]  }
0x378: {  	v28 =	vld [tilespmem:s26+$0xFFFFFE10]  }
0x379: {  	v29 =	vld [tilespmem:s26+$0xFFFFFE90]  }
0x37a: {  	v30 =	vld [tilespmem:s26+$0xFFFFFF10]  }
0x37b: {  	v31 =	vld [tilespmem:s26+$0xFFFFFF90]  }
0x37c: {  	v32 =	vld [tilespmem:s26+$0x10]  }
0x37d: {  	v33 =	vld [tilespmem:s26+$0x110]  }
0x37e: {  	v34 =	vld [tilespmem:s26+$0xFFFFFE20]  }
0x37f: {  	v35 =	vld [tilespmem:s26+$0xFFFFFEA0]  }
0x380: {  	v36 =	vld [tilespmem:s26+$0xFFFFFF20]  }
0x381: {  	v37 =	vld [tilespmem:s26+$0xFFFFFFA0];
	v0 =	vadd.f32 v1, v0  }
0x382: {  	v38 =	vld [tilespmem:s26+$0x20]  }
0x383: {  	[tilespmem:s26+$0x180] =	vst v0;
	v0 =	vld [tilespmem:s26+$0x190]  }
0x384: {  	v1 =	vld [tilespmem:s10+$0xFFFFFFA0]  }
0x385: {  	v39 =	vld [tilespmem:s26+$0x120]  }
0x386: {  	v41 =	vld [tilespmem:s26+$0xFFFFFEB0]  }
0x387: {  	v42 =	vld [tilespmem:s26+$0xFFFFFF30]  }
0x388: {  	v43 =	vld [tilespmem:s26+$0xFFFFFFB0]  }
0x389: {  	v44 =	vld [tilespmem:s26+$0x30];
	v0 =	vadd.f32 v1, v0  }
0x38a: {  	v45 =	vld [tilespmem:s26+$0x130]  }
0x38b: {  	[tilespmem:s26+$0x190] =	vst v0;
	v0 =	vld [tilespmem:s26+$0x1A0]  }
0x38c: {  	v8 =	vld [tilespmem:s10+$0xFFFFFFB0]  }
0x38d: {  	v47 =	vld [tilespmem:s26+$0xFFFFFEC0]  }
0x38e: {  	v48 =	vld [tilespmem:s26+$0xFFFFFF40]  }
0x38f: {  	v49 =	vld [tilespmem:s26+$0xFFFFFFC0]  }
0x390: {  	v50 =	vld [tilespmem:s26+$0x40]  }
0x391: {  	v51 =	vld [tilespmem:s26+$0xC0];
	v0 =	vadd.f32 v8, v0  }
0x392: {  	v53 =	vld [tilespmem:s26+$0xFFFFFE50];
	v2 =	vadd.f32 v2, v24  }
0x393: {  	[tilespmem:s26+$0x1A0] =	vst v0;
	v0 =	vadd.f32 v3, v25;
	v3 =	vld [tilespmem:s26+$0x1B0]  }
0x394: {  	[tilespmem:s26+$0xFFFFFE00] =	vst v2;
	v2 =	vadd.f32 v4, v26;
	v4 =	vld [tilespmem:s10+$0xFFFFFFC0]  }
0x395: {  	v54 =	vld [tilespmem:s26+$0xFFFFFF50]  }
0x396: {  	v1 =	vld [tilespmem:s10+$0xFFFFFE90]  }
0x397: {  	v8 =	vld [tilespmem:s26+$0x80]  }
0x398: {  	v55 =	vld [tilespmem:s26+$0xFFFFFFD0]  }
0x399: {  	v56 =	vld [tilespmem:s26+$0x50];
	v3 =	vadd.f32 v4, v3  }
0x39a: {  	v57 =	vld [tilespmem:s26+$0xD0]  }
0x39b: {  	[tilespmem:s26+$0x1B0] =	vst v3;
	v3 =	vld [tilespmem:s26+$0x1C0]  }
0x39c: {  	[tilespmem:s26+$0xFFFFFF00] =	vst v2;
	v2 =	vadd.f32 v6, v13;
	v1 =	vadd.f32 v1, v8;
	v8 =	vld [tilespmem:s10+$0xFFFFFFD0]  }
0x39d: {  	[tilespmem:s26+$0xFFFFFE80] =	vst v0;
	v0 =	vadd.f32 v5, v12;
	v5 =	vld [tilespmem:s10+$0xFFFFFC20]  }
0x39e: {  	[tilespmem:s26+$0x0] =	vst v2;
	v6 =	vld [tilespmem:s10+$0xFFFFFCA0]  }
0x39f: {  	v58 =	vld [tilespmem:s26+$0xFFFFFE60];
	v7 =	vadd.f32 v7, v27;
	[tilespmem:s26+$0xFFFFFF80] =	vst v0  }
0x3a0: {  	[tilespmem:s26+$0x80] =	vst v1;
	v1 =	vld [tilespmem:s10+$0xFFFFFE20]  }
0x3a1: {  	[tilespmem:s26+$0x100] =	vst v7;
	v2 =	vld [tilespmem:s10+$0xFFFFFDA0];
	v3 =	vadd.f32 v8, v3  }
0x3a2: {  	v7 =	vld [tilespmem:s10+$0xFFFFFF20];
	v5 =	vadd.f32 v5, v28  }
0x3a3: {  	[tilespmem:s26+$0x1C0] =	vst v3;
	v3 =	vadd.f32 v6, v29;
	v6 =	vld [tilespmem:s26+$0x1D0]  }
0x3a4: {  	[tilespmem:s26+$0xFFFFFE10] =	vst v5;
	v5 =	vld [tilespmem:s10+$0xFFFFFFE0]  }
0x3a5: {  	v0 =	vld [tilespmem:s10+$0xFFFFFD20];
	v1 =	vadd.f32 v1, v32  }
0x3a6: {  	v4 =	vld [tilespmem:s10+$0xFFFFFEA0];
	v2 =	vadd.f32 v2, v31  }
0x3a7: {  	[tilespmem:s26+$0x10] =	vst v1;
	v1 =	vadd.f32 v7, v33;
	v8 =	vld [tilespmem:s26+$0x90]  }
0x3a8: {  	v59 =	vld [tilespmem:s26+$0xFFFFFF60];
	[tilespmem:s26+$0xFFFFFF90] =	vst v2  }
0x3a9: {  	v7 =	vld [tilespmem:s10+$0xFFFFFDB0];
	[tilespmem:s26+$0x110] =	vst v1;
	v5 =	vadd.f32 v5, v6  }
0x3aa: {  	v6 =	vld [tilespmem:s10+$0xFFFFFF30]  }
0x3ab: {  	[tilespmem:s26+$0x1D0] =	vst v5;
	v5 =	vld [tilespmem:s26+$0x1E0]  }
0x3ac: {  	v0 =	vadd.f32 v0, v30;
	v2 =	vadd.f32 v4, v8;
	v8 =	vld [tilespmem:s10+$0xFFFFFFF0]  }
0x3ad: {  	[tilespmem:s26+$0xFFFFFE90] =	vst v3;
	v3 =	vld [tilespmem:s10+$0xFFFFFC30]  }
0x3ae: {  	[tilespmem:s26+$0xFFFFFF10] =	vst v0;
	v0 =	vld [tilespmem:s10+$0xFFFFFCB0]  }
0x3af: {  	v4 =	vld [tilespmem:s10+$0xFFFFFD30]  }
0x3b0: {  	[tilespmem:s26+$0x90] =	vst v2;
	v2 =	vld [tilespmem:s10+$0xFFFFFE30];
	v6 =	vadd.f32 v6, v39  }
0x3b1: {  	v1 =	vld [tilespmem:s10+$0xFFFFFEB0];
	v5 =	vadd.f32 v8, v5  }
0x3b2: {  	v3 =	vadd.f32 v3, v34;
	[tilespmem:s26+$0x120] =	vst v6;
	v8 =	vld [tilespmem:s26+$0xA0]  }
0x3b3: {  	v6 =	vld [tilespmem:s26+$0xFFFFFE30];
	[tilespmem:s26+$0x1E0] =	vst v5;
	v5 =	vadd.f32 v0, v35  }
0x3b4: {  	[tilespmem:s26+$0xFFFFFE20] =	vst v3;
	v3 =	vadd.f32 v4, v36;
	v40 =	vld [tilespmem:s10+$0xFFFFFF40]  }
0x3b5: {  	[tilespmem:s26+$0xFFFFFEA0] =	vst v5;
	v5 =	vadd.f32 v7, v37;
	v7 =	vld [tilespmem:s10+$0xFFFFFC40]  }
0x3b6: {  	v2 =	vadd.f32 v2, v38;
	[tilespmem:s26+$0xFFFFFF20] =	vst v3;
	v3 =	vld [tilespmem:s10+$0xFFFFFCC0]  }
0x3b7: {  	v1 =	vadd.f32 v1, v8;
	[tilespmem:s26+$0xFFFFFFA0] =	vst v5;
	v5 =	vld [tilespmem:s10+$0xFFFFFD40]  }
0x3b8: {  	[tilespmem:s26+$0x20] =	vst v2;
	v2 =	vld [tilespmem:s10+$0xFFFFFDC0]  }
0x3b9: {  	[tilespmem:s26+$0xA0] =	vst v1;
	v1 =	vld [tilespmem:s10+$0xFFFFFE40]  }
0x3ba: {  	v8 =	vld [tilespmem:s10+$0xFFFFFEC0];
	v6 =	vadd.f32 v7, v6  }
0x3bb: {  	v7 =	vld [tilespmem:s26+$0xB0]  }
0x3bc: {  	v3 =	vadd.f32 v3, v41;
	[tilespmem:s26+$0xFFFFFE30] =	vst v6;
	v6 =	vld [tilespmem:s26+$0xFFFFFE40]  }
0x3bd: {  	v5 =	vadd.f32 v5, v42;
	v46 =	vld [tilespmem:s10+$0xFFFFFC50]  }
0x3be: {  	v60 =	vld [tilespmem:s26+$0xFFFFFFE0];
	[tilespmem:s26+$0xFFFFFEB0] =	vst v3;
	v1 =	vadd.f32 v1, v44  }
0x3bf: {  	v61 =	vld [tilespmem:s26+$0x60];
	v2 =	vadd.f32 v2, v43;
	[tilespmem:s26+$0xFFFFFF30] =	vst v5  }
0x3c0: {  	v3 =	vld [tilespmem:s10+$0xFFFFFCD0];
	[tilespmem:s26+$0x30] =	vst v1;
	v1 =	vadd.f32 v40, v45  }
0x3c1: {  	v5 =	vld [tilespmem:s10+$0xFFFFFD50];
	[tilespmem:s26+$0xFFFFFFB0] =	vst v2  }
0x3c2: {  	v2 =	vadd.f32 v8, v7;
	v7 =	vld [tilespmem:s10+$0xFFFFFDD0];
	[tilespmem:s26+$0x130] =	vst v1;
	v6 =	vadd.f32 v46, v6  }
0x3c3: {  	v1 =	vld [tilespmem:s10+$0xFFFFFF50]  }
0x3c4: {  	[tilespmem:s26+$0xFFFFFE40] =	vst v6;
	v6 =	vld [tilespmem:s26+$0x140]  }
0x3c5: {  	v62 =	vld [tilespmem:s26+$0xE0];
	v3 =	vadd.f32 v3, v47  }
0x3c6: {  	v8 =	vld [tilespmem:s10+$0xFFFFFE50];
	[tilespmem:s26+$0xB0] =	vst v2  }
0x3c7: {  	v2 =	vld [tilespmem:s10+$0xFFFFFED0];
	[tilespmem:s26+$0xFFFFFEC0] =	vst v3  }
0x3c8: {  	v5 =	vadd.f32 v5, v48;
	v3 =	vadd.f32 v7, v49;
	v7 =	vld [tilespmem:s10+$0xFFFFFCE0]  }
0x3c9: {  	v1 =	vadd.f32 v1, v6;
	v6 =	vld [tilespmem:s26+$0xFFFFFED0]  }
0x3ca: {  	v52 =	vld [tilespmem:s10+$0xFFFFFC60];
	[tilespmem:s26+$0xFFFFFF40] =	vst v5  }
0x3cb: {  	v5 =	vadd.f32 v8, v50;
	v8 =	vld [tilespmem:s10+$0xFFFFFD60];
	[tilespmem:s26+$0xFFFFFFC0] =	vst v3  }
0x3cc: {  	v3 =	vld [tilespmem:s10+$0xFFFFFDE0];
	[tilespmem:s26+$0x140] =	vst v1  }
0x3cd: {  	v2 =	vadd.f32 v2, v51;
	v1 =	vld [tilespmem:s10+$0xFFFFFF60]  }
0x3ce: {  	[tilespmem:s26+$0x40] =	vst v5;
	v6 =	vadd.f32 v7, v6;
	v7 =	vld [tilespmem:s26+$0x150]  }
0x3cf: {  	v5 =	vld [tilespmem:s10+$0xFFFFFE60];
	[tilespmem:s26+$0xC0] =	vst v2;
	v9 =	vadd.f32 v52, v53  }
0x3d0: {  	v2 =	vld [tilespmem:s10+$0xFFFFFEE0];
	v8 =	vadd.f32 v8, v54  }
0x3d1: {  	v0 =	vld [tilespmem:s26+$0x1F0];
	[tilespmem:s26+$0xFFFFFE50] =	vst v9  }
0x3d2: {  	v9 =	vld [tilespmem:s10+$0xFFFFFC70];
	v3 =	vadd.f32 v3, v55;
	[tilespmem:s26+$0xFFFFFF50] =	vst v8  }
0x3d3: {  	v8 =	vld [tilespmem:s10+$0xFFFFFD70];
	[tilespmem:s26+$0xFFFFFED0] =	vst v6;
	v1 =	vadd.f32 v1, v7  }
0x3d4: {  	v5 =	vadd.f32 v5, v56;
	[tilespmem:s26+$0xFFFFFFD0] =	vst v3;
	v6 =	vld [tilespmem:s10+$0xFFFFFCF0]  }
0x3d5: {  	v2 =	vadd.f32 v2, v57;
	[tilespmem:s26+$0x150] =	vst v1;
	v1 =	vld [tilespmem:s26+$0xFFFFFEE0]  }
0x3d6: {  	v3 =	vld [tilespmem:s10+$0xFFFFFDF0];
	[tilespmem:s26+$0x50] =	vst v5  }
0x3d7: {  	v5 =	vld [tilespmem:s10+$0xFFFFFE70];
	[tilespmem:s26+$0xD0] =	vst v2  }
0x3d8: {  	v2 =	vld [tilespmem:s10+$0xFFFFFEF0]  }
0x3d9: {  	v9 =	vadd.f32 v9, v58;
	v7 =	vld [tilespmem:s10+$0xFFFFFF70]  }
0x3da: {  	v8 =	vadd.f32 v8, v59;
	v1 =	vadd.f32 v6, v1;
	v6 =	vld [tilespmem:s26+$0x160]  }
0x3db: {  	v4 =	vld [tilespmem:s10+$0x0];
	[tilespmem:s26+$0xFFFFFE60] =	vst v9;
	v12 =	vadd.f32 v3, v60  }
0x3dc: {  	v63 =	vld [tilespmem:s26+$0xFFFFFE70];
	[tilespmem:s26+$0xFFFFFF60] =	vst v8;
	v5 =	vadd.f32 v5, v61  }
0x3dd: {  	v9 =	vld [tilespmem:s10+$0xFFFFFC80];
	[tilespmem:s26+$0xFFFFFFE0] =	vst v12  }
0x3de: {  	v8 =	vadd.f32 v2, v62;
	v2 =	vld [tilespmem:s10+$0xFFFFFE00];
	[tilespmem:s26+$0x60] =	vst v5  }
0x3df: {  	[tilespmem:s26+$0xFFFFFEE0] =	vst v1;
	v1 =	vld [tilespmem:s10+$0xFFFFFD80];
	v5 =	vadd.f32 v7, v6  }
0x3e0: {  	[tilespmem:s26+$0xE0] =	vst v8;
	v3 =	vld [tilespmem:s10+$0xFFFFFD00];
	v6 =	vadd.f32 v4, v0  }
0x3e1: {  	v0 =	vld [tilespmem:s10+$0xFFFFFE80];
	[tilespmem:s26+$0x160] =	vst v5  }
0x3e2: {  	s29 =	sadd.s32 $0x180, s23;
	s14 =	sadd.s32 $0x8, s31;
	v4 =	vld [tilespmem:s10+$0xFFFFFF00];
	[tilespmem:s26+$0x1F0] =	vst v6;
	v6 =	vadd.f32 v9, v63  }
0x3e3: {  	s12 =	simm.s32 $0x0;
	s11 =	simm.s32 $0x14200;
	v5 =	vld [tilespmem:s10+$0xFFFFFF80];
	s10 =	smov.u32 s7  }
.LBB2_9:
0x3e4: {  	s28 =	smulhi.u32 $0x51EB851F, s14;
	s12 =	sadd.s32 $0x8, s12;
	[tilespmem:s26+$0xFFFFFE70] =	vst v6;
	v6 =	vld [tilespmem:s26+$0xFFFFFEF0]  }
0x3e5: {  	p1 =	slt.u32 s12, $0x78;
	v7 =	vld [tilespmem:s26+$0xFFFFFF70]  }
0x3e6: {  	s28 =	sshrl.u32 s28, $0x6;
	v8 =	vld [tilespmem:s26+$0xFFFFFFF0]  }
0x3e7: {  	s28 =	smul.u32 $0xFFFE7000, s28;
	v9 =	vld [tilespmem:s26+$0x70]  }
0x3e8: {  	v10 =	vld [tilespmem:s26+$0xF0]  }
0x3e9: {  	s10 =	sadd.s32 $0x400, s10;
	s26 =	sadd.s32 $0x400, s26;
	s28 =	sshra.s32 s28, $0x2;
	v3 =	vadd.f32 v3, v6;
	v6 =	vld [tilespmem:s11+$0x170]  }
0x3ea: {  	s28 =	sadd.s32 s28, s10;
	v11 =	vld [tilespmem:s26+$0x180];
	v1 =	vadd.f32 v1, v7  }
0x3eb: {  	v7 =	vld [tilespmem:s28+$0xFFFFFF90];
	[tilespmem:s11+$0xFFFFFEF0] =	vst v3;
	v2 =	vadd.f32 v2, v8  }
0x3ec: {  	v3 =	vld [tilespmem:s28+$0xFFFFFC10];
	[tilespmem:s11+$0xFFFFFF70] =	vst v1;
	v0 =	vadd.f32 v0, v9  }
0x3ed: {  	v1 =	vld [tilespmem:s28+$0xFFFFFC90];
	[tilespmem:s11+$0xFFFFFFF0] =	vst v2;
	v2 =	vadd.f32 v4, v10  }
0x3ee: {  	v4 =	vld [tilespmem:s28+$0xFFFFFD10];
	[tilespmem:s11+$0x70] =	vst v0;
	v0 =	vadd.f32 v5, v6  }
0x3ef: {  	v5 =	vld [tilespmem:s28+$0xFFFFFD90];
	[tilespmem:s11+$0xF0] =	vst v2  }
0x3f0: {  	v2 =	vld [tilespmem:s28+$0xFFFFFE10];
	v6 =	vadd.f32 v7, v11;
	[tilespmem:s11+$0x170] =	vst v0;
	s11 =	smov.u32 s26  }
0x3f1: {  	v0 =	vld [tilespmem:s28+$0xFFFFFE90]  }
0x3f2: {  	[tilespmem:s26+$0x180] =	vst v6;
	v6 =	vld [tilespmem:s26+$0x190]  }
0x3f3: {  	v7 =	vld [tilespmem:s28+$0xFFFFFFA0]  }
0x3f4: {  	v8 =	vld [tilespmem:s28+$0xFFFFFF10]  }
0x3f5: {  	v9 =	vld [tilespmem:s26+$0xFFFFFE00]  }
0x3f6: {  	v10 =	vld [tilespmem:s26+$0xFFFFFE80]  }
0x3f7: {  	v11 =	vld [tilespmem:s26+$0xFFFFFF00]  }
0x3f8: {  	v12 =	vld [tilespmem:s26+$0xFFFFFF80];
	v6 =	vadd.f32 v7, v6  }
0x3f9: {  	v7 =	vld [tilespmem:s26+$0x0]  }
0x3fa: {  	v3 =	vadd.f32 v3, v9;
	[tilespmem:s26+$0x190] =	vst v6;
	v6 =	vld [tilespmem:s26+$0x1A0]  }
0x3fb: {  	v1 =	vadd.f32 v1, v10;
	v9 =	vld [tilespmem:s28+$0xFFFFFFB0]  }
0x3fc: {  	[tilespmem:s26+$0xFFFFFE00] =	vst v3;
	v3 =	vadd.f32 v4, v11;
	v4 =	vld [tilespmem:s26+$0x80]  }
0x3fd: {  	[tilespmem:s26+$0xFFFFFE80] =	vst v1;
	v1 =	vadd.f32 v5, v12;
	v5 =	vld [tilespmem:s26+$0x100]  }
0x3fe: {  	v10 =	vld [tilespmem:s28+$0xFFFFFC20];
	[tilespmem:s26+$0xFFFFFF00] =	vst v3;
	v2 =	vadd.f32 v2, v7  }
0x3ff: {  	v3 =	vld [tilespmem:s28+$0xFFFFFCA0];
	[tilespmem:s26+$0xFFFFFF80] =	vst v1  }
0x400: {  	v1 =	vld [tilespmem:s28+$0xFFFFFD20];
	[tilespmem:s26+$0x0] =	vst v2;
	v2 =	vadd.f32 v9, v6  }
0x401: {  	v6 =	vld [tilespmem:s28+$0xFFFFFDA0];
	v0 =	vadd.f32 v0, v4  }
0x402: {  	v4 =	vadd.f32 v8, v5;
	[tilespmem:s26+$0x1A0] =	vst v2;
	v2 =	vld [tilespmem:s26+$0x1B0]  }
0x403: {  	[tilespmem:s26+$0x80] =	vst v0;
	v0 =	vld [tilespmem:s28+$0xFFFFFFC0]  }
0x404: {  	v5 =	vld [tilespmem:s28+$0xFFFFFE20];
	[tilespmem:s26+$0x100] =	vst v4  }
0x405: {  	v4 =	vld [tilespmem:s28+$0xFFFFFEA0]  }
0x406: {  	v7 =	vld [tilespmem:s28+$0xFFFFFF20]  }
0x407: {  	v8 =	vld [tilespmem:s26+$0xFFFFFE10]  }
0x408: {  	v9 =	vld [tilespmem:s26+$0xFFFFFE90];
	v0 =	vadd.f32 v0, v2  }
0x409: {  	v2 =	vld [tilespmem:s26+$0xFFFFFF10]  }
0x40a: {  	[tilespmem:s26+$0x1B0] =	vst v0;
	v0 =	vld [tilespmem:s26+$0x1C0]  }
0x40b: {  	v11 =	vld [tilespmem:s28+$0xFFFFFFD0]  }
0x40c: {  	v8 =	vadd.f32 v10, v8;
	v10 =	vld [tilespmem:s26+$0xFFFFFF90]  }
0x40d: {  	v3 =	vadd.f32 v3, v9;
	v9 =	vld [tilespmem:s26+$0x10]  }
0x40e: {  	[tilespmem:s26+$0xFFFFFE10] =	vst v8;
	v1 =	vadd.f32 v1, v2;
	v2 =	vld [tilespmem:s26+$0x90]  }
0x40f: {  	[tilespmem:s26+$0xFFFFFE90] =	vst v3;
	v3 =	vld [tilespmem:s26+$0x110]  }
0x410: {  	v8 =	vld [tilespmem:s28+$0xFFFFFC30];
	[tilespmem:s26+$0xFFFFFF10] =	vst v1;
	v0 =	vadd.f32 v11, v0  }
0x411: {  	v1 =	vld [tilespmem:s28+$0xFFFFFCB0];
	v6 =	vadd.f32 v6, v10  }
0x412: {  	v5 =	vadd.f32 v5, v9;
	[tilespmem:s26+$0x1C0] =	vst v0;
	v0 =	vld [tilespmem:s26+$0x1D0]  }
0x413: {  	[tilespmem:s26+$0xFFFFFF90] =	vst v6;
	v2 =	vadd.f32 v4, v2;
	v4 =	vld [tilespmem:s28+$0xFFFFFFE0]  }
0x414: {  	v6 =	vld [tilespmem:s28+$0xFFFFFD30];
	[tilespmem:s26+$0x10] =	vst v5;
	v3 =	vadd.f32 v7, v3  }
0x415: {  	v5 =	vld [tilespmem:s28+$0xFFFFFDB0];
	[tilespmem:s26+$0x90] =	vst v2  }
0x416: {  	v2 =	vld [tilespmem:s28+$0xFFFFFE30];
	[tilespmem:s26+$0x110] =	vst v3  }
0x417: {  	v3 =	vld [tilespmem:s28+$0xFFFFFEB0]  }
0x418: {  	v7 =	vld [tilespmem:s28+$0xFFFFFF30];
	v0 =	vadd.f32 v4, v0  }
0x419: {  	v4 =	vld [tilespmem:s26+$0xFFFFFE20]  }
0x41a: {  	[tilespmem:s26+$0x1D0] =	vst v0;
	v0 =	vld [tilespmem:s26+$0x1E0]  }
0x41b: {  	v9 =	vld [tilespmem:s28+$0xFFFFFFF0]  }
0x41c: {  	v10 =	vld [tilespmem:s26+$0xFFFFFEA0]  }
0x41d: {  	v11 =	vld [tilespmem:s26+$0xFFFFFF20]  }
0x41e: {  	v4 =	vadd.f32 v8, v4;
	v8 =	vld [tilespmem:s26+$0xFFFFFFA0]  }
0x41f: {  	v12 =	vld [tilespmem:s26+$0x20]  }
0x420: {  	[tilespmem:s26+$0xFFFFFE20] =	vst v4;
	v4 =	vld [tilespmem:s26+$0xA0];
	v0 =	vadd.f32 v9, v0  }
0x421: {  	v1 =	vadd.f32 v1, v10;
	v9 =	vld [tilespmem:s26+$0x120]  }
0x422: {  	v6 =	vadd.f32 v6, v11;
	[tilespmem:s26+$0x1E0] =	vst v0;
	v0 =	vld [tilespmem:s26+$0x1F0]  }
0x423: {  	[tilespmem:s26+$0xFFFFFEA0] =	vst v1;
	v1 =	vadd.f32 v5, v8;
	v5 =	vld [tilespmem:s28+$0x0]  }
0x424: {  	v8 =	vld [tilespmem:s28+$0xFFFFFC40];
	[tilespmem:s26+$0xFFFFFF20] =	vst v6;
	v2 =	vadd.f32 v2, v12  }
0x425: {  	v6 =	vld [tilespmem:s28+$0xFFFFFCC0];
	[tilespmem:s26+$0xFFFFFFA0] =	vst v1;
	v1 =	vadd.f32 v3, v4  }
0x426: {  	v3 =	vld [tilespmem:s28+$0xFFFFFD40];
	[tilespmem:s26+$0x20] =	vst v2;
	v2 =	vadd.f32 v7, v9  }
0x427: {  	v4 =	vld [tilespmem:s28+$0xFFFFFDC0];
	[tilespmem:s26+$0xA0] =	vst v1  }
0x428: {  	v1 =	vld [tilespmem:s28+$0xFFFFFE40];
	[tilespmem:s26+$0x120] =	vst v2;
	v0 =	vadd.f32 v5, v0  }
0x429: {  	v2 =	vld [tilespmem:s28+$0xFFFFFEC0]  }
0x42a: {  	v5 =	vld [tilespmem:s28+$0xFFFFFF40];
	[tilespmem:s26+$0x1F0] =	vst v0  }
0x42b: {  	v0 =	vld [tilespmem:s26+$0xFFFFFE30]  }
0x42c: {  	v7 =	vld [tilespmem:s26+$0xFFFFFEB0]  }
0x42d: {  	v9 =	vld [tilespmem:s26+$0xFFFFFF30]  }
0x42e: {  	v10 =	vld [tilespmem:s26+$0xFFFFFFB0]  }
0x42f: {  	v11 =	vld [tilespmem:s26+$0x30]  }
0x430: {  	v0 =	vadd.f32 v8, v0;
	v8 =	vld [tilespmem:s26+$0xB0]  }
0x431: {  	v6 =	vadd.f32 v6, v7;
	v7 =	vld [tilespmem:s26+$0x130]  }
0x432: {  	[tilespmem:s26+$0xFFFFFE30] =	vst v0;
	v0 =	vld [tilespmem:s26+$0xFFFFFE40];
	v3 =	vadd.f32 v3, v9  }
0x433: {  	v9 =	vld [tilespmem:s28+$0xFFFFFC50];
	[tilespmem:s26+$0xFFFFFEB0] =	vst v6;
	v4 =	vadd.f32 v4, v10  }
0x434: {  	v6 =	vld [tilespmem:s28+$0xFFFFFCD0];
	[tilespmem:s26+$0xFFFFFF30] =	vst v3;
	v1 =	vadd.f32 v1, v11  }
0x435: {  	v3 =	vld [tilespmem:s28+$0xFFFFFD50];
	[tilespmem:s26+$0xFFFFFFB0] =	vst v4;
	v2 =	vadd.f32 v2, v8  }
0x436: {  	v4 =	vld [tilespmem:s28+$0xFFFFFDD0];
	[tilespmem:s26+$0x30] =	vst v1;
	v1 =	vadd.f32 v5, v7  }
0x437: {  	v5 =	vld [tilespmem:s28+$0xFFFFFE50];
	[tilespmem:s26+$0xB0] =	vst v2  }
0x438: {  	v0 =	vadd.f32 v9, v0;
	v2 =	vld [tilespmem:s28+$0xFFFFFED0];
	[tilespmem:s26+$0x130] =	vst v1  }
0x439: {  	v1 =	vld [tilespmem:s28+$0xFFFFFF50]  }
0x43a: {  	[tilespmem:s26+$0xFFFFFE40] =	vst v0;
	v0 =	vld [tilespmem:s26+$0xFFFFFEC0]  }
0x43b: {  	v7 =	vld [tilespmem:s26+$0xFFFFFF40]  }
0x43c: {  	v8 =	vld [tilespmem:s26+$0xFFFFFFC0]  }
0x43d: {  	v9 =	vld [tilespmem:s26+$0x40]  }
0x43e: {  	v10 =	vld [tilespmem:s26+$0xC0]  }
0x43f: {  	v0 =	vadd.f32 v6, v0;
	v6 =	vld [tilespmem:s26+$0x140]  }
0x440: {  	v11 =	vld [tilespmem:s28+$0xFFFFFC60];
	v3 =	vadd.f32 v3, v7  }
0x441: {  	v7 =	vld [tilespmem:s26+$0xFFFFFE50];
	[tilespmem:s26+$0xFFFFFEC0] =	vst v0;
	v0 =	vadd.f32 v4, v8  }
0x442: {  	v4 =	vld [tilespmem:s28+$0xFFFFFCE0];
	[tilespmem:s26+$0xFFFFFF40] =	vst v3;
	v3 =	vadd.f32 v5, v9  }
0x443: {  	v5 =	vld [tilespmem:s28+$0xFFFFFD60];
	[tilespmem:s26+$0xFFFFFFC0] =	vst v0;
	v0 =	vadd.f32 v2, v10  }
0x444: {  	v2 =	vld [tilespmem:s28+$0xFFFFFDE0];
	[tilespmem:s26+$0x40] =	vst v3;
	v1 =	vadd.f32 v1, v6  }
0x445: {  	v3 =	vld [tilespmem:s28+$0xFFFFFE60];
	[tilespmem:s26+$0xC0] =	vst v0  }
0x446: {  	v0 =	vadd.f32 v11, v7;
	v6 =	vld [tilespmem:s28+$0xFFFFFEE0];
	[tilespmem:s26+$0x140] =	vst v1  }
0x447: {  	v1 =	vld [tilespmem:s28+$0xFFFFFF60]  }
0x448: {  	[tilespmem:s26+$0xFFFFFE50] =	vst v0;
	v0 =	vld [tilespmem:s26+$0xFFFFFED0]  }
0x449: {  	v7 =	vld [tilespmem:s26+$0xFFFFFF50]  }
0x44a: {  	v8 =	vld [tilespmem:s26+$0xFFFFFFD0]  }
0x44b: {  	v9 =	vld [tilespmem:s26+$0x50]  }
0x44c: {  	v10 =	vld [tilespmem:s26+$0xD0]  }
0x44d: {  	v0 =	vadd.f32 v4, v0;
	v4 =	vld [tilespmem:s26+$0x150]  }
0x44e: {  	v11 =	vld [tilespmem:s28+$0xFFFFFC70];
	v5 =	vadd.f32 v5, v7  }
0x44f: {  	v7 =	vld [tilespmem:s26+$0xFFFFFE60];
	[tilespmem:s26+$0xFFFFFED0] =	vst v0;
	v0 =	vadd.f32 v2, v8  }
0x450: {  	v2 =	vld [tilespmem:s28+$0xFFFFFCF0];
	[tilespmem:s26+$0xFFFFFF50] =	vst v5;
	v3 =	vadd.f32 v3, v9  }
0x451: {  	v5 =	vld [tilespmem:s28+$0xFFFFFD70];
	[tilespmem:s26+$0xFFFFFFD0] =	vst v0;
	v0 =	vadd.f32 v6, v10  }
0x452: {  	v6 =	vld [tilespmem:s28+$0xFFFFFDF0];
	[tilespmem:s26+$0x50] =	vst v3;
	v1 =	vadd.f32 v1, v4  }
0x453: {  	v4 =	vld [tilespmem:s28+$0xFFFFFE70];
	[tilespmem:s26+$0xD0] =	vst v0  }
0x454: {  	v0 =	vadd.f32 v11, v7;
	v7 =	vld [tilespmem:s28+$0xFFFFFEF0];
	[tilespmem:s26+$0x150] =	vst v1  }
0x455: {  	v8 =	vld [tilespmem:s28+$0xFFFFFF70]  }
0x456: {  	[tilespmem:s26+$0xFFFFFE60] =	vst v0;
	v0 =	vld [tilespmem:s26+$0xFFFFFEE0]  }
0x457: {  	v1 =	vld [tilespmem:s26+$0xFFFFFF60]  }
0x458: {  	v3 =	vld [tilespmem:s26+$0xFFFFFFE0]  }
0x459: {  	v9 =	vld [tilespmem:s26+$0x60]  }
0x45a: {  	v10 =	vld [tilespmem:s26+$0xE0]  }
0x45b: {  	v0 =	vadd.f32 v2, v0;
	v11 =	vld [tilespmem:s26+$0x160]  }
0x45c: {  	v12 =	vld [tilespmem:s28+$0xFFFFFC80];
	v1 =	vadd.f32 v5, v1  }
0x45d: {  	v5 =	vld [tilespmem:s26+$0xFFFFFE70];
	[tilespmem:s26+$0xFFFFFEE0] =	vst v0;
	v0 =	vadd.f32 v6, v3  }
0x45e: {  	v3 =	vld [tilespmem:s28+$0xFFFFFD00];
	[tilespmem:s26+$0xFFFFFF60] =	vst v1;
	v4 =	vadd.f32 v4, v9  }
.Ltmp5:
0x45f: {  	v1 =	vld [tilespmem:s28+$0xFFFFFD80];
	[tilespmem:s26+$0xFFFFFFE0] =	vst v0;
	v6 =	vadd.f32 v7, v10;
	(pc) =	sbr.rel @p1 .LBB2_9-.Ltmp5, $4  }
0x460: {  	v2 =	vld [tilespmem:s28+$0xFFFFFE00];
	[tilespmem:s26+$0x60] =	vst v4;
	v7 =	vadd.f32 v8, v11  }
0x461: {  	v0 =	vld [tilespmem:s28+$0xFFFFFE80];
	[tilespmem:s26+$0xE0] =	vst v6  }
0x462: {  	v6 =	vadd.f32 v12, v5;
	v4 =	vld [tilespmem:s28+$0xFFFFFF00];
	[tilespmem:s26+$0x160] =	vst v7  }
0x463: {  	s14 =	sadd.s32 $0x8, s14;
	v5 =	vld [tilespmem:s28+$0xFFFFFF80]  }
0x464: {  	v7 =	vld [tilespmem:s26+$0xFFFFFEF0]  }
0x465: {  	v8 =	vld [tilespmem:s26+$0xFFFFFF70]  }
0x466: {  	v9 =	vld [tilespmem:s26+$0xFFFFFFF0]  }
0x467: {  	v10 =	vld [tilespmem:s26+$0x70]  }
0x468: {  	v11 =	vld [tilespmem:s26+$0xF0]  }
0x469: {  	v3 =	vadd.f32 v3, v7;
	v7 =	vld [tilespmem:s11+$0x170]  }
0x46a: {  	[tilespmem:s26+$0xFFFFFE70] =	vst v6;
	v1 =	vadd.f32 v1, v8  }
0x46b: {  	v2 =	vadd.f32 v2, v9;
	[tilespmem:s11+$0xFFFFFEF0] =	vst v3  }
0x46c: {  	v0 =	vadd.f32 v0, v10;
	[tilespmem:s11+$0xFFFFFF70] =	vst v1  }
0x46d: {  	[tilespmem:s11+$0xFFFFFFF0] =	vst v2;
	v1 =	vadd.f32 v4, v11  }
0x46e: {  	s10 =	sadd.s32 s6, s29;
	[tilespmem:s11+$0x70] =	vst v0;
	v0 =	vadd.f32 v5, v7  }
0x46f: {  	s10 =	sshll.u32 s10, $0x4;
	[tilespmem:s11+$0xF0] =	vst v1  }
0x470: {  	s28 =	simm.s32 $0x14000;
	s10 =	sadd.s32 s3, s10;
	[tilespmem:s11+$0x170] =	vst v0  }
0x471: {  	[hbm4b:s10+s4] =	stream.linear.scatter [tilespmem:s28], [sflag:$0x9], $0x4000, $0x38;
	[tilespmem:$0x1C000] =	vst v63  }
0x472: {  	s14 =	smulhi.u32 $0x51EB851F, s2;
	s10 =	simm.s32 @!p0 $0x7  }
0x473: {  	_ =	swait.ge @!p0 [sflag:s10], $0x4000  }
0x474: {  	s12 =	simm.s32 @!p0 $0xC000;
	s29 =	sshrl.u32 s14, $0x6;
	[sflag:s10] =	ssyncset.done @!p0 $0x0  }
0x475: {  	s11 =	simm.s32 @!p0 $0x80;
	[sflag:s10] =	ssyncadd.s32 @!p0 $0xFFFFC000;
	s10 =	sadd.s32 @!p0 $0x300, s25  }
0x476: {  	[tilespmem:s12], [sflag:$0x2] =	stream.indirect.gather @!p0 [hbm4b:s1+s11], $0x80, s10, s11, $0xb8;
	[tilespmem:$0x1C000] =	vst v63  }
0x477: {  	s10 =	smul.u32 $0xFFFE7000, s29;
	_ =	swait.ge [sflag:s21], $0x4000  }
0x478: {  	[sflag:s21] =	ssyncset.done $0x0  }
0x479: {  	s25 =	simm.s32 $0x18200;
	s10 =	sshra.s32 s10, $0x2;
	[sflag:s21] =	ssyncadd.s32 $0xFFFFC000  }
0x47a: {  	s10 =	sadd.s32 s10, s8;
	v0 =	vld [tilespmem:s25+$0x180]  }
0x47b: {  	v1 =	vld [tilespmem:s10+$0xFFFFFF90]  }
0x47c: {  	v2 =	vld [tilespmem:s10+$0xFFFFFC10]  }
0x47d: {  	v3 =	vld [tilespmem:s10+$0xFFFFFC90]  }
0x47e: {  	v4 =	vld [tilespmem:s10+$0xFFFFFD10]  }
0x47f: {  	v5 =	vld [tilespmem:s10+$0xFFFFFD90]  }
0x480: {  	v6 =	vld [tilespmem:s10+$0xFFFFFE10]  }
0x481: {  	v7 =	vld [tilespmem:s10+$0xFFFFFF10]  }
0x482: {  	v24 =	vld [tilespmem:s25+$0xFFFFFE00]  }
0x483: {  	v25 =	vld [tilespmem:s25+$0xFFFFFE80]  }
0x484: {  	v26 =	vld [tilespmem:s25+$0xFFFFFF00]  }
0x485: {  	v12 =	vld [tilespmem:s25+$0xFFFFFF80]  }
0x486: {  	v13 =	vld [tilespmem:s25+$0x0]  }
0x487: {  	v27 =	vld [tilespmem:s25+$0x100]  }
0x488: {  	v28 =	vld [tilespmem:s25+$0xFFFFFE10]  }
0x489: {  	v29 =	vld [tilespmem:s25+$0xFFFFFE90]  }
0x48a: {  	v30 =	vld [tilespmem:s25+$0xFFFFFF10]  }
0x48b: {  	v31 =	vld [tilespmem:s25+$0xFFFFFF90]  }
0x48c: {  	v32 =	vld [tilespmem:s25+$0x10]  }
0x48d: {  	v33 =	vld [tilespmem:s25+$0x110]  }
0x48e: {  	v34 =	vld [tilespmem:s25+$0xFFFFFE20]  }
0x48f: {  	v35 =	vld [tilespmem:s25+$0xFFFFFEA0]  }
0x490: {  	v36 =	vld [tilespmem:s25+$0xFFFFFF20]  }
0x491: {  	v37 =	vld [tilespmem:s25+$0xFFFFFFA0];
	v0 =	vadd.f32 v1, v0  }
0x492: {  	v38 =	vld [tilespmem:s25+$0x20]  }
0x493: {  	[tilespmem:s25+$0x180] =	vst v0;
	v0 =	vld [tilespmem:s25+$0x190]  }
0x494: {  	v1 =	vld [tilespmem:s10+$0xFFFFFFA0]  }
0x495: {  	v39 =	vld [tilespmem:s25+$0x120]  }
0x496: {  	v41 =	vld [tilespmem:s25+$0xFFFFFEB0]  }
0x497: {  	v42 =	vld [tilespmem:s25+$0xFFFFFF30]  }
0x498: {  	v43 =	vld [tilespmem:s25+$0xFFFFFFB0]  }
0x499: {  	v44 =	vld [tilespmem:s25+$0x30];
	v0 =	vadd.f32 v1, v0  }
0x49a: {  	v45 =	vld [tilespmem:s25+$0x130]  }
0x49b: {  	[tilespmem:s25+$0x190] =	vst v0;
	v0 =	vld [tilespmem:s25+$0x1A0]  }
0x49c: {  	v8 =	vld [tilespmem:s10+$0xFFFFFFB0]  }
0x49d: {  	v47 =	vld [tilespmem:s25+$0xFFFFFEC0]  }
0x49e: {  	v48 =	vld [tilespmem:s25+$0xFFFFFF40]  }
0x49f: {  	v49 =	vld [tilespmem:s25+$0xFFFFFFC0]  }
0x4a0: {  	v50 =	vld [tilespmem:s25+$0x40]  }
0x4a1: {  	v51 =	vld [tilespmem:s25+$0xC0];
	v0 =	vadd.f32 v8, v0  }
0x4a2: {  	v53 =	vld [tilespmem:s25+$0xFFFFFE50];
	v2 =	vadd.f32 v2, v24  }
0x4a3: {  	[tilespmem:s25+$0x1A0] =	vst v0;
	v0 =	vadd.f32 v3, v25;
	v3 =	vld [tilespmem:s25+$0x1B0]  }
0x4a4: {  	[tilespmem:s25+$0xFFFFFE00] =	vst v2;
	v2 =	vadd.f32 v4, v26;
	v4 =	vld [tilespmem:s10+$0xFFFFFFC0]  }
0x4a5: {  	v54 =	vld [tilespmem:s25+$0xFFFFFF50]  }
0x4a6: {  	v1 =	vld [tilespmem:s10+$0xFFFFFE90]  }
0x4a7: {  	v8 =	vld [tilespmem:s25+$0x80]  }
0x4a8: {  	v55 =	vld [tilespmem:s25+$0xFFFFFFD0]  }
0x4a9: {  	v56 =	vld [tilespmem:s25+$0x50];
	v3 =	vadd.f32 v4, v3  }
0x4aa: {  	v57 =	vld [tilespmem:s25+$0xD0]  }
0x4ab: {  	[tilespmem:s25+$0x1B0] =	vst v3;
	v3 =	vld [tilespmem:s25+$0x1C0]  }
0x4ac: {  	[tilespmem:s25+$0xFFFFFF00] =	vst v2;
	v2 =	vadd.f32 v6, v13;
	v1 =	vadd.f32 v1, v8;
	v8 =	vld [tilespmem:s10+$0xFFFFFFD0]  }
0x4ad: {  	[tilespmem:s25+$0xFFFFFE80] =	vst v0;
	v0 =	vadd.f32 v5, v12;
	v5 =	vld [tilespmem:s10+$0xFFFFFC20]  }
0x4ae: {  	[tilespmem:s25+$0x0] =	vst v2;
	v6 =	vld [tilespmem:s10+$0xFFFFFCA0]  }
0x4af: {  	v58 =	vld [tilespmem:s25+$0xFFFFFE60];
	v7 =	vadd.f32 v7, v27;
	[tilespmem:s25+$0xFFFFFF80] =	vst v0  }
0x4b0: {  	[tilespmem:s25+$0x80] =	vst v1;
	v1 =	vld [tilespmem:s10+$0xFFFFFE20]  }
0x4b1: {  	[tilespmem:s25+$0x100] =	vst v7;
	v2 =	vld [tilespmem:s10+$0xFFFFFDA0];
	v3 =	vadd.f32 v8, v3  }
0x4b2: {  	v7 =	vld [tilespmem:s10+$0xFFFFFF20];
	v5 =	vadd.f32 v5, v28  }
0x4b3: {  	[tilespmem:s25+$0x1C0] =	vst v3;
	v3 =	vadd.f32 v6, v29;
	v6 =	vld [tilespmem:s25+$0x1D0]  }
0x4b4: {  	[tilespmem:s25+$0xFFFFFE10] =	vst v5;
	v5 =	vld [tilespmem:s10+$0xFFFFFFE0]  }
0x4b5: {  	v0 =	vld [tilespmem:s10+$0xFFFFFD20];
	v1 =	vadd.f32 v1, v32  }
0x4b6: {  	v4 =	vld [tilespmem:s10+$0xFFFFFEA0];
	v2 =	vadd.f32 v2, v31  }
0x4b7: {  	[tilespmem:s25+$0x10] =	vst v1;
	v1 =	vadd.f32 v7, v33;
	v8 =	vld [tilespmem:s25+$0x90]  }
0x4b8: {  	v59 =	vld [tilespmem:s25+$0xFFFFFF60];
	[tilespmem:s25+$0xFFFFFF90] =	vst v2  }
0x4b9: {  	v7 =	vld [tilespmem:s10+$0xFFFFFDB0];
	[tilespmem:s25+$0x110] =	vst v1;
	v5 =	vadd.f32 v5, v6  }
0x4ba: {  	v6 =	vld [tilespmem:s10+$0xFFFFFF30]  }
0x4bb: {  	[tilespmem:s25+$0x1D0] =	vst v5;
	v5 =	vld [tilespmem:s25+$0x1E0]  }
0x4bc: {  	v0 =	vadd.f32 v0, v30;
	v2 =	vadd.f32 v4, v8;
	v8 =	vld [tilespmem:s10+$0xFFFFFFF0]  }
0x4bd: {  	[tilespmem:s25+$0xFFFFFE90] =	vst v3;
	v3 =	vld [tilespmem:s10+$0xFFFFFC30]  }
0x4be: {  	[tilespmem:s25+$0xFFFFFF10] =	vst v0;
	v0 =	vld [tilespmem:s10+$0xFFFFFCB0]  }
0x4bf: {  	v4 =	vld [tilespmem:s10+$0xFFFFFD30]  }
0x4c0: {  	[tilespmem:s25+$0x90] =	vst v2;
	v2 =	vld [tilespmem:s10+$0xFFFFFE30];
	v6 =	vadd.f32 v6, v39  }
0x4c1: {  	v1 =	vld [tilespmem:s10+$0xFFFFFEB0];
	v5 =	vadd.f32 v8, v5  }
0x4c2: {  	v3 =	vadd.f32 v3, v34;
	[tilespmem:s25+$0x120] =	vst v6;
	v8 =	vld [tilespmem:s25+$0xA0]  }
0x4c3: {  	v6 =	vld [tilespmem:s25+$0xFFFFFE30];
	[tilespmem:s25+$0x1E0] =	vst v5;
	v5 =	vadd.f32 v0, v35  }
0x4c4: {  	[tilespmem:s25+$0xFFFFFE20] =	vst v3;
	v3 =	vadd.f32 v4, v36;
	v40 =	vld [tilespmem:s10+$0xFFFFFF40]  }
0x4c5: {  	[tilespmem:s25+$0xFFFFFEA0] =	vst v5;
	v5 =	vadd.f32 v7, v37;
	v7 =	vld [tilespmem:s10+$0xFFFFFC40]  }
0x4c6: {  	v2 =	vadd.f32 v2, v38;
	[tilespmem:s25+$0xFFFFFF20] =	vst v3;
	v3 =	vld [tilespmem:s10+$0xFFFFFCC0]  }
0x4c7: {  	v1 =	vadd.f32 v1, v8;
	[tilespmem:s25+$0xFFFFFFA0] =	vst v5;
	v5 =	vld [tilespmem:s10+$0xFFFFFD40]  }
0x4c8: {  	[tilespmem:s25+$0x20] =	vst v2;
	v2 =	vld [tilespmem:s10+$0xFFFFFDC0]  }
0x4c9: {  	[tilespmem:s25+$0xA0] =	vst v1;
	v1 =	vld [tilespmem:s10+$0xFFFFFE40]  }
0x4ca: {  	v8 =	vld [tilespmem:s10+$0xFFFFFEC0];
	v6 =	vadd.f32 v7, v6  }
0x4cb: {  	v7 =	vld [tilespmem:s25+$0xB0]  }
0x4cc: {  	v3 =	vadd.f32 v3, v41;
	[tilespmem:s25+$0xFFFFFE30] =	vst v6;
	v6 =	vld [tilespmem:s25+$0xFFFFFE40]  }
0x4cd: {  	v5 =	vadd.f32 v5, v42;
	v46 =	vld [tilespmem:s10+$0xFFFFFC50]  }
0x4ce: {  	v60 =	vld [tilespmem:s25+$0xFFFFFFE0];
	[tilespmem:s25+$0xFFFFFEB0] =	vst v3;
	v1 =	vadd.f32 v1, v44  }
0x4cf: {  	v61 =	vld [tilespmem:s25+$0x60];
	v2 =	vadd.f32 v2, v43;
	[tilespmem:s25+$0xFFFFFF30] =	vst v5  }
0x4d0: {  	v3 =	vld [tilespmem:s10+$0xFFFFFCD0];
	[tilespmem:s25+$0x30] =	vst v1;
	v1 =	vadd.f32 v40, v45  }
0x4d1: {  	v5 =	vld [tilespmem:s10+$0xFFFFFD50];
	[tilespmem:s25+$0xFFFFFFB0] =	vst v2  }
0x4d2: {  	v2 =	vadd.f32 v8, v7;
	v7 =	vld [tilespmem:s10+$0xFFFFFDD0];
	[tilespmem:s25+$0x130] =	vst v1;
	v6 =	vadd.f32 v46, v6  }
0x4d3: {  	v1 =	vld [tilespmem:s10+$0xFFFFFF50]  }
0x4d4: {  	[tilespmem:s25+$0xFFFFFE40] =	vst v6;
	v6 =	vld [tilespmem:s25+$0x140]  }
0x4d5: {  	v62 =	vld [tilespmem:s25+$0xE0];
	v3 =	vadd.f32 v3, v47  }
0x4d6: {  	v8 =	vld [tilespmem:s10+$0xFFFFFE50];
	[tilespmem:s25+$0xB0] =	vst v2  }
0x4d7: {  	v2 =	vld [tilespmem:s10+$0xFFFFFED0];
	[tilespmem:s25+$0xFFFFFEC0] =	vst v3  }
0x4d8: {  	v5 =	vadd.f32 v5, v48;
	v3 =	vadd.f32 v7, v49;
	v7 =	vld [tilespmem:s10+$0xFFFFFCE0]  }
0x4d9: {  	v1 =	vadd.f32 v1, v6;
	v6 =	vld [tilespmem:s25+$0xFFFFFED0]  }
0x4da: {  	v52 =	vld [tilespmem:s10+$0xFFFFFC60];
	[tilespmem:s25+$0xFFFFFF40] =	vst v5  }
0x4db: {  	v5 =	vadd.f32 v8, v50;
	v8 =	vld [tilespmem:s10+$0xFFFFFD60];
	[tilespmem:s25+$0xFFFFFFC0] =	vst v3  }
0x4dc: {  	v3 =	vld [tilespmem:s10+$0xFFFFFDE0];
	[tilespmem:s25+$0x140] =	vst v1  }
0x4dd: {  	v2 =	vadd.f32 v2, v51;
	v1 =	vld [tilespmem:s10+$0xFFFFFF60]  }
0x4de: {  	[tilespmem:s25+$0x40] =	vst v5;
	v6 =	vadd.f32 v7, v6;
	v7 =	vld [tilespmem:s25+$0x150]  }
0x4df: {  	v5 =	vld [tilespmem:s10+$0xFFFFFE60];
	[tilespmem:s25+$0xC0] =	vst v2;
	v9 =	vadd.f32 v52, v53  }
0x4e0: {  	v2 =	vld [tilespmem:s10+$0xFFFFFEE0];
	v8 =	vadd.f32 v8, v54  }
0x4e1: {  	v0 =	vld [tilespmem:s25+$0x1F0];
	[tilespmem:s25+$0xFFFFFE50] =	vst v9  }
0x4e2: {  	v9 =	vld [tilespmem:s10+$0xFFFFFC70];
	v3 =	vadd.f32 v3, v55;
	[tilespmem:s25+$0xFFFFFF50] =	vst v8  }
0x4e3: {  	v8 =	vld [tilespmem:s10+$0xFFFFFD70];
	[tilespmem:s25+$0xFFFFFED0] =	vst v6;
	v1 =	vadd.f32 v1, v7  }
0x4e4: {  	v5 =	vadd.f32 v5, v56;
	[tilespmem:s25+$0xFFFFFFD0] =	vst v3;
	v6 =	vld [tilespmem:s10+$0xFFFFFCF0]  }
0x4e5: {  	v2 =	vadd.f32 v2, v57;
	[tilespmem:s25+$0x150] =	vst v1;
	v1 =	vld [tilespmem:s25+$0xFFFFFEE0]  }
0x4e6: {  	v3 =	vld [tilespmem:s10+$0xFFFFFDF0];
	[tilespmem:s25+$0x50] =	vst v5  }
0x4e7: {  	v5 =	vld [tilespmem:s10+$0xFFFFFE70];
	[tilespmem:s25+$0xD0] =	vst v2  }
0x4e8: {  	v2 =	vld [tilespmem:s10+$0xFFFFFEF0]  }
0x4e9: {  	v9 =	vadd.f32 v9, v58;
	v7 =	vld [tilespmem:s10+$0xFFFFFF70]  }
0x4ea: {  	v8 =	vadd.f32 v8, v59;
	v1 =	vadd.f32 v6, v1;
	v6 =	vld [tilespmem:s25+$0x160]  }
0x4eb: {  	v4 =	vld [tilespmem:s10+$0x0];
	[tilespmem:s25+$0xFFFFFE60] =	vst v9;
	v12 =	vadd.f32 v3, v60  }
0x4ec: {  	v63 =	vld [tilespmem:s25+$0xFFFFFE70];
	[tilespmem:s25+$0xFFFFFF60] =	vst v8;
	v5 =	vadd.f32 v5, v61  }
0x4ed: {  	v9 =	vld [tilespmem:s10+$0xFFFFFC80];
	[tilespmem:s25+$0xFFFFFFE0] =	vst v12  }
0x4ee: {  	v8 =	vadd.f32 v2, v62;
	v2 =	vld [tilespmem:s10+$0xFFFFFE00];
	[tilespmem:s25+$0x60] =	vst v5  }
0x4ef: {  	[tilespmem:s25+$0xFFFFFEE0] =	vst v1;
	v1 =	vld [tilespmem:s10+$0xFFFFFD80];
	v5 =	vadd.f32 v7, v6  }
0x4f0: {  	[tilespmem:s25+$0xE0] =	vst v8;
	v3 =	vld [tilespmem:s10+$0xFFFFFD00];
	v6 =	vadd.f32 v4, v0  }
0x4f1: {  	v0 =	vld [tilespmem:s10+$0xFFFFFE80];
	[tilespmem:s25+$0x160] =	vst v5  }
0x4f2: {  	s23 =	sadd.s32 $0x200, s23;
	s14 =	sadd.s32 $0x8, s2;
	v4 =	vld [tilespmem:s10+$0xFFFFFF00];
	[tilespmem:s25+$0x1F0] =	vst v6;
	v6 =	vadd.f32 v9, v63  }
0x4f3: {  	s12 =	simm.s32 $0x0;
	s11 =	simm.s32 $0x18200;
	v5 =	vld [tilespmem:s10+$0xFFFFFF80];
	s10 =	smov.u32 s8  }
.LBB2_11:
0x4f4: {  	s26 =	smulhi.u32 $0x51EB851F, s14;
	s12 =	sadd.s32 $0x8, s12;
	[tilespmem:s25+$0xFFFFFE70] =	vst v6;
	v6 =	vld [tilespmem:s25+$0xFFFFFEF0]  }
0x4f5: {  	p1 =	slt.u32 s12, $0x78;
	v7 =	vld [tilespmem:s25+$0xFFFFFF70]  }
0x4f6: {  	s26 =	sshrl.u32 s26, $0x6;
	v8 =	vld [tilespmem:s25+$0xFFFFFFF0]  }
0x4f7: {  	s26 =	smul.u32 $0xFFFE7000, s26;
	v9 =	vld [tilespmem:s25+$0x70]  }
0x4f8: {  	v10 =	vld [tilespmem:s25+$0xF0]  }
0x4f9: {  	s10 =	sadd.s32 $0x400, s10;
	s25 =	sadd.s32 $0x400, s25;
	s26 =	sshra.s32 s26, $0x2;
	v3 =	vadd.f32 v3, v6;
	v6 =	vld [tilespmem:s11+$0x170]  }
0x4fa: {  	s26 =	sadd.s32 s26, s10;
	v11 =	vld [tilespmem:s25+$0x180];
	v1 =	vadd.f32 v1, v7  }
0x4fb: {  	v7 =	vld [tilespmem:s26+$0xFFFFFF90];
	[tilespmem:s11+$0xFFFFFEF0] =	vst v3;
	v2 =	vadd.f32 v2, v8  }
0x4fc: {  	v3 =	vld [tilespmem:s26+$0xFFFFFC10];
	[tilespmem:s11+$0xFFFFFF70] =	vst v1;
	v0 =	vadd.f32 v0, v9  }
0x4fd: {  	v1 =	vld [tilespmem:s26+$0xFFFFFC90];
	[tilespmem:s11+$0xFFFFFFF0] =	vst v2;
	v2 =	vadd.f32 v4, v10  }
0x4fe: {  	v4 =	vld [tilespmem:s26+$0xFFFFFD10];
	[tilespmem:s11+$0x70] =	vst v0;
	v0 =	vadd.f32 v5, v6  }
0x4ff: {  	v5 =	vld [tilespmem:s26+$0xFFFFFD90];
	[tilespmem:s11+$0xF0] =	vst v2  }
0x500: {  	v2 =	vld [tilespmem:s26+$0xFFFFFE10];
	v6 =	vadd.f32 v7, v11;
	[tilespmem:s11+$0x170] =	vst v0;
	s11 =	smov.u32 s25  }
0x501: {  	v0 =	vld [tilespmem:s26+$0xFFFFFE90]  }
0x502: {  	[tilespmem:s25+$0x180] =	vst v6;
	v6 =	vld [tilespmem:s25+$0x190]  }
0x503: {  	v7 =	vld [tilespmem:s26+$0xFFFFFFA0]  }
0x504: {  	v8 =	vld [tilespmem:s26+$0xFFFFFF10]  }
0x505: {  	v9 =	vld [tilespmem:s25+$0xFFFFFE00]  }
0x506: {  	v10 =	vld [tilespmem:s25+$0xFFFFFE80]  }
0x507: {  	v11 =	vld [tilespmem:s25+$0xFFFFFF00]  }
0x508: {  	v12 =	vld [tilespmem:s25+$0xFFFFFF80];
	v6 =	vadd.f32 v7, v6  }
0x509: {  	v7 =	vld [tilespmem:s25+$0x0]  }
0x50a: {  	v3 =	vadd.f32 v3, v9;
	[tilespmem:s25+$0x190] =	vst v6;
	v6 =	vld [tilespmem:s25+$0x1A0]  }
0x50b: {  	v1 =	vadd.f32 v1, v10;
	v9 =	vld [tilespmem:s26+$0xFFFFFFB0]  }
0x50c: {  	[tilespmem:s25+$0xFFFFFE00] =	vst v3;
	v3 =	vadd.f32 v4, v11;
	v4 =	vld [tilespmem:s25+$0x80]  }
0x50d: {  	[tilespmem:s25+$0xFFFFFE80] =	vst v1;
	v1 =	vadd.f32 v5, v12;
	v5 =	vld [tilespmem:s25+$0x100]  }
0x50e: {  	v10 =	vld [tilespmem:s26+$0xFFFFFC20];
	[tilespmem:s25+$0xFFFFFF00] =	vst v3;
	v2 =	vadd.f32 v2, v7  }
0x50f: {  	v3 =	vld [tilespmem:s26+$0xFFFFFCA0];
	[tilespmem:s25+$0xFFFFFF80] =	vst v1  }
0x510: {  	v1 =	vld [tilespmem:s26+$0xFFFFFD20];
	[tilespmem:s25+$0x0] =	vst v2;
	v2 =	vadd.f32 v9, v6  }
0x511: {  	v6 =	vld [tilespmem:s26+$0xFFFFFDA0];
	v0 =	vadd.f32 v0, v4  }
0x512: {  	v4 =	vadd.f32 v8, v5;
	[tilespmem:s25+$0x1A0] =	vst v2;
	v2 =	vld [tilespmem:s25+$0x1B0]  }
0x513: {  	[tilespmem:s25+$0x80] =	vst v0;
	v0 =	vld [tilespmem:s26+$0xFFFFFFC0]  }
0x514: {  	v5 =	vld [tilespmem:s26+$0xFFFFFE20];
	[tilespmem:s25+$0x100] =	vst v4  }
0x515: {  	v4 =	vld [tilespmem:s26+$0xFFFFFEA0]  }
0x516: {  	v7 =	vld [tilespmem:s26+$0xFFFFFF20]  }
0x517: {  	v8 =	vld [tilespmem:s25+$0xFFFFFE10]  }
0x518: {  	v9 =	vld [tilespmem:s25+$0xFFFFFE90];
	v0 =	vadd.f32 v0, v2  }
0x519: {  	v2 =	vld [tilespmem:s25+$0xFFFFFF10]  }
0x51a: {  	[tilespmem:s25+$0x1B0] =	vst v0;
	v0 =	vld [tilespmem:s25+$0x1C0]  }
0x51b: {  	v11 =	vld [tilespmem:s26+$0xFFFFFFD0]  }
0x51c: {  	v8 =	vadd.f32 v10, v8;
	v10 =	vld [tilespmem:s25+$0xFFFFFF90]  }
0x51d: {  	v3 =	vadd.f32 v3, v9;
	v9 =	vld [tilespmem:s25+$0x10]  }
0x51e: {  	[tilespmem:s25+$0xFFFFFE10] =	vst v8;
	v1 =	vadd.f32 v1, v2;
	v2 =	vld [tilespmem:s25+$0x90]  }
0x51f: {  	[tilespmem:s25+$0xFFFFFE90] =	vst v3;
	v3 =	vld [tilespmem:s25+$0x110]  }
0x520: {  	v8 =	vld [tilespmem:s26+$0xFFFFFC30];
	[tilespmem:s25+$0xFFFFFF10] =	vst v1;
	v0 =	vadd.f32 v11, v0  }
0x521: {  	v1 =	vld [tilespmem:s26+$0xFFFFFCB0];
	v6 =	vadd.f32 v6, v10  }
0x522: {  	v5 =	vadd.f32 v5, v9;
	[tilespmem:s25+$0x1C0] =	vst v0;
	v0 =	vld [tilespmem:s25+$0x1D0]  }
0x523: {  	[tilespmem:s25+$0xFFFFFF90] =	vst v6;
	v2 =	vadd.f32 v4, v2;
	v4 =	vld [tilespmem:s26+$0xFFFFFFE0]  }
0x524: {  	v6 =	vld [tilespmem:s26+$0xFFFFFD30];
	[tilespmem:s25+$0x10] =	vst v5;
	v3 =	vadd.f32 v7, v3  }
0x525: {  	v5 =	vld [tilespmem:s26+$0xFFFFFDB0];
	[tilespmem:s25+$0x90] =	vst v2  }
0x526: {  	v2 =	vld [tilespmem:s26+$0xFFFFFE30];
	[tilespmem:s25+$0x110] =	vst v3  }
0x527: {  	v3 =	vld [tilespmem:s26+$0xFFFFFEB0]  }
0x528: {  	v7 =	vld [tilespmem:s26+$0xFFFFFF30];
	v0 =	vadd.f32 v4, v0  }
0x529: {  	v4 =	vld [tilespmem:s25+$0xFFFFFE20]  }
0x52a: {  	[tilespmem:s25+$0x1D0] =	vst v0;
	v0 =	vld [tilespmem:s25+$0x1E0]  }
0x52b: {  	v9 =	vld [tilespmem:s26+$0xFFFFFFF0]  }
0x52c: {  	v10 =	vld [tilespmem:s25+$0xFFFFFEA0]  }
0x52d: {  	v11 =	vld [tilespmem:s25+$0xFFFFFF20]  }
0x52e: {  	v4 =	vadd.f32 v8, v4;
	v8 =	vld [tilespmem:s25+$0xFFFFFFA0]  }
0x52f: {  	v12 =	vld [tilespmem:s25+$0x20]  }
0x530: {  	[tilespmem:s25+$0xFFFFFE20] =	vst v4;
	v4 =	vld [tilespmem:s25+$0xA0];
	v0 =	vadd.f32 v9, v0  }
0x531: {  	v1 =	vadd.f32 v1, v10;
	v9 =	vld [tilespmem:s25+$0x120]  }
0x532: {  	v6 =	vadd.f32 v6, v11;
	[tilespmem:s25+$0x1E0] =	vst v0;
	v0 =	vld [tilespmem:s25+$0x1F0]  }
0x533: {  	[tilespmem:s25+$0xFFFFFEA0] =	vst v1;
	v1 =	vadd.f32 v5, v8;
	v5 =	vld [tilespmem:s26+$0x0]  }
0x534: {  	v8 =	vld [tilespmem:s26+$0xFFFFFC40];
	[tilespmem:s25+$0xFFFFFF20] =	vst v6;
	v2 =	vadd.f32 v2, v12  }
0x535: {  	v6 =	vld [tilespmem:s26+$0xFFFFFCC0];
	[tilespmem:s25+$0xFFFFFFA0] =	vst v1;
	v1 =	vadd.f32 v3, v4  }
0x536: {  	v3 =	vld [tilespmem:s26+$0xFFFFFD40];
	[tilespmem:s25+$0x20] =	vst v2;
	v2 =	vadd.f32 v7, v9  }
0x537: {  	v4 =	vld [tilespmem:s26+$0xFFFFFDC0];
	[tilespmem:s25+$0xA0] =	vst v1  }
0x538: {  	v1 =	vld [tilespmem:s26+$0xFFFFFE40];
	[tilespmem:s25+$0x120] =	vst v2;
	v0 =	vadd.f32 v5, v0  }
0x539: {  	v2 =	vld [tilespmem:s26+$0xFFFFFEC0]  }
0x53a: {  	v5 =	vld [tilespmem:s26+$0xFFFFFF40];
	[tilespmem:s25+$0x1F0] =	vst v0  }
0x53b: {  	v0 =	vld [tilespmem:s25+$0xFFFFFE30]  }
0x53c: {  	v7 =	vld [tilespmem:s25+$0xFFFFFEB0]  }
0x53d: {  	v9 =	vld [tilespmem:s25+$0xFFFFFF30]  }
0x53e: {  	v10 =	vld [tilespmem:s25+$0xFFFFFFB0]  }
0x53f: {  	v11 =	vld [tilespmem:s25+$0x30]  }
0x540: {  	v0 =	vadd.f32 v8, v0;
	v8 =	vld [tilespmem:s25+$0xB0]  }
0x541: {  	v6 =	vadd.f32 v6, v7;
	v7 =	vld [tilespmem:s25+$0x130]  }
0x542: {  	[tilespmem:s25+$0xFFFFFE30] =	vst v0;
	v0 =	vld [tilespmem:s25+$0xFFFFFE40];
	v3 =	vadd.f32 v3, v9  }
0x543: {  	v9 =	vld [tilespmem:s26+$0xFFFFFC50];
	[tilespmem:s25+$0xFFFFFEB0] =	vst v6;
	v4 =	vadd.f32 v4, v10  }
0x544: {  	v6 =	vld [tilespmem:s26+$0xFFFFFCD0];
	[tilespmem:s25+$0xFFFFFF30] =	vst v3;
	v1 =	vadd.f32 v1, v11  }
0x545: {  	v3 =	vld [tilespmem:s26+$0xFFFFFD50];
	[tilespmem:s25+$0xFFFFFFB0] =	vst v4;
	v2 =	vadd.f32 v2, v8  }
0x546: {  	v4 =	vld [tilespmem:s26+$0xFFFFFDD0];
	[tilespmem:s25+$0x30] =	vst v1;
	v1 =	vadd.f32 v5, v7  }
0x547: {  	v5 =	vld [tilespmem:s26+$0xFFFFFE50];
	[tilespmem:s25+$0xB0] =	vst v2  }
0x548: {  	v0 =	vadd.f32 v9, v0;
	v2 =	vld [tilespmem:s26+$0xFFFFFED0];
	[tilespmem:s25+$0x130] =	vst v1  }
0x549: {  	v1 =	vld [tilespmem:s26+$0xFFFFFF50]  }
0x54a: {  	[tilespmem:s25+$0xFFFFFE40] =	vst v0;
	v0 =	vld [tilespmem:s25+$0xFFFFFEC0]  }
0x54b: {  	v7 =	vld [tilespmem:s25+$0xFFFFFF40]  }
0x54c: {  	v8 =	vld [tilespmem:s25+$0xFFFFFFC0]  }
0x54d: {  	v9 =	vld [tilespmem:s25+$0x40]  }
0x54e: {  	v10 =	vld [tilespmem:s25+$0xC0]  }
0x54f: {  	v0 =	vadd.f32 v6, v0;
	v6 =	vld [tilespmem:s25+$0x140]  }
0x550: {  	v11 =	vld [tilespmem:s26+$0xFFFFFC60];
	v3 =	vadd.f32 v3, v7  }
0x551: {  	v7 =	vld [tilespmem:s25+$0xFFFFFE50];
	[tilespmem:s25+$0xFFFFFEC0] =	vst v0;
	v0 =	vadd.f32 v4, v8  }
0x552: {  	v4 =	vld [tilespmem:s26+$0xFFFFFCE0];
	[tilespmem:s25+$0xFFFFFF40] =	vst v3;
	v3 =	vadd.f32 v5, v9  }
0x553: {  	v5 =	vld [tilespmem:s26+$0xFFFFFD60];
	[tilespmem:s25+$0xFFFFFFC0] =	vst v0;
	v0 =	vadd.f32 v2, v10  }
0x554: {  	v2 =	vld [tilespmem:s26+$0xFFFFFDE0];
	[tilespmem:s25+$0x40] =	vst v3;
	v1 =	vadd.f32 v1, v6  }
0x555: {  	v3 =	vld [tilespmem:s26+$0xFFFFFE60];
	[tilespmem:s25+$0xC0] =	vst v0  }
0x556: {  	v0 =	vadd.f32 v11, v7;
	v6 =	vld [tilespmem:s26+$0xFFFFFEE0];
	[tilespmem:s25+$0x140] =	vst v1  }
0x557: {  	v1 =	vld [tilespmem:s26+$0xFFFFFF60]  }
0x558: {  	[tilespmem:s25+$0xFFFFFE50] =	vst v0;
	v0 =	vld [tilespmem:s25+$0xFFFFFED0]  }
0x559: {  	v7 =	vld [tilespmem:s25+$0xFFFFFF50]  }
0x55a: {  	v8 =	vld [tilespmem:s25+$0xFFFFFFD0]  }
0x55b: {  	v9 =	vld [tilespmem:s25+$0x50]  }
0x55c: {  	v10 =	vld [tilespmem:s25+$0xD0]  }
0x55d: {  	v0 =	vadd.f32 v4, v0;
	v4 =	vld [tilespmem:s25+$0x150]  }
0x55e: {  	v11 =	vld [tilespmem:s26+$0xFFFFFC70];
	v5 =	vadd.f32 v5, v7  }
0x55f: {  	v7 =	vld [tilespmem:s25+$0xFFFFFE60];
	[tilespmem:s25+$0xFFFFFED0] =	vst v0;
	v0 =	vadd.f32 v2, v8  }
0x560: {  	v2 =	vld [tilespmem:s26+$0xFFFFFCF0];
	[tilespmem:s25+$0xFFFFFF50] =	vst v5;
	v3 =	vadd.f32 v3, v9  }
0x561: {  	v5 =	vld [tilespmem:s26+$0xFFFFFD70];
	[tilespmem:s25+$0xFFFFFFD0] =	vst v0;
	v0 =	vadd.f32 v6, v10  }
0x562: {  	v6 =	vld [tilespmem:s26+$0xFFFFFDF0];
	[tilespmem:s25+$0x50] =	vst v3;
	v1 =	vadd.f32 v1, v4  }
0x563: {  	v4 =	vld [tilespmem:s26+$0xFFFFFE70];
	[tilespmem:s25+$0xD0] =	vst v0  }
0x564: {  	v0 =	vadd.f32 v11, v7;
	v7 =	vld [tilespmem:s26+$0xFFFFFEF0];
	[tilespmem:s25+$0x150] =	vst v1  }
0x565: {  	v8 =	vld [tilespmem:s26+$0xFFFFFF70]  }
0x566: {  	[tilespmem:s25+$0xFFFFFE60] =	vst v0;
	v0 =	vld [tilespmem:s25+$0xFFFFFEE0]  }
0x567: {  	v1 =	vld [tilespmem:s25+$0xFFFFFF60]  }
0x568: {  	v3 =	vld [tilespmem:s25+$0xFFFFFFE0]  }
0x569: {  	v9 =	vld [tilespmem:s25+$0x60]  }
0x56a: {  	v10 =	vld [tilespmem:s25+$0xE0]  }
0x56b: {  	v0 =	vadd.f32 v2, v0;
	v11 =	vld [tilespmem:s25+$0x160]  }
0x56c: {  	v12 =	vld [tilespmem:s26+$0xFFFFFC80];
	v1 =	vadd.f32 v5, v1  }
0x56d: {  	v5 =	vld [tilespmem:s25+$0xFFFFFE70];
	[tilespmem:s25+$0xFFFFFEE0] =	vst v0;
	v0 =	vadd.f32 v6, v3  }
0x56e: {  	v3 =	vld [tilespmem:s26+$0xFFFFFD00];
	[tilespmem:s25+$0xFFFFFF60] =	vst v1;
	v4 =	vadd.f32 v4, v9  }
.Ltmp6:
0x56f: {  	v1 =	vld [tilespmem:s26+$0xFFFFFD80];
	[tilespmem:s25+$0xFFFFFFE0] =	vst v0;
	v6 =	vadd.f32 v7, v10;
	(pc) =	sbr.rel @p1 .LBB2_11-.Ltmp6, $4  }
0x570: {  	v2 =	vld [tilespmem:s26+$0xFFFFFE00];
	[tilespmem:s25+$0x60] =	vst v4;
	v7 =	vadd.f32 v8, v11  }
0x571: {  	v0 =	vld [tilespmem:s26+$0xFFFFFE80];
	[tilespmem:s25+$0xE0] =	vst v6  }
0x572: {  	v6 =	vadd.f32 v12, v5;
	v4 =	vld [tilespmem:s26+$0xFFFFFF00];
	[tilespmem:s25+$0x160] =	vst v7  }
0x573: {  	s14 =	sadd.s32 $0x8, s14;
	v5 =	vld [tilespmem:s26+$0xFFFFFF80]  }
0x574: {  	v7 =	vld [tilespmem:s25+$0xFFFFFEF0]  }
0x575: {  	v8 =	vld [tilespmem:s25+$0xFFFFFF70]  }
0x576: {  	v9 =	vld [tilespmem:s25+$0xFFFFFFF0]  }
0x577: {  	v10 =	vld [tilespmem:s25+$0x70]  }
0x578: {  	v11 =	vld [tilespmem:s25+$0xF0]  }
0x579: {  	v61 =	vld [tilespmem:s11+$0x170];
	v3 =	vadd.f32 v3, v7  }
0x57a: {  	[tilespmem:s25+$0xFFFFFE70] =	vst v6;
	v1 =	vadd.f32 v1, v8  }
0x57b: {  	v2 =	vadd.f32 v2, v9;
	[tilespmem:s11+$0xFFFFFEF0] =	vst v3  }
0x57c: {  	v0 =	vadd.f32 v0, v10;
	[tilespmem:s11+$0xFFFFFF70] =	vst v1  }
.Ltmp7:
0x57d: {  	v62 =	vadd.f32 v4, v11;
	[tilespmem:s11+$0xFFFFFFF0] =	vst v2;
	(pc) =	sbr.rel @p0 .LBB2_14-.Ltmp7, $4  }
0x57e: {  	s10 =	sadd.s32 s6, s23;
	v63 =	vadd.f32 v5, v61;
	[tilespmem:s11+$0x70] =	vst v0  }
0x57f: {  	s10 =	sshll.u32 s10, $0x4;
	[tilespmem:s11+$0xF0] =	vst v62  }
0x580: {  	s29 =	simm.s32 $0x18000;
	s10 =	sadd.s32 s3, s10;
	[tilespmem:s11+$0x170] =	vst v63  }
0x581: {  	[hbm4b:s10+s4] =	stream.linear.scatter [tilespmem:s29], [sflag:$0xA], $0x4000, $0x38;
	[tilespmem:$0x1C000] =	vst v63  }
0x582: {  	s10 =	smul.u32 $0xA00, s22  }
0x583: {  	_ =	swait.ge [sflag:s24], $0x4000;
	s11 =	simm.s32 $0x80;
	s22 =	sadd.s32 $0x1, s22  }
0x584: {  	s0 =	sadd.s32 $0x14000, s0;
	s16 =	sadd.s32 $0x280, s16;
	s15 =	sadd.s32 $0x14000, s15  }
.Ltmp8:
0x585: {  	s9 =	sadd.s32 $0x280, s9;
	s5 =	sadd.s32 $0x14000, s5;
	(pc) =	sbr.rel .LBB2_2-.Ltmp8, $4  }
0x586: {  	s30 =	sadd.s32 $0x280, s30;
	s7 =	sadd.s32 $0x14000, s7;
	s31 =	sadd.s32 $0x280, s31  }
0x587: {  	s8 =	sadd.s32 $0x14000, s8;
	[sflag:s24] =	ssyncset.done $0x0;
	s10 =	sshra.s32 s10, $0x2  }
0x588: {  	s2 =	sadd.s32 $0x280, s2;
	[sflag:s24] =	ssyncadd.s32 $0xFFFFC000;
	s10 =	sadd.s32 $0x380, s10  }
0x589: {  	[tilespmem:s13], [sflag:$0x3] =	stream.indirect.gather [hbm4b:s1+s11], $0x80, s10, s11, $0xb8;
	[tilespmem:$0x1C000] =	vst v63  }
.LBB2_15:
0x58a: {  	_ =	sfence.sel $0x180000  }
0x58b: {  	[bflag:$0x0] =	sbarrier.arrive $0xFFFF  }
0x58c: {  	_ =	strace $0x90000047  }
0x58d: {  	s0 =	stileid.u32;
	[bflag:$0x2] =	sbarrier.arrive $0xFFFF  }
0x58e: {  	p0 =	sne.s32 s0, $0x0;
	s0 =	rddreg [dreg:$0x3]  }
0x58f: {  	s0 =	sadd.s32 @!p0 $0x100000, s0  }
0x590: {  	[sflag:s0] =	ssyncadd.tile.s32 @!p0 $0x1;
	_ =	shalt  }
.Lfunc_end2:
_tile_overlayer_lowered:
.L_overlay_start_2:
0x591: {  	(tag) =	ssettag $0x2  }
0x592: {  	s0 =	rddreg [dreg:$0x0];
	s2 =	stileid.u32  }
0x593: {  	s1 =	rddreg [dreg:$0x1];
	p0 =	sne.s32 s2, $0x0  }
0x594: {  	s3 =	rddreg [dreg:$0x2];
	[bflag:$0x3] =	sbarrier.arrive $0xFFFF;
	s2 =	simm.s32 @!p0 $0x1C0C  }
0x595: {  	[timem:s3], [sflag:s2] =	dma.local @!p0 [hbm:s0], s1  }
0x596: {  	s0 =	simm.s32 @!p0 $0xC  }
0x597: {  	_ =	swait.ge @!p0 [sflag:s0], s1  }
0x598: {  	s1 =	ssub.s32 @!p0 $0x0, s1;
	[sflag:s0] =	ssyncset.done @!p0 $0x0  }
0x599: {  	[sflag:s0] =	ssyncadd.s32 @!p0 s1  }
0x59a: {  	[bflag:$0x3] =	sbarrier.arrive $0xFFFF  }
0x59b: {  	_ =	shalt  }

</sc_bundles>
